<compile_context>
chip_gen: v7x
topology: tpu7x:2x2x1
jax: 0.10.2.dev20260603
libtpu: 0.0.44.dev20260713+nightly
codegen_flags: <defaults>
</compile_context>

<pallas_src>
import functools

import jax
import jax.numpy as jnp
from jax import lax
from jax.experimental import pallas as pl
from jax.experimental.pallas import tpu as pltpu
from jax.experimental.pallas import tpu_sc as plsc

_NC = 2
_NS = 16
_NW = _NC * _NS
_LANES = 16
_C = 4
_SETS = 4


def kernel(x, emb_table):
    B, T, D = x.shape
    rows_per_w = T // _NW
    n_chunks = rows_per_w // _C
    nv = _C * D // _LANES
    npb = D // _LANES

    x_flat = x.reshape(B * T, D)
    emb_flat = emb_table[:T]

    mesh = plsc.VectorSubcoreMesh(core_axis_name="c", subcore_axis_name="s")

    @functools.partial(
        pl.kernel,
        out_type=jax.ShapeDtypeStruct((B * T, D), jnp.float32),
        mesh=mesh,
        scratch_types=(
            [pltpu.VMEM((_C, D), jnp.float32)] * (_SETS * (B + 1))
            + [pltpu.SemaphoreType.DMA] * (2 * _SETS)
        ),
    )
    def sc_add(x_hbm, emb_hbm, out_hbm, *scr):
        nb = _SETS * (B + 1)
        ebuf = [scr[s * (B + 1)] for s in range(_SETS)]
        xbuf = [scr[s * (B + 1) + 1 : (s + 1) * (B + 1)] for s in range(_SETS)]
        sem_in = list(scr[nb : nb + _SETS])
        sem_out = list(scr[nb + _SETS : nb + 2 * _SETS])

        wid = lax.axis_index("s") * _NC + lax.axis_index("c")
        t0 = wid * rows_per_w

        def e_copy(tc, p):
            row = t0 + tc * _C
            return pltpu.make_async_copy(
                emb_hbm.at[pl.ds(row, _C)], ebuf[p], sem_in[p]
            )

        def x_copy(tc, p, b):
            row = t0 + tc * _C
            return pltpu.make_async_copy(
                x_hbm.at[pl.ds(b * T + row, _C)], xbuf[p][b], sem_in[p]
            )

        def o_copy(tc, p, b):
            row = t0 + tc * _C
            return pltpu.make_async_copy(
                xbuf[p][b], out_hbm.at[pl.ds(b * T + row, _C)], sem_out[p]
            )

        def issue_in(tc, p):
            e_copy(tc, p).start()
            for b in range(B):
                x_copy(tc, p, b).start()

        def wait_in(tc, p):
            e_copy(tc, p).wait()
            for b in range(B):
                x_copy(tc, p, b).wait()

        def compute_b(p, b):
            eb = ebuf[p]
            xb = xbuf[p][b]

            @plsc.parallel_loop(0, nv, unroll=8)
            def _(i):
                r = i // npb
                c = (i % npb) * _LANES
                plsc.addupdate(xb.at[r, pl.ds(c, _LANES)], eb[r, pl.ds(c, _LANES)])

        issue_in(0, 0)
        issue_in(1, 1)

        def outer(k, carry):
            for par in range(_SETS):
                tc = _SETS * k + par

                @pl.when(tc + 2 < n_chunks)
                def _():
                    nxt = (par + 2) % _SETS

                    @pl.when(tc >= 2)
                    def _():
                        for b in range(B):
                            o_copy(tc - 2, nxt, b).wait()

                    issue_in(tc + 2, nxt)

                wait_in(tc, par)
                for b in range(B):
                    compute_b(par, b)
                    o_copy(tc, par, b).start()
            return carry

        lax.fori_loop(0, n_chunks // _SETS, outer, 0)
        for tc in range(n_chunks - 4, n_chunks):
            for b in range(B):
                o_copy(tc, tc % _SETS, b).wait()

    out = sc_add(x_flat, emb_flat)
    return out.reshape(B, T, D)

# --- scband reference (transcript-rebuilt; emitter-appended) ---
"""Pipeline reference for scband-learned-positional-encoding-65687229825770 (READ-ONLY COPY).

The authoritative reference and input builder live on the scoring server;
editing this copy changes nothing except your own understanding.
"""

import jax, jax.numpy as jnp
import numpy as np

MAX_SEQ_LEN = 8192
D_MODEL = 1024
B, T = 4, 8192

def setup_inputs(seed: int = 0) -> dict:
    key = jax.random.key(seed)
    k1, k2 = jax.random.split(key)
    x = jax.random.normal(k1, (B, T, D_MODEL), dtype=jnp.float32)
    # learned positional embedding table, matches nn.Embedding default init N(0,1)
    emb_table = jax.random.normal(k2, (MAX_SEQ_LEN, D_MODEL), dtype=jnp.float32)
    return {"x": x, "emb_table": emb_table}

def reference(x, emb_table):
    # x: (B, T, d_model)
    T_ = x.shape[1]
    positions = jnp.arange(T_)
    pos_emb = jnp.take(emb_table, positions, axis=0)  # (T, d_model) gather
    return x + pos_emb[None, :, :]

if __name__ == "__main__":
    import jax
    _d = setup_inputs()
    print(jax.jit(kernel)(*tuple(_d.values())))

</pallas_src>

<mosaic_0001>
#map = affine_map<(d0, d1) -> (0, 0)>
module attributes {stable_mosaic.version = 14 : i64} {
  func.func @sc_add(%arg0: i32, %arg1: i32, %arg2: memref<32768x1024xf32, #tpu.memory_space<hbm>>, %arg3: memref<8192x1024xf32, #tpu.memory_space<hbm>>, %arg4: memref<32768x1024xf32, #tpu.memory_space<hbm>>, %arg5: memref<4x1024xf32, #tpu.memory_space<vmem>>, %arg6: memref<4x1024xf32, #tpu.memory_space<vmem>>, %arg7: memref<4x1024xf32, #tpu.memory_space<vmem>>, %arg8: memref<4x1024xf32, #tpu.memory_space<vmem>>, %arg9: memref<4x1024xf32, #tpu.memory_space<vmem>>, %arg10: memref<4x1024xf32, #tpu.memory_space<vmem>>, %arg11: memref<4x1024xf32, #tpu.memory_space<vmem>>, %arg12: memref<4x1024xf32, #tpu.memory_space<vmem>>, %arg13: memref<4x1024xf32, #tpu.memory_space<vmem>>, %arg14: memref<4x1024xf32, #tpu.memory_space<vmem>>, %arg15: memref<4x1024xf32, #tpu.memory_space<vmem>>, %arg16: memref<4x1024xf32, #tpu.memory_space<vmem>>, %arg17: memref<4x1024xf32, #tpu.memory_space<vmem>>, %arg18: memref<4x1024xf32, #tpu.memory_space<vmem>>, %arg19: memref<4x1024xf32, #tpu.memory_space<vmem>>, %arg20: memref<4x1024xf32, #tpu.memory_space<vmem>>, %arg21: memref<4x1024xf32, #tpu.memory_space<vmem>>, %arg22: memref<4x1024xf32, #tpu.memory_space<vmem>>, %arg23: memref<4x1024xf32, #tpu.memory_space<vmem>>, %arg24: memref<4x1024xf32, #tpu.memory_space<vmem>>, %arg25: memref<!tpu.dma_semaphore, #tpu.memory_space<semaphore_mem>>, %arg26: memref<!tpu.dma_semaphore, #tpu.memory_space<semaphore_mem>>, %arg27: memref<!tpu.dma_semaphore, #tpu.memory_space<semaphore_mem>>, %arg28: memref<!tpu.dma_semaphore, #tpu.memory_space<semaphore_mem>>, %arg29: memref<!tpu.dma_semaphore, #tpu.memory_space<semaphore_mem>>, %arg30: memref<!tpu.dma_semaphore, #tpu.memory_space<semaphore_mem>>, %arg31: memref<!tpu.dma_semaphore, #tpu.memory_space<semaphore_mem>>, %arg32: memref<!tpu.dma_semaphore, #tpu.memory_space<semaphore_mem>>) attributes {dimension_semantics = [#tpu.dimension_semantics<core_parallel>, #tpu.dimension_semantics<subcore_parallel>], iteration_bounds = array<i64: 2, 16>, scalar_prefetch = 0 : i64, scratch_operands = 28 : i64, tpu.core_type = #tpu.core_type<sc_vector_subcore>, window_params = [{transform_indices = #map}, {transform_indices = #map}, {transform_indices = #map}]} {
    %mul3A = arith.constant 2 : i32
    %mul3A_0 = arith.muli %arg1, %mul3A : i32
    %add3A = arith.addi %mul3A_0, %arg0 : i32
    %mul3A_1 = arith.constant 256 : i32
    %mul3A_2 = arith.muli %add3A, %mul3A_1 : i32
    %add3A_3 = arith.constant 0 : i32
    %add3A_4 = arith.addi %mul3A_2, %add3A_3 : i32
    %dma_start3A = arith.constant 0 : i32
    %dma_start3A_5 = tpu.memref_slice %arg3[%add3A_4, %dma_start3A] : memref<8192x1024xf32, #tpu.memory_space<hbm>> -> memref<4x1024xf32, #tpu.memory_space<hbm>>
    %dma_start3A_6 = arith.constant 0 : i32
    %dma_start3A_7 = tpu.memref_slice %arg3[%add3A_4, %dma_start3A_6] : memref<8192x1024xf32, #tpu.memory_space<hbm>> -> memref<4x1024xf32, #tpu.memory_space<hbm>>
    tpu.enqueue_dma source(%dma_start3A_7 : memref<4x1024xf32, #tpu.memory_space<hbm>>) target(%arg5 : memref<4x1024xf32, #tpu.memory_space<vmem>>) target_semaphore(%arg25 : memref<!tpu.dma_semaphore, #tpu.memory_space<semaphore_mem>>)
    %add3A_8 = arith.constant 0 : i32
    %add3A_9 = arith.addi %mul3A_2, %add3A_8 : i32
    %add3A_10 = arith.constant 0 : i32
    %add3A_11 = arith.addi %add3A_10, %add3A_9 : i32
    %dma_start3A_12 = arith.constant 0 : i32
    %dma_start3A_13 = tpu.memref_slice %arg2[%add3A_11, %dma_start3A_12] : memref<32768x1024xf32, #tpu.memory_space<hbm>> -> memref<4x1024xf32, #tpu.memory_space<hbm>>
    %dma_start3A_14 = arith.constant 0 : i32
    %dma_start3A_15 = tpu.memref_slice %arg2[%add3A_11, %dma_start3A_14] : memref<32768x1024xf32, #tpu.memory_space<hbm>> -> memref<4x1024xf32, #tpu.memory_space<hbm>>
    tpu.enqueue_dma source(%dma_start3A_15 : memref<4x1024xf32, #tpu.memory_space<hbm>>) target(%arg6 : memref<4x1024xf32, #tpu.memory_space<vmem>>) target_semaphore(%arg25 : memref<!tpu.dma_semaphore, #tpu.memory_space<semaphore_mem>>)
    %add3A_16 = arith.constant 0 : i32
    %add3A_17 = arith.addi %mul3A_2, %add3A_16 : i32
    %add3A_18 = arith.constant 8192 : i32
    %add3A_19 = arith.addi %add3A_18, %add3A_17 : i32
    %dma_start3A_20 = arith.constant 0 : i32
    %dma_start3A_21 = tpu.memref_slice %arg2[%add3A_19, %dma_start3A_20] : memref<32768x1024xf32, #tpu.memory_space<hbm>> -> memref<4x1024xf32, #tpu.memory_space<hbm>>
    %dma_start3A_22 = arith.constant 0 : i32
    %dma_start3A_23 = tpu.memref_slice %arg2[%add3A_19, %dma_start3A_22] : memref<32768x1024xf32, #tpu.memory_space<hbm>> -> memref<4x1024xf32, #tpu.memory_space<hbm>>
    tpu.enqueue_dma source(%dma_start3A_23 : memref<4x1024xf32, #tpu.memory_space<hbm>>) target(%arg7 : memref<4x1024xf32, #tpu.memory_space<vmem>>) target_semaphore(%arg25 : memref<!tpu.dma_semaphore, #tpu.memory_space<semaphore_mem>>)
    %add3A_24 = arith.constant 0 : i32
    %add3A_25 = arith.addi %mul3A_2, %add3A_24 : i32
    %add3A_26 = arith.constant 16384 : i32
    %add3A_27 = arith.addi %add3A_26, %add3A_25 : i32
    %dma_start3A_28 = arith.constant 0 : i32
    %dma_start3A_29 = tpu.memref_slice %arg2[%add3A_27, %dma_start3A_28] : memref<32768x1024xf32, #tpu.memory_space<hbm>> -> memref<4x1024xf32, #tpu.memory_space<hbm>>
    %dma_start3A_30 = arith.constant 0 : i32
    %dma_start3A_31 = tpu.memref_slice %arg2[%add3A_27, %dma_start3A_30] : memref<32768x1024xf32, #tpu.memory_space<hbm>> -> memref<4x1024xf32, #tpu.memory_space<hbm>>
    tpu.enqueue_dma source(%dma_start3A_31 : memref<4x1024xf32, #tpu.memory_space<hbm>>) target(%arg8 : memref<4x1024xf32, #tpu.memory_space<vmem>>) target_semaphore(%arg25 : memref<!tpu.dma_semaphore, #tpu.memory_space<semaphore_mem>>)
    %add3A_32 = arith.constant 0 : i32
    %add3A_33 = arith.addi %mul3A_2, %add3A_32 : i32
    %add3A_34 = arith.constant 24576 : i32
    %add3A_35 = arith.addi %add3A_34, %add3A_33 : i32
    %dma_start3A_36 = arith.constant 0 : i32
    %dma_start3A_37 = tpu.memref_slice %arg2[%add3A_35, %dma_start3A_36] : memref<32768x1024xf32, #tpu.memory_space<hbm>> -> memref<4x1024xf32, #tpu.memory_space<hbm>>
    %dma_start3A_38 = arith.constant 0 : i32
    %dma_start3A_39 = tpu.memref_slice %arg2[%add3A_35, %dma_start3A_38] : memref<32768x1024xf32, #tpu.memory_space<hbm>> -> memref<4x1024xf32, #tpu.memory_space<hbm>>
    tpu.enqueue_dma source(%dma_start3A_39 : memref<4x1024xf32, #tpu.memory_space<hbm>>) target(%arg9 : memref<4x1024xf32, #tpu.memory_space<vmem>>) target_semaphore(%arg25 : memref<!tpu.dma_semaphore, #tpu.memory_space<semaphore_mem>>)
    %add3A_40 = arith.constant 4 : i32
    %add3A_41 = arith.addi %mul3A_2, %add3A_40 : i32
    %dma_start3A_42 = arith.constant 0 : i32
    %dma_start3A_43 = tpu.memref_slice %arg3[%add3A_41, %dma_start3A_42] : memref<8192x1024xf32, #tpu.memory_space<hbm>> -> memref<4x1024xf32, #tpu.memory_space<hbm>>
    %dma_start3A_44 = arith.constant 0 : i32
    %dma_start3A_45 = tpu.memref_slice %arg3[%add3A_41, %dma_start3A_44] : memref<8192x1024xf32, #tpu.memory_space<hbm>> -> memref<4x1024xf32, #tpu.memory_space<hbm>>
    tpu.enqueue_dma source(%dma_start3A_45 : memref<4x1024xf32, #tpu.memory_space<hbm>>) target(%arg10 : memref<4x1024xf32, #tpu.memory_space<vmem>>) target_semaphore(%arg26 : memref<!tpu.dma_semaphore, #tpu.memory_space<semaphore_mem>>)
    %add3A_46 = arith.constant 4 : i32
    %add3A_47 = arith.addi %mul3A_2, %add3A_46 : i32
    %add3A_48 = arith.constant 0 : i32
    %add3A_49 = arith.addi %add3A_48, %add3A_47 : i32
    %dma_start3A_50 = arith.constant 0 : i32
    %dma_start3A_51 = tpu.memref_slice %arg2[%add3A_49, %dma_start3A_50] : memref<32768x1024xf32, #tpu.memory_space<hbm>> -> memref<4x1024xf32, #tpu.memory_space<hbm>>
    %dma_start3A_52 = arith.constant 0 : i32
    %dma_start3A_53 = tpu.memref_slice %arg2[%add3A_49, %dma_start3A_52] : memref<32768x1024xf32, #tpu.memory_space<hbm>> -> memref<4x1024xf32, #tpu.memory_space<hbm>>
    tpu.enqueue_dma source(%dma_start3A_53 : memref<4x1024xf32, #tpu.memory_space<hbm>>) target(%arg11 : memref<4x1024xf32, #tpu.memory_space<vmem>>) target_semaphore(%arg26 : memref<!tpu.dma_semaphore, #tpu.memory_space<semaphore_mem>>)
    %add3A_54 = arith.constant 4 : i32
    %add3A_55 = arith.addi %mul3A_2, %add3A_54 : i32
    %add3A_56 = arith.constant 8192 : i32
    %add3A_57 = arith.addi %add3A_56, %add3A_55 : i32
    %dma_start3A_58 = arith.constant 0 : i32
    %dma_start3A_59 = tpu.memref_slice %arg2[%add3A_57, %dma_start3A_58] : memref<32768x1024xf32, #tpu.memory_space<hbm>> -> memref<4x1024xf32, #tpu.memory_space<hbm>>
    %dma_start3A_60 = arith.constant 0 : i32
    %dma_start3A_61 = tpu.memref_slice %arg2[%add3A_57, %dma_start3A_60] : memref<32768x1024xf32, #tpu.memory_space<hbm>> -> memref<4x1024xf32, #tpu.memory_space<hbm>>
    tpu.enqueue_dma source(%dma_start3A_61 : memref<4x1024xf32, #tpu.memory_space<hbm>>) target(%arg12 : memref<4x1024xf32, #tpu.memory_space<vmem>>) target_semaphore(%arg26 : memref<!tpu.dma_semaphore, #tpu.memory_space<semaphore_mem>>)
    %add3A_62 = arith.constant 4 : i32
    %add3A_63 = arith.addi %mul3A_2, %add3A_62 : i32
    %add3A_64 = arith.constant 16384 : i32
    %add3A_65 = arith.addi %add3A_64, %add3A_63 : i32
    %dma_start3A_66 = arith.constant 0 : i32
    %dma_start3A_67 = tpu.memref_slice %arg2[%add3A_65, %dma_start3A_66] : memref<32768x1024xf32, #tpu.memory_space<hbm>> -> memref<4x1024xf32, #tpu.memory_space<hbm>>
    %dma_start3A_68 = arith.constant 0 : i32
    %dma_start3A_69 = tpu.memref_slice %arg2[%add3A_65, %dma_start3A_68] : memref<32768x1024xf32, #tpu.memory_space<hbm>> -> memref<4x1024xf32, #tpu.memory_space<hbm>>
    tpu.enqueue_dma source(%dma_start3A_69 : memref<4x1024xf32, #tpu.memory_space<hbm>>) target(%arg13 : memref<4x1024xf32, #tpu.memory_space<vmem>>) target_semaphore(%arg26 : memref<!tpu.dma_semaphore, #tpu.memory_space<semaphore_mem>>)
    %add3A_70 = arith.constant 4 : i32
    %add3A_71 = arith.addi %mul3A_2, %add3A_70 : i32
    %add3A_72 = arith.constant 24576 : i32
    %add3A_73 = arith.addi %add3A_72, %add3A_71 : i32
    %dma_start3A_74 = arith.constant 0 : i32
    %dma_start3A_75 = tpu.memref_slice %arg2[%add3A_73, %dma_start3A_74] : memref<32768x1024xf32, #tpu.memory_space<hbm>> -> memref<4x1024xf32, #tpu.memory_space<hbm>>
    %dma_start3A_76 = arith.constant 0 : i32
    %dma_start3A_77 = tpu.memref_slice %arg2[%add3A_73, %dma_start3A_76] : memref<32768x1024xf32, #tpu.memory_space<hbm>> -> memref<4x1024xf32, #tpu.memory_space<hbm>>
    tpu.enqueue_dma source(%dma_start3A_77 : memref<4x1024xf32, #tpu.memory_space<hbm>>) target(%arg14 : memref<4x1024xf32, #tpu.memory_space<vmem>>) target_semaphore(%arg26 : memref<!tpu.dma_semaphore, #tpu.memory_space<semaphore_mem>>)
    %scan3A = arith.constant 0 : i32
    %scan3A_78 = arith.constant 0 : i32
    %scan3A_79 = arith.constant 16 : i32
    %scan3A_80 = arith.addi %scan3A_78, %scan3A_79 : i32
    %scan3A_81 = arith.constant 1 : i32
    scf.for %scan3A_210 = %scan3A_78 to %scan3A_80 step %scan3A_81  : i32 {
      %mul3A_211 = arith.constant 4 : i32
      %mul3A_212 = arith.muli %mul3A_211, %scan3A_210 : i32
      %add3A_213 = arith.constant 0 : i32
      %add3A_214 = arith.addi %mul3A_212, %add3A_213 : i32
      %add3A_215 = arith.constant 2 : i32
      %add3A_216 = arith.addi %add3A_214, %add3A_215 : i32
      %lt3A = arith.constant 64 : i32
      %lt3A_217 = arith.cmpi slt, %add3A_216, %lt3A : i32
      %convert_element_type3A = arith.extui %lt3A_217 : i1 to i32
      %cond3A = arith.constant 0 : i32
      %cond3A_218 = arith.cmpi ne, %convert_element_type3A, %cond3A : i32
      scf.if %cond3A_218 {
        %ge3A = arith.constant 2 : i32
        %ge3A_615 = arith.cmpi sge, %add3A_214, %ge3A : i32
        %convert_element_type3A_616 = arith.extui %ge3A_615 : i1 to i32
        %cond3A_617 = arith.constant 0 : i32
        %cond3A_618 = arith.cmpi ne, %convert_element_type3A_616, %cond3A_617 : i32
        scf.if %cond3A_618 {
          %sub3A = arith.constant 2 : i32
          %sub3A_664 = arith.subi %add3A_214, %sub3A : i32
          %mul3A_665 = arith.constant 4 : i32
          %mul3A_666 = arith.muli %sub3A_664, %mul3A_665 : i32
          %add3A_667 = arith.addi %mul3A_2, %mul3A_666 : i32
          %add3A_668 = arith.constant 0 : i32
          %add3A_669 = arith.addi %add3A_668, %add3A_667 : i32
          %dma_wait3A_670 = arith.constant 0 : i32
          %dma_wait3A_671 = tpu.memref_slice %arg4[%add3A_669, %dma_wait3A_670] : memref<32768x1024xf32, #tpu.memory_space<hbm>> -> memref<4x1024xf32, #tpu.memory_space<hbm>>
          %dma_wait3A_672 = arith.constant 0 : i32
          %dma_wait3A_673 = tpu.memref_slice %arg4[%add3A_669, %dma_wait3A_672] : memref<32768x1024xf32, #tpu.memory_space<hbm>> -> memref<4x1024xf32, #tpu.memory_space<hbm>>
          tpu.wait_dma2 semaphore(%arg31 : memref<!tpu.dma_semaphore, #tpu.memory_space<semaphore_mem>>) src(%arg16 : memref<4x1024xf32, #tpu.memory_space<vmem>>) dst(%dma_wait3A_673 : memref<4x1024xf32, #tpu.memory_space<hbm>>)
          %sub3A_674 = arith.constant 2 : i32
          %sub3A_675 = arith.subi %add3A_214, %sub3A_674 : i32
          %mul3A_676 = arith.constant 4 : i32
          %mul3A_677 = arith.muli %sub3A_675, %mul3A_676 : i32
          %add3A_678 = arith.addi %mul3A_2, %mul3A_677 : i32
          %add3A_679 = arith.constant 8192 : i32
          %add3A_680 = arith.addi %add3A_679, %add3A_678 : i32
          %dma_wait3A_681 = arith.constant 0 : i32
          %dma_wait3A_682 = tpu.memref_slice %arg4[%add3A_680, %dma_wait3A_681] : memref<32768x1024xf32, #tpu.memory_space<hbm>> -> memref<4x1024xf32, #tpu.memory_space<hbm>>
          %dma_wait3A_683 = arith.constant 0 : i32
          %dma_wait3A_684 = tpu.memref_slice %arg4[%add3A_680, %dma_wait3A_683] : memref<32768x1024xf32, #tpu.memory_space<hbm>> -> memref<4x1024xf32, #tpu.memory_space<hbm>>
          tpu.wait_dma2 semaphore(%arg31 : memref<!tpu.dma_semaphore, #tpu.memory_space<semaphore_mem>>) src(%arg17 : memref<4x1024xf32, #tpu.memory_space<vmem>>) dst(%dma_wait3A_684 : memref<4x1024xf32, #tpu.memory_space<hbm>>)
          %sub3A_685 = arith.constant 2 : i32
          %sub3A_686 = arith.subi %add3A_214, %sub3A_685 : i32
          %mul3A_687 = arith.constant 4 : i32
          %mul3A_688 = arith.muli %sub3A_686, %mul3A_687 : i32
          %add3A_689 = arith.addi %mul3A_2, %mul3A_688 : i32
          %add3A_690 = arith.constant 16384 : i32
          %add3A_691 = arith.addi %add3A_690, %add3A_689 : i32
          %dma_wait3A_692 = arith.constant 0 : i32
          %dma_wait3A_693 = tpu.memref_slice %arg4[%add3A_691, %dma_wait3A_692] : memref<32768x1024xf32, #tpu.memory_space<hbm>> -> memref<4x1024xf32, #tpu.memory_space<hbm>>
          %dma_wait3A_694 = arith.constant 0 : i32
          %dma_wait3A_695 = tpu.memref_slice %arg4[%add3A_691, %dma_wait3A_694] : memref<32768x1024xf32, #tpu.memory_space<hbm>> -> memref<4x1024xf32, #tpu.memory_space<hbm>>
          tpu.wait_dma2 semaphore(%arg31 : memref<!tpu.dma_semaphore, #tpu.memory_space<semaphore_mem>>) src(%arg18 : memref<4x1024xf32, #tpu.memory_space<vmem>>) dst(%dma_wait3A_695 : memref<4x1024xf32, #tpu.memory_space<hbm>>)
          %sub3A_696 = arith.constant 2 : i32
          %sub3A_697 = arith.subi %add3A_214, %sub3A_696 : i32
          %mul3A_698 = arith.constant 4 : i32
          %mul3A_699 = arith.muli %sub3A_697, %mul3A_698 : i32
          %add3A_700 = arith.addi %mul3A_2, %mul3A_699 : i32
          %add3A_701 = arith.constant 24576 : i32
          %add3A_702 = arith.addi %add3A_701, %add3A_700 : i32
          %dma_wait3A_703 = arith.constant 0 : i32
          %dma_wait3A_704 = tpu.memref_slice %arg4[%add3A_702, %dma_wait3A_703] : memref<32768x1024xf32, #tpu.memory_space<hbm>> -> memref<4x1024xf32, #tpu.memory_space<hbm>>
          %dma_wait3A_705 = arith.constant 0 : i32
          %dma_wait3A_706 = tpu.memref_slice %arg4[%add3A_702, %dma_wait3A_705] : memref<32768x1024xf32, #tpu.memory_space<hbm>> -> memref<4x1024xf32, #tpu.memory_space<hbm>>
          tpu.wait_dma2 semaphore(%arg31 : memref<!tpu.dma_semaphore, #tpu.memory_space<semaphore_mem>>) src(%arg19 : memref<4x1024xf32, #tpu.memory_space<vmem>>) dst(%dma_wait3A_706 : memref<4x1024xf32, #tpu.memory_space<hbm>>)
        } else {
        }
        %add3A_619 = arith.constant 2 : i32
        %add3A_620 = arith.addi %add3A_214, %add3A_619 : i32
        %mul3A_621 = arith.constant 4 : i32
        %mul3A_622 = arith.muli %add3A_620, %mul3A_621 : i32
        %add3A_623 = arith.addi %mul3A_2, %mul3A_622 : i32
        %dma_start3A_624 = arith.constant 0 : i32
        %dma_start3A_625 = tpu.memref_slice %arg3[%add3A_623, %dma_start3A_624] : memref<8192x1024xf32, #tpu.memory_space<hbm>> -> memref<4x1024xf32, #tpu.memory_space<hbm>>
        %dma_start3A_626 = arith.constant 0 : i32
        %dma_start3A_627 = tpu.memref_slice %arg3[%add3A_623, %dma_start3A_626] : memref<8192x1024xf32, #tpu.memory_space<hbm>> -> memref<4x1024xf32, #tpu.memory_space<hbm>>
        tpu.enqueue_dma source(%dma_start3A_627 : memref<4x1024xf32, #tpu.memory_space<hbm>>) target(%arg15 : memref<4x1024xf32, #tpu.memory_space<vmem>>) target_semaphore(%arg27 : memref<!tpu.dma_semaphore, #tpu.memory_space<semaphore_mem>>)
        %mul3A_628 = arith.constant 4 : i32
        %mul3A_629 = arith.muli %add3A_620, %mul3A_628 : i32
        %add3A_630 = arith.addi %mul3A_2, %mul3A_629 : i32
        %add3A_631 = arith.constant 0 : i32
        %add3A_632 = arith.addi %add3A_631, %add3A_630 : i32
        %dma_start3A_633 = arith.constant 0 : i32
        %dma_start3A_634 = tpu.memref_slice %arg2[%add3A_632, %dma_start3A_633] : memref<32768x1024xf32, #tpu.memory_space<hbm>> -> memref<4x1024xf32, #tpu.memory_space<hbm>>
        %dma_start3A_635 = arith.constant 0 : i32
        %dma_start3A_636 = tpu.memref_slice %arg2[%add3A_632, %dma_start3A_635] : memref<32768x1024xf32, #tpu.memory_space<hbm>> -> memref<4x1024xf32, #tpu.memory_space<hbm>>
        tpu.enqueue_dma source(%dma_start3A_636 : memref<4x1024xf32, #tpu.memory_space<hbm>>) target(%arg16 : memref<4x1024xf32, #tpu.memory_space<vmem>>) target_semaphore(%arg27 : memref<!tpu.dma_semaphore, #tpu.memory_space<semaphore_mem>>)
        %mul3A_637 = arith.constant 4 : i32
        %mul3A_638 = arith.muli %add3A_620, %mul3A_637 : i32
        %add3A_639 = arith.addi %mul3A_2, %mul3A_638 : i32
        %add3A_640 = arith.constant 8192 : i32
        %add3A_641 = arith.addi %add3A_640, %add3A_639 : i32
        %dma_start3A_642 = arith.constant 0 : i32
        %dma_start3A_643 = tpu.memref_slice %arg2[%add3A_641, %dma_start3A_642] : memref<32768x1024xf32, #tpu.memory_space<hbm>> -> memref<4x1024xf32, #tpu.memory_space<hbm>>
        %dma_start3A_644 = arith.constant 0 : i32
        %dma_start3A_645 = tpu.memref_slice %arg2[%add3A_641, %dma_start3A_644] : memref<32768x1024xf32, #tpu.memory_space<hbm>> -> memref<4x1024xf32, #tpu.memory_space<hbm>>
        tpu.enqueue_dma source(%dma_start3A_645 : memref<4x1024xf32, #tpu.memory_space<hbm>>) target(%arg17 : memref<4x1024xf32, #tpu.memory_space<vmem>>) target_semaphore(%arg27 : memref<!tpu.dma_semaphore, #tpu.memory_space<semaphore_mem>>)
        %mul3A_646 = arith.constant 4 : i32
        %mul3A_647 = arith.muli %add3A_620, %mul3A_646 : i32
        %add3A_648 = arith.addi %mul3A_2, %mul3A_647 : i32
        %add3A_649 = arith.constant 16384 : i32
        %add3A_650 = arith.addi %add3A_649, %add3A_648 : i32
        %dma_start3A_651 = arith.constant 0 : i32
        %dma_start3A_652 = tpu.memref_slice %arg2[%add3A_650, %dma_start3A_651] : memref<32768x1024xf32, #tpu.memory_space<hbm>> -> memref<4x1024xf32, #tpu.memory_space<hbm>>
        %dma_start3A_653 = arith.constant 0 : i32
        %dma_start3A_654 = tpu.memref_slice %arg2[%add3A_650, %dma_start3A_653] : memref<32768x1024xf32, #tpu.memory_space<hbm>> -> memref<4x1024xf32, #tpu.memory_space<hbm>>
        tpu.enqueue_dma source(%dma_start3A_654 : memref<4x1024xf32, #tpu.memory_space<hbm>>) target(%arg18 : memref<4x1024xf32, #tpu.memory_space<vmem>>) target_semaphore(%arg27 : memref<!tpu.dma_semaphore, #tpu.memory_space<semaphore_mem>>)
        %mul3A_655 = arith.constant 4 : i32
        %mul3A_656 = arith.muli %add3A_620, %mul3A_655 : i32
        %add3A_657 = arith.addi %mul3A_2, %mul3A_656 : i32
        %add3A_658 = arith.constant 24576 : i32
        %add3A_659 = arith.addi %add3A_658, %add3A_657 : i32
        %dma_start3A_660 = arith.constant 0 : i32
        %dma_start3A_661 = tpu.memref_slice %arg2[%add3A_659, %dma_start3A_660] : memref<32768x1024xf32, #tpu.memory_space<hbm>> -> memref<4x1024xf32, #tpu.memory_space<hbm>>
        %dma_start3A_662 = arith.constant 0 : i32
        %dma_start3A_663 = tpu.memref_slice %arg2[%add3A_659, %dma_start3A_662] : memref<32768x1024xf32, #tpu.memory_space<hbm>> -> memref<4x1024xf32, #tpu.memory_space<hbm>>
        tpu.enqueue_dma source(%dma_start3A_663 : memref<4x1024xf32, #tpu.memory_space<hbm>>) target(%arg19 : memref<4x1024xf32, #tpu.memory_space<vmem>>) target_semaphore(%arg27 : memref<!tpu.dma_semaphore, #tpu.memory_space<semaphore_mem>>)
      } else {
      }
      %mul3A_219 = arith.constant 4 : i32
      %mul3A_220 = arith.muli %add3A_214, %mul3A_219 : i32
      %add3A_221 = arith.addi %mul3A_2, %mul3A_220 : i32
      %dma_wait3A_222 = arith.constant 0 : i32
      %dma_wait3A_223 = tpu.memref_slice %arg3[%add3A_221, %dma_wait3A_222] : memref<8192x1024xf32, #tpu.memory_space<hbm>> -> memref<4x1024xf32, #tpu.memory_space<hbm>>
      %dma_wait3A_224 = arith.constant 0 : i32
      %dma_wait3A_225 = tpu.memref_slice %arg3[%add3A_221, %dma_wait3A_224] : memref<8192x1024xf32, #tpu.memory_space<hbm>> -> memref<4x1024xf32, #tpu.memory_space<hbm>>
      tpu.wait_dma2 semaphore(%arg25 : memref<!tpu.dma_semaphore, #tpu.memory_space<semaphore_mem>>) src(%dma_wait3A_225 : memref<4x1024xf32, #tpu.memory_space<hbm>>) dst(%arg5 : memref<4x1024xf32, #tpu.memory_space<vmem>>)
      %mul3A_226 = arith.constant 4 : i32
      %mul3A_227 = arith.muli %add3A_214, %mul3A_226 : i32
      %add3A_228 = arith.addi %mul3A_2, %mul3A_227 : i32
      %add3A_229 = arith.constant 0 : i32
      %add3A_230 = arith.addi %add3A_229, %add3A_228 : i32
      %dma_wait3A_231 = arith.constant 0 : i32
      %dma_wait3A_232 = tpu.memref_slice %arg2[%add3A_230, %dma_wait3A_231] : memref<32768x1024xf32, #tpu.memory_space<hbm>> -> memref<4x1024xf32, #tpu.memory_space<hbm>>
      %dma_wait3A_233 = arith.constant 0 : i32
      %dma_wait3A_234 = tpu.memref_slice %arg2[%add3A_230, %dma_wait3A_233] : memref<32768x1024xf32, #tpu.memory_space<hbm>> -> memref<4x1024xf32, #tpu.memory_space<hbm>>
      tpu.wait_dma2 semaphore(%arg25 : memref<!tpu.dma_semaphore, #tpu.memory_space<semaphore_mem>>) src(%dma_wait3A_234 : memref<4x1024xf32, #tpu.memory_space<hbm>>) dst(%arg6 : memref<4x1024xf32, #tpu.memory_space<vmem>>)
      %mul3A_235 = arith.constant 4 : i32
      %mul3A_236 = arith.muli %add3A_214, %mul3A_235 : i32
      %add3A_237 = arith.addi %mul3A_2, %mul3A_236 : i32
      %add3A_238 = arith.constant 8192 : i32
      %add3A_239 = arith.addi %add3A_238, %add3A_237 : i32
      %dma_wait3A_240 = arith.constant 0 : i32
      %dma_wait3A_241 = tpu.memref_slice %arg2[%add3A_239, %dma_wait3A_240] : memref<32768x1024xf32, #tpu.memory_space<hbm>> -> memref<4x1024xf32, #tpu.memory_space<hbm>>
      %dma_wait3A_242 = arith.constant 0 : i32
      %dma_wait3A_243 = tpu.memref_slice %arg2[%add3A_239, %dma_wait3A_242] : memref<32768x1024xf32, #tpu.memory_space<hbm>> -> memref<4x1024xf32, #tpu.memory_space<hbm>>
      tpu.wait_dma2 semaphore(%arg25 : memref<!tpu.dma_semaphore, #tpu.memory_space<semaphore_mem>>) src(%dma_wait3A_243 : memref<4x1024xf32, #tpu.memory_space<hbm>>) dst(%arg7 : memref<4x1024xf32, #tpu.memory_space<vmem>>)
      %mul3A_244 = arith.constant 4 : i32
      %mul3A_245 = arith.muli %add3A_214, %mul3A_244 : i32
      %add3A_246 = arith.addi %mul3A_2, %mul3A_245 : i32
      %add3A_247 = arith.constant 16384 : i32
      %add3A_248 = arith.addi %add3A_247, %add3A_246 : i32
      %dma_wait3A_249 = arith.constant 0 : i32
      %dma_wait3A_250 = tpu.memref_slice %arg2[%add3A_248, %dma_wait3A_249] : memref<32768x1024xf32, #tpu.memory_space<hbm>> -> memref<4x1024xf32, #tpu.memory_space<hbm>>
      %dma_wait3A_251 = arith.constant 0 : i32
      %dma_wait3A_252 = tpu.memref_slice %arg2[%add3A_248, %dma_wait3A_251] : memref<32768x1024xf32, #tpu.memory_space<hbm>> -> memref<4x1024xf32, #tpu.memory_space<hbm>>
      tpu.wait_dma2 semaphore(%arg25 : memref<!tpu.dma_semaphore, #tpu.memory_space<semaphore_mem>>) src(%dma_wait3A_252 : memref<4x1024xf32, #tpu.memory_space<hbm>>) dst(%arg8 : memref<4x1024xf32, #tpu.memory_space<vmem>>)
      %mul3A_253 = arith.constant 4 : i32
      %mul3A_254 = arith.muli %add3A_214, %mul3A_253 : i32
      %add3A_255 = arith.addi %mul3A_2, %mul3A_254 : i32
      %add3A_256 = arith.constant 24576 : i32
      %add3A_257 = arith.addi %add3A_256, %add3A_255 : i32
      %dma_wait3A_258 = arith.constant 0 : i32
      %dma_wait3A_259 = tpu.memref_slice %arg2[%add3A_257, %dma_wait3A_258] : memref<32768x1024xf32, #tpu.memory_space<hbm>> -> memref<4x1024xf32, #tpu.memory_space<hbm>>
      %dma_wait3A_260 = arith.constant 0 : i32
      %dma_wait3A_261 = tpu.memref_slice %arg2[%add3A_257, %dma_wait3A_260] : memref<32768x1024xf32, #tpu.memory_space<hbm>> -> memref<4x1024xf32, #tpu.memory_space<hbm>>
      tpu.wait_dma2 semaphore(%arg25 : memref<!tpu.dma_semaphore, #tpu.memory_space<semaphore_mem>>) src(%dma_wait3A_261 : memref<4x1024xf32, #tpu.memory_space<hbm>>) dst(%arg9 : memref<4x1024xf32, #tpu.memory_space<vmem>>)
      %parallel_loop3A = arith.constant 0 : i32
      %parallel_loop3A_262 = arith.constant 256 : i32
      %parallel_loop3A_263 = arith.constant 1 : i32
      scf.for %parallel_loop3A_615 = %parallel_loop3A to %parallel_loop3A_262 step %parallel_loop3A_263  : i32 {
        %parallel_loop3A_616 = arith.constant 64 : i32
        %parallel_loop3A_617 = arith.divsi %parallel_loop3A_615, %parallel_loop3A_616 : i32
        %parallel_loop3A_618 = arith.constant 0 : i32
        %parallel_loop3A_619 = arith.cmpi sgt, %parallel_loop3A_615, %parallel_loop3A_618 : i32
        %parallel_loop3A_620 = arith.extui %parallel_loop3A_619 : i1 to i32
        %parallel_loop3A_621 = arith.constant 0 : i32
        %parallel_loop3A_622 = arith.cmpi slt, %parallel_loop3A_615, %parallel_loop3A_621 : i32
        %parallel_loop3A_623 = arith.extui %parallel_loop3A_622 : i1 to i32
        %parallel_loop3A_624 = arith.subi %parallel_loop3A_620, %parallel_loop3A_623 : i32
        %parallel_loop3A_625 = arith.constant 0 : i32
        %parallel_loop3A_626 = arith.cmpi sgt, %parallel_loop3A_616, %parallel_loop3A_625 : i32
        %parallel_loop3A_627 = arith.extui %parallel_loop3A_626 : i1 to i32
        %parallel_loop3A_628 = arith.constant 0 : i32
        %parallel_loop3A_629 = arith.cmpi slt, %parallel_loop3A_616, %parallel_loop3A_628 : i32
        %parallel_loop3A_630 = arith.extui %parallel_loop3A_629 : i1 to i32
        %parallel_loop3A_631 = arith.subi %parallel_loop3A_627, %parallel_loop3A_630 : i32
        %parallel_loop3A_632 = arith.cmpi ne, %parallel_loop3A_624, %parallel_loop3A_631 : i32
        %parallel_loop3A_633 = arith.remsi %parallel_loop3A_615, %parallel_loop3A_616 : i32
        %parallel_loop3A_634 = arith.constant 0 : i32
        %parallel_loop3A_635 = arith.cmpi ne, %parallel_loop3A_633, %parallel_loop3A_634 : i32
        %parallel_loop3A_636 = arith.andi %parallel_loop3A_632, %parallel_loop3A_635 : i1
        %parallel_loop3A_637 = arith.constant 1 : i32
        %parallel_loop3A_638 = arith.subi %parallel_loop3A_617, %parallel_loop3A_637 : i32
        %parallel_loop3A_639 = arith.select %parallel_loop3A_636, %parallel_loop3A_638, %parallel_loop3A_617 : i32
        %parallel_loop3A_640 = arith.constant 64 : i32
        %parallel_loop3A_641 = arith.constant 0 : i32
        %parallel_loop3A_642 = arith.cmpi eq, %parallel_loop3A_640, %parallel_loop3A_641 : i32
        %parallel_loop3A_643 = arith.constant 1 : i32
        %parallel_loop3A_644 = arith.select %parallel_loop3A_642, %parallel_loop3A_643, %parallel_loop3A_640 : i32
        %parallel_loop3A_645 = arith.remsi %parallel_loop3A_615, %parallel_loop3A_644 : i32
        %parallel_loop3A_646 = arith.constant 0 : i32
        %parallel_loop3A_647 = arith.cmpi ne, %parallel_loop3A_645, %parallel_loop3A_646 : i32
        %parallel_loop3A_648 = arith.constant 0 : i32
        %parallel_loop3A_649 = arith.cmpi slt, %parallel_loop3A_645, %parallel_loop3A_648 : i32
        %parallel_loop3A_650 = arith.constant 0 : i32
        %parallel_loop3A_651 = arith.cmpi slt, %parallel_loop3A_644, %parallel_loop3A_650 : i32
        %parallel_loop3A_652 = arith.xori %parallel_loop3A_649, %parallel_loop3A_651 : i1
        %parallel_loop3A_653 = arith.andi %parallel_loop3A_652, %parallel_loop3A_647 : i1
        %parallel_loop3A_654 = arith.addi %parallel_loop3A_645, %parallel_loop3A_644 : i32
        %parallel_loop3A_655 = arith.select %parallel_loop3A_653, %parallel_loop3A_654, %parallel_loop3A_645 : i32
        %parallel_loop3A_656 = arith.constant 16 : i32
        %parallel_loop3A_657 = arith.muli %parallel_loop3A_655, %parallel_loop3A_656 : i32
        %parallel_loop3A_658 = arith.index_cast %parallel_loop3A_639 : i32 to index
        %parallel_loop3A_659 = arith.index_cast %parallel_loop3A_657 : i32 to index
        %parallel_loop3A_660 = tpu.vector_load %arg5[%parallel_loop3A_658, %parallel_loop3A_659] {strides = array<i32>} : memref<4x1024xf32, #tpu.memory_space<vmem>>, vector<1x16xf32>,
        %parallel_loop3A_661 = vector.shape_cast %parallel_loop3A_660 : vector<1x16xf32> to vector<16xf32>
        %parallel_loop3A_662 = arith.index_cast %parallel_loop3A_639 : i32 to index
        %parallel_loop3A_663 = arith.index_cast %parallel_loop3A_657 : i32 to index
        %parallel_loop3A_664 = tpu.vector_load %arg6[%parallel_loop3A_662, %parallel_loop3A_663] {strides = array<i32>} : memref<4x1024xf32, #tpu.memory_space<vmem>>, vector<1x16xf32>,
        %parallel_loop3A_665 = vector.shape_cast %parallel_loop3A_664 : vector<1x16xf32> to vector<16xf32>
        %parallel_loop3A_666 = vector.shape_cast %parallel_loop3A_661 : vector<16xf32> to vector<1x16xf32>
        tpu.vector_store %arg6[%parallel_loop3A_662, %parallel_loop3A_663], %parallel_loop3A_666 {add = true, strides = array<i32>} : memref<4x1024xf32, #tpu.memory_space<vmem>>, vector<1x16xf32>,
      } {sc.loop_unroll_factor = 8 : i64, sc.parallel_access}
      %mul3A_264 = arith.constant 4 : i32
      %mul3A_265 = arith.muli %add3A_214, %mul3A_264 : i32
      %add3A_266 = arith.addi %mul3A_2, %mul3A_265 : i32
      %add3A_267 = arith.constant 0 : i32
      %add3A_268 = arith.addi %add3A_267, %add3A_266 : i32
      %dma_start3A_269 = arith.constant 0 : i32
      %dma_start3A_270 = tpu.memref_slice %arg4[%add3A_268, %dma_start3A_269] : memref<32768x1024xf32, #tpu.memory_space<hbm>> -> memref<4x1024xf32, #tpu.memory_space<hbm>>
      %dma_start3A_271 = arith.constant 0 : i32
      %dma_start3A_272 = tpu.memref_slice %arg4[%add3A_268, %dma_start3A_271] : memref<32768x1024xf32, #tpu.memory_space<hbm>> -> memref<4x1024xf32, #tpu.memory_space<hbm>>
      tpu.enqueue_dma source(%arg6 : memref<4x1024xf32, #tpu.memory_space<vmem>>) target(%dma_start3A_272 : memref<4x1024xf32, #tpu.memory_space<hbm>>) target_semaphore(%arg29 : memref<!tpu.dma_semaphore, #tpu.memory_space<semaphore_mem>>)
      %parallel_loop3A_273 = arith.constant 0 : i32
      %parallel_loop3A_274 = arith.constant 256 : i32
      %parallel_loop3A_275 = arith.constant 1 : i32
      scf.for %parallel_loop3A_615 = %parallel_loop3A_273 to %parallel_loop3A_274 step %parallel_loop3A_275  : i32 {
        %parallel_loop3A_616 = arith.constant 64 : i32
        %parallel_loop3A_617 = arith.divsi %parallel_loop3A_615, %parallel_loop3A_616 : i32
        %parallel_loop3A_618 = arith.constant 0 : i32
        %parallel_loop3A_619 = arith.cmpi sgt, %parallel_loop3A_615, %parallel_loop3A_618 : i32
        %parallel_loop3A_620 = arith.extui %parallel_loop3A_619 : i1 to i32
        %parallel_loop3A_621 = arith.constant 0 : i32
        %parallel_loop3A_622 = arith.cmpi slt, %parallel_loop3A_615, %parallel_loop3A_621 : i32
        %parallel_loop3A_623 = arith.extui %parallel_loop3A_622 : i1 to i32
        %parallel_loop3A_624 = arith.subi %parallel_loop3A_620, %parallel_loop3A_623 : i32
        %parallel_loop3A_625 = arith.constant 0 : i32
        %parallel_loop3A_626 = arith.cmpi sgt, %parallel_loop3A_616, %parallel_loop3A_625 : i32
        %parallel_loop3A_627 = arith.extui %parallel_loop3A_626 : i1 to i32
        %parallel_loop3A_628 = arith.constant 0 : i32
        %parallel_loop3A_629 = arith.cmpi slt, %parallel_loop3A_616, %parallel_loop3A_628 : i32
        %parallel_loop3A_630 = arith.extui %parallel_loop3A_629 : i1 to i32
        %parallel_loop3A_631 = arith.subi %parallel_loop3A_627, %parallel_loop3A_630 : i32
        %parallel_loop3A_632 = arith.cmpi ne, %parallel_loop3A_624, %parallel_loop3A_631 : i32
        %parallel_loop3A_633 = arith.remsi %parallel_loop3A_615, %parallel_loop3A_616 : i32
        %parallel_loop3A_634 = arith.constant 0 : i32
        %parallel_loop3A_635 = arith.cmpi ne, %parallel_loop3A_633, %parallel_loop3A_634 : i32
        %parallel_loop3A_636 = arith.andi %parallel_loop3A_632, %parallel_loop3A_635 : i1
        %parallel_loop3A_637 = arith.constant 1 : i32
        %parallel_loop3A_638 = arith.subi %parallel_loop3A_617, %parallel_loop3A_637 : i32
        %parallel_loop3A_639 = arith.select %parallel_loop3A_636, %parallel_loop3A_638, %parallel_loop3A_617 : i32
        %parallel_loop3A_640 = arith.constant 64 : i32
        %parallel_loop3A_641 = arith.constant 0 : i32
        %parallel_loop3A_642 = arith.cmpi eq, %parallel_loop3A_640, %parallel_loop3A_641 : i32
        %parallel_loop3A_643 = arith.constant 1 : i32
        %parallel_loop3A_644 = arith.select %parallel_loop3A_642, %parallel_loop3A_643, %parallel_loop3A_640 : i32
        %parallel_loop3A_645 = arith.remsi %parallel_loop3A_615, %parallel_loop3A_644 : i32
        %parallel_loop3A_646 = arith.constant 0 : i32
        %parallel_loop3A_647 = arith.cmpi ne, %parallel_loop3A_645, %parallel_loop3A_646 : i32
        %parallel_loop3A_648 = arith.constant 0 : i32
        %parallel_loop3A_649 = arith.cmpi slt, %parallel_loop3A_645, %parallel_loop3A_648 : i32
        %parallel_loop3A_650 = arith.constant 0 : i32
        %parallel_loop3A_651 = arith.cmpi slt, %parallel_loop3A_644, %parallel_loop3A_650 : i32
        %parallel_loop3A_652 = arith.xori %parallel_loop3A_649, %parallel_loop3A_651 : i1
        %parallel_loop3A_653 = arith.andi %parallel_loop3A_652, %parallel_loop3A_647 : i1
        %parallel_loop3A_654 = arith.addi %parallel_loop3A_645, %parallel_loop3A_644 : i32
        %parallel_loop3A_655 = arith.select %parallel_loop3A_653, %parallel_loop3A_654, %parallel_loop3A_645 : i32
        %parallel_loop3A_656 = arith.constant 16 : i32
        %parallel_loop3A_657 = arith.muli %parallel_loop3A_655, %parallel_loop3A_656 : i32
        %parallel_loop3A_658 = arith.index_cast %parallel_loop3A_639 : i32 to index
        %parallel_loop3A_659 = arith.index_cast %parallel_loop3A_657 : i32 to index
        %parallel_loop3A_660 = tpu.vector_load %arg5[%parallel_loop3A_658, %parallel_loop3A_659] {strides = array<i32>} : memref<4x1024xf32, #tpu.memory_space<vmem>>, vector<1x16xf32>,
        %parallel_loop3A_661 = vector.shape_cast %parallel_loop3A_660 : vector<1x16xf32> to vector<16xf32>
        %parallel_loop3A_662 = arith.index_cast %parallel_loop3A_639 : i32 to index
        %parallel_loop3A_663 = arith.index_cast %parallel_loop3A_657 : i32 to index
        %parallel_loop3A_664 = tpu.vector_load %arg7[%parallel_loop3A_662, %parallel_loop3A_663] {strides = array<i32>} : memref<4x1024xf32, #tpu.memory_space<vmem>>, vector<1x16xf32>,
        %parallel_loop3A_665 = vector.shape_cast %parallel_loop3A_664 : vector<1x16xf32> to vector<16xf32>
        %parallel_loop3A_666 = vector.shape_cast %parallel_loop3A_661 : vector<16xf32> to vector<1x16xf32>
        tpu.vector_store %arg7[%parallel_loop3A_662, %parallel_loop3A_663], %parallel_loop3A_666 {add = true, strides = array<i32>} : memref<4x1024xf32, #tpu.memory_space<vmem>>, vector<1x16xf32>,
      } {sc.loop_unroll_factor = 8 : i64, sc.parallel_access}
      %mul3A_276 = arith.constant 4 : i32
      %mul3A_277 = arith.muli %add3A_214, %mul3A_276 : i32
      %add3A_278 = arith.addi %mul3A_2, %mul3A_277 : i32
      %add3A_279 = arith.constant 8192 : i32
      %add3A_280 = arith.addi %add3A_279, %add3A_278 : i32
      %dma_start3A_281 = arith.constant 0 : i32
      %dma_start3A_282 = tpu.memref_slice %arg4[%add3A_280, %dma_start3A_281] : memref<32768x1024xf32, #tpu.memory_space<hbm>> -> memref<4x1024xf32, #tpu.memory_space<hbm>>
      %dma_start3A_283 = arith.constant 0 : i32
      %dma_start3A_284 = tpu.memref_slice %arg4[%add3A_280, %dma_start3A_283] : memref<32768x1024xf32, #tpu.memory_space<hbm>> -> memref<4x1024xf32, #tpu.memory_space<hbm>>
      tpu.enqueue_dma source(%arg7 : memref<4x1024xf32, #tpu.memory_space<vmem>>) target(%dma_start3A_284 : memref<4x1024xf32, #tpu.memory_space<hbm>>) target_semaphore(%arg29 : memref<!tpu.dma_semaphore, #tpu.memory_space<semaphore_mem>>)
      %parallel_loop3A_285 = arith.constant 0 : i32
      %parallel_loop3A_286 = arith.constant 256 : i32
      %parallel_loop3A_287 = arith.constant 1 : i32
      scf.for %parallel_loop3A_615 = %parallel_loop3A_285 to %parallel_loop3A_286 step %parallel_loop3A_287  : i32 {
        %parallel_loop3A_616 = arith.constant 64 : i32
        %parallel_loop3A_617 = arith.divsi %parallel_loop3A_615, %parallel_loop3A_616 : i32
        %parallel_loop3A_618 = arith.constant 0 : i32
        %parallel_loop3A_619 = arith.cmpi sgt, %parallel_loop3A_615, %parallel_loop3A_618 : i32
        %parallel_loop3A_620 = arith.extui %parallel_loop3A_619 : i1 to i32
        %parallel_loop3A_621 = arith.constant 0 : i32
        %parallel_loop3A_622 = arith.cmpi slt, %parallel_loop3A_615, %parallel_loop3A_621 : i32
        %parallel_loop3A_623 = arith.extui %parallel_loop3A_622 : i1 to i32
        %parallel_loop3A_624 = arith.subi %parallel_loop3A_620, %parallel_loop3A_623 : i32
        %parallel_loop3A_625 = arith.constant 0 : i32
        %parallel_loop3A_626 = arith.cmpi sgt, %parallel_loop3A_616, %parallel_loop3A_625 : i32
        %parallel_loop3A_627 = arith.extui %parallel_loop3A_626 : i1 to i32
        %parallel_loop3A_628 = arith.constant 0 : i32
        %parallel_loop3A_629 = arith.cmpi slt, %parallel_loop3A_616, %parallel_loop3A_628 : i32
        %parallel_loop3A_630 = arith.extui %parallel_loop3A_629 : i1 to i32
        %parallel_loop3A_631 = arith.subi %parallel_loop3A_627, %parallel_loop3A_630 : i32
        %parallel_loop3A_632 = arith.cmpi ne, %parallel_loop3A_624, %parallel_loop3A_631 : i32
        %parallel_loop3A_633 = arith.remsi %parallel_loop3A_615, %parallel_loop3A_616 : i32
        %parallel_loop3A_634 = arith.constant 0 : i32
        %parallel_loop3A_635 = arith.cmpi ne, %parallel_loop3A_633, %parallel_loop3A_634 : i32
        %parallel_loop3A_636 = arith.andi %parallel_loop3A_632, %parallel_loop3A_635 : i1
        %parallel_loop3A_637 = arith.constant 1 : i32
        %parallel_loop3A_638 = arith.subi %parallel_loop3A_617, %parallel_loop3A_637 : i32
        %parallel_loop3A_639 = arith.select %parallel_loop3A_636, %parallel_loop3A_638, %parallel_loop3A_617 : i32
        %parallel_loop3A_640 = arith.constant 64 : i32
        %parallel_loop3A_641 = arith.constant 0 : i32
        %parallel_loop3A_642 = arith.cmpi eq, %parallel_loop3A_640, %parallel_loop3A_641 : i32
        %parallel_loop3A_643 = arith.constant 1 : i32
        %parallel_loop3A_644 = arith.select %parallel_loop3A_642, %parallel_loop3A_643, %parallel_loop3A_640 : i32
        %parallel_loop3A_645 = arith.remsi %parallel_loop3A_615, %parallel_loop3A_644 : i32
        %parallel_loop3A_646 = arith.constant 0 : i32
        %parallel_loop3A_647 = arith.cmpi ne, %parallel_loop3A_645, %parallel_loop3A_646 : i32
        %parallel_loop3A_648 = arith.constant 0 : i32
        %parallel_loop3A_649 = arith.cmpi slt, %parallel_loop3A_645, %parallel_loop3A_648 : i32
        %parallel_loop3A_650 = arith.constant 0 : i32
        %parallel_loop3A_651 = arith.cmpi slt, %parallel_loop3A_644, %parallel_loop3A_650 : i32
        %parallel_loop3A_652 = arith.xori %parallel_loop3A_649, %parallel_loop3A_651 : i1
        %parallel_loop3A_653 = arith.andi %parallel_loop3A_652, %parallel_loop3A_647 : i1
        %parallel_loop3A_654 = arith.addi %parallel_loop3A_645, %parallel_loop3A_644 : i32
        %parallel_loop3A_655 = arith.select %parallel_loop3A_653, %parallel_loop3A_654, %parallel_loop3A_645 : i32
        %parallel_loop3A_656 = arith.constant 16 : i32
        %parallel_loop3A_657 = arith.muli %parallel_loop3A_655, %parallel_loop3A_656 : i32
        %parallel_loop3A_658 = arith.index_cast %parallel_loop3A_639 : i32 to index
        %parallel_loop3A_659 = arith.index_cast %parallel_loop3A_657 : i32 to index
        %parallel_loop3A_660 = tpu.vector_load %arg5[%parallel_loop3A_658, %parallel_loop3A_659] {strides = array<i32>} : memref<4x1024xf32, #tpu.memory_space<vmem>>, vector<1x16xf32>,
        %parallel_loop3A_661 = vector.shape_cast %parallel_loop3A_660 : vector<1x16xf32> to vector<16xf32>
        %parallel_loop3A_662 = arith.index_cast %parallel_loop3A_639 : i32 to index
        %parallel_loop3A_663 = arith.index_cast %parallel_loop3A_657 : i32 to index
        %parallel_loop3A_664 = tpu.vector_load %arg8[%parallel_loop3A_662, %parallel_loop3A_663] {strides = array<i32>} : memref<4x1024xf32, #tpu.memory_space<vmem>>, vector<1x16xf32>,
        %parallel_loop3A_665 = vector.shape_cast %parallel_loop3A_664 : vector<1x16xf32> to vector<16xf32>
        %parallel_loop3A_666 = vector.shape_cast %parallel_loop3A_661 : vector<16xf32> to vector<1x16xf32>
        tpu.vector_store %arg8[%parallel_loop3A_662, %parallel_loop3A_663], %parallel_loop3A_666 {add = true, strides = array<i32>} : memref<4x1024xf32, #tpu.memory_space<vmem>>, vector<1x16xf32>,
      } {sc.loop_unroll_factor = 8 : i64, sc.parallel_access}
      %mul3A_288 = arith.constant 4 : i32
      %mul3A_289 = arith.muli %add3A_214, %mul3A_288 : i32
      %add3A_290 = arith.addi %mul3A_2, %mul3A_289 : i32
      %add3A_291 = arith.constant 16384 : i32
      %add3A_292 = arith.addi %add3A_291, %add3A_290 : i32
      %dma_start3A_293 = arith.constant 0 : i32
      %dma_start3A_294 = tpu.memref_slice %arg4[%add3A_292, %dma_start3A_293] : memref<32768x1024xf32, #tpu.memory_space<hbm>> -> memref<4x1024xf32, #tpu.memory_space<hbm>>
      %dma_start3A_295 = arith.constant 0 : i32
      %dma_start3A_296 = tpu.memref_slice %arg4[%add3A_292, %dma_start3A_295] : memref<32768x1024xf32, #tpu.memory_space<hbm>> -> memref<4x1024xf32, #tpu.memory_space<hbm>>
      tpu.enqueue_dma source(%arg8 : memref<4x1024xf32, #tpu.memory_space<vmem>>) target(%dma_start3A_296 : memref<4x1024xf32, #tpu.memory_space<hbm>>) target_semaphore(%arg29 : memref<!tpu.dma_semaphore, #tpu.memory_space<semaphore_mem>>)
      %parallel_loop3A_297 = arith.constant 0 : i32
      %parallel_loop3A_298 = arith.constant 256 : i32
      %parallel_loop3A_299 = arith.constant 1 : i32
      scf.for %parallel_loop3A_615 = %parallel_loop3A_297 to %parallel_loop3A_298 step %parallel_loop3A_299  : i32 {
        %parallel_loop3A_616 = arith.constant 64 : i32
        %parallel_loop3A_617 = arith.divsi %parallel_loop3A_615, %parallel_loop3A_616 : i32
        %parallel_loop3A_618 = arith.constant 0 : i32
        %parallel_loop3A_619 = arith.cmpi sgt, %parallel_loop3A_615, %parallel_loop3A_618 : i32
        %parallel_loop3A_620 = arith.extui %parallel_loop3A_619 : i1 to i32
        %parallel_loop3A_621 = arith.constant 0 : i32
        %parallel_loop3A_622 = arith.cmpi slt, %parallel_loop3A_615, %parallel_loop3A_621 : i32
        %parallel_loop3A_623 = arith.extui %parallel_loop3A_622 : i1 to i32
        %parallel_loop3A_624 = arith.subi %parallel_loop3A_620, %parallel_loop3A_623 : i32
        %parallel_loop3A_625 = arith.constant 0 : i32
        %parallel_loop3A_626 = arith.cmpi sgt, %parallel_loop3A_616, %parallel_loop3A_625 : i32
        %parallel_loop3A_627 = arith.extui %parallel_loop3A_626 : i1 to i32
        %parallel_loop3A_628 = arith.constant 0 : i32
        %parallel_loop3A_629 = arith.cmpi slt, %parallel_loop3A_616, %parallel_loop3A_628 : i32
        %parallel_loop3A_630 = arith.extui %parallel_loop3A_629 : i1 to i32
        %parallel_loop3A_631 = arith.subi %parallel_loop3A_627, %parallel_loop3A_630 : i32
        %parallel_loop3A_632 = arith.cmpi ne, %parallel_loop3A_624, %parallel_loop3A_631 : i32
        %parallel_loop3A_633 = arith.remsi %parallel_loop3A_615, %parallel_loop3A_616 : i32
        %parallel_loop3A_634 = arith.constant 0 : i32
        %parallel_loop3A_635 = arith.cmpi ne, %parallel_loop3A_633, %parallel_loop3A_634 : i32
        %parallel_loop3A_636 = arith.andi %parallel_loop3A_632, %parallel_loop3A_635 : i1
        %parallel_loop3A_637 = arith.constant 1 : i32
        %parallel_loop3A_638 = arith.subi %parallel_loop3A_617, %parallel_loop3A_637 : i32
        %parallel_loop3A_639 = arith.select %parallel_loop3A_636, %parallel_loop3A_638, %parallel_loop3A_617 : i32
        %parallel_loop3A_640 = arith.constant 64 : i32
        %parallel_loop3A_641 = arith.constant 0 : i32
        %parallel_loop3A_642 = arith.cmpi eq, %parallel_loop3A_640, %parallel_loop3A_641 : i32
        %parallel_loop3A_643 = arith.constant 1 : i32
        %parallel_loop3A_644 = arith.select %parallel_loop3A_642, %parallel_loop3A_643, %parallel_loop3A_640 : i32
        %parallel_loop3A_645 = arith.remsi %parallel_loop3A_615, %parallel_loop3A_644 : i32
        %parallel_loop3A_646 = arith.constant 0 : i32
        %parallel_loop3A_647 = arith.cmpi ne, %parallel_loop3A_645, %parallel_loop3A_646 : i32
        %parallel_loop3A_648 = arith.constant 0 : i32
        %parallel_loop3A_649 = arith.cmpi slt, %parallel_loop3A_645, %parallel_loop3A_648 : i32
        %parallel_loop3A_650 = arith.constant 0 : i32
        %parallel_loop3A_651 = arith.cmpi slt, %parallel_loop3A_644, %parallel_loop3A_650 : i32
        %parallel_loop3A_652 = arith.xori %parallel_loop3A_649, %parallel_loop3A_651 : i1
        %parallel_loop3A_653 = arith.andi %parallel_loop3A_652, %parallel_loop3A_647 : i1
        %parallel_loop3A_654 = arith.addi %parallel_loop3A_645, %parallel_loop3A_644 : i32
        %parallel_loop3A_655 = arith.select %parallel_loop3A_653, %parallel_loop3A_654, %parallel_loop3A_645 : i32
        %parallel_loop3A_656 = arith.constant 16 : i32
        %parallel_loop3A_657 = arith.muli %parallel_loop3A_655, %parallel_loop3A_656 : i32
        %parallel_loop3A_658 = arith.index_cast %parallel_loop3A_639 : i32 to index
        %parallel_loop3A_659 = arith.index_cast %parallel_loop3A_657 : i32 to index
        %parallel_loop3A_660 = tpu.vector_load %arg5[%parallel_loop3A_658, %parallel_loop3A_659] {strides = array<i32>} : memref<4x1024xf32, #tpu.memory_space<vmem>>, vector<1x16xf32>,
        %parallel_loop3A_661 = vector.shape_cast %parallel_loop3A_660 : vector<1x16xf32> to vector<16xf32>
        %parallel_loop3A_662 = arith.index_cast %parallel_loop3A_639 : i32 to index
        %parallel_loop3A_663 = arith.index_cast %parallel_loop3A_657 : i32 to index
        %parallel_loop3A_664 = tpu.vector_load %arg9[%parallel_loop3A_662, %parallel_loop3A_663] {strides = array<i32>} : memref<4x1024xf32, #tpu.memory_space<vmem>>, vector<1x16xf32>,
        %parallel_loop3A_665 = vector.shape_cast %parallel_loop3A_664 : vector<1x16xf32> to vector<16xf32>
        %parallel_loop3A_666 = vector.shape_cast %parallel_loop3A_661 : vector<16xf32> to vector<1x16xf32>
        tpu.vector_store %arg9[%parallel_loop3A_662, %parallel_loop3A_663], %parallel_loop3A_666 {add = true, strides = array<i32>} : memref<4x1024xf32, #tpu.memory_space<vmem>>, vector<1x16xf32>,
      } {sc.loop_unroll_factor = 8 : i64, sc.parallel_access}
      %mul3A_300 = arith.constant 4 : i32
      %mul3A_301 = arith.muli %add3A_214, %mul3A_300 : i32
      %add3A_302 = arith.addi %mul3A_2, %mul3A_301 : i32
      %add3A_303 = arith.constant 24576 : i32
      %add3A_304 = arith.addi %add3A_303, %add3A_302 : i32
      %dma_start3A_305 = arith.constant 0 : i32
      %dma_start3A_306 = tpu.memref_slice %arg4[%add3A_304, %dma_start3A_305] : memref<32768x1024xf32, #tpu.memory_space<hbm>> -> memref<4x1024xf32, #tpu.memory_space<hbm>>
      %dma_start3A_307 = arith.constant 0 : i32
      %dma_start3A_308 = tpu.memref_slice %arg4[%add3A_304, %dma_start3A_307] : memref<32768x1024xf32, #tpu.memory_space<hbm>> -> memref<4x1024xf32, #tpu.memory_space<hbm>>
      tpu.enqueue_dma source(%arg9 : memref<4x1024xf32, #tpu.memory_space<vmem>>) target(%dma_start3A_308 : memref<4x1024xf32, #tpu.memory_space<hbm>>) target_semaphore(%arg29 : memref<!tpu.dma_semaphore, #tpu.memory_space<semaphore_mem>>)
      %mul3A_309 = arith.constant 4 : i32
      %mul3A_310 = arith.muli %mul3A_309, %scan3A_210 : i32
      %add3A_311 = arith.constant 1 : i32
      %add3A_312 = arith.addi %mul3A_310, %add3A_311 : i32
      %add3A_313 = arith.constant 2 : i32
      %add3A_314 = arith.addi %add3A_312, %add3A_313 : i32
      %lt3A_315 = arith.constant 64 : i32
      %lt3A_316 = arith.cmpi slt, %add3A_314, %lt3A_315 : i32
      %convert_element_type3A_317 = arith.extui %lt3A_316 : i1 to i32
      %cond3A_318 = arith.constant 0 : i32
      %cond3A_319 = arith.cmpi ne, %convert_element_type3A_317, %cond3A_318 : i32
      scf.if %cond3A_319 {
        %ge3A = arith.constant 2 : i32
        %ge3A_615 = arith.cmpi sge, %add3A_312, %ge3A : i32
        %convert_element_type3A_616 = arith.extui %ge3A_615 : i1 to i32
        %cond3A_617 = arith.constant 0 : i32
        %cond3A_618 = arith.cmpi ne, %convert_element_type3A_616, %cond3A_617 : i32
        scf.if %cond3A_618 {
          %sub3A = arith.constant 2 : i32
          %sub3A_664 = arith.subi %add3A_312, %sub3A : i32
          %mul3A_665 = arith.constant 4 : i32
          %mul3A_666 = arith.muli %sub3A_664, %mul3A_665 : i32
          %add3A_667 = arith.addi %mul3A_2, %mul3A_666 : i32
          %add3A_668 = arith.constant 0 : i32
          %add3A_669 = arith.addi %add3A_668, %add3A_667 : i32
          %dma_wait3A_670 = arith.constant 0 : i32
          %dma_wait3A_671 = tpu.memref_slice %arg4[%add3A_669, %dma_wait3A_670] : memref<32768x1024xf32, #tpu.memory_space<hbm>> -> memref<4x1024xf32, #tpu.memory_space<hbm>>
          %dma_wait3A_672 = arith.constant 0 : i32
          %dma_wait3A_673 = tpu.memref_slice %arg4[%add3A_669, %dma_wait3A_672] : memref<32768x1024xf32, #tpu.memory_space<hbm>> -> memref<4x1024xf32, #tpu.memory_space<hbm>>
          tpu.wait_dma2 semaphore(%arg32 : memref<!tpu.dma_semaphore, #tpu.memory_space<semaphore_mem>>) src(%arg21 : memref<4x1024xf32, #tpu.memory_space<vmem>>) dst(%dma_wait3A_673 : memref<4x1024xf32, #tpu.memory_space<hbm>>)
          %sub3A_674 = arith.constant 2 : i32
          %sub3A_675 = arith.subi %add3A_312, %sub3A_674 : i32
          %mul3A_676 = arith.constant 4 : i32
          %mul3A_677 = arith.muli %sub3A_675, %mul3A_676 : i32
          %add3A_678 = arith.addi %mul3A_2, %mul3A_677 : i32
          %add3A_679 = arith.constant 8192 : i32
          %add3A_680 = arith.addi %add3A_679, %add3A_678 : i32
          %dma_wait3A_681 = arith.constant 0 : i32
          %dma_wait3A_682 = tpu.memref_slice %arg4[%add3A_680, %dma_wait3A_681] : memref<32768x1024xf32, #tpu.memory_space<hbm>> -> memref<4x1024xf32, #tpu.memory_space<hbm>>
          %dma_wait3A_683 = arith.constant 0 : i32
          %dma_wait3A_684 = tpu.memref_slice %arg4[%add3A_680, %dma_wait3A_683] : memref<32768x1024xf32, #tpu.memory_space<hbm>> -> memref<4x1024xf32, #tpu.memory_space<hbm>>
          tpu.wait_dma2 semaphore(%arg32 : memref<!tpu.dma_semaphore, #tpu.memory_space<semaphore_mem>>) src(%arg22 : memref<4x1024xf32, #tpu.memory_space<vmem>>) dst(%dma_wait3A_684 : memref<4x1024xf32, #tpu.memory_space<hbm>>)
          %sub3A_685 = arith.constant 2 : i32
          %sub3A_686 = arith.subi %add3A_312, %sub3A_685 : i32
          %mul3A_687 = arith.constant 4 : i32
          %mul3A_688 = arith.muli %sub3A_686, %mul3A_687 : i32
          %add3A_689 = arith.addi %mul3A_2, %mul3A_688 : i32
          %add3A_690 = arith.constant 16384 : i32
          %add3A_691 = arith.addi %add3A_690, %add3A_689 : i32
          %dma_wait3A_692 = arith.constant 0 : i32
          %dma_wait3A_693 = tpu.memref_slice %arg4[%add3A_691, %dma_wait3A_692] : memref<32768x1024xf32, #tpu.memory_space<hbm>> -> memref<4x1024xf32, #tpu.memory_space<hbm>>
          %dma_wait3A_694 = arith.constant 0 : i32
          %dma_wait3A_695 = tpu.memref_slice %arg4[%add3A_691, %dma_wait3A_694] : memref<32768x1024xf32, #tpu.memory_space<hbm>> -> memref<4x1024xf32, #tpu.memory_space<hbm>>
          tpu.wait_dma2 semaphore(%arg32 : memref<!tpu.dma_semaphore, #tpu.memory_space<semaphore_mem>>) src(%arg23 : memref<4x1024xf32, #tpu.memory_space<vmem>>) dst(%dma_wait3A_695 : memref<4x1024xf32, #tpu.memory_space<hbm>>)
          %sub3A_696 = arith.constant 2 : i32
          %sub3A_697 = arith.subi %add3A_312, %sub3A_696 : i32
          %mul3A_698 = arith.constant 4 : i32
          %mul3A_699 = arith.muli %sub3A_697, %mul3A_698 : i32
          %add3A_700 = arith.addi %mul3A_2, %mul3A_699 : i32
          %add3A_701 = arith.constant 24576 : i32
          %add3A_702 = arith.addi %add3A_701, %add3A_700 : i32
          %dma_wait3A_703 = arith.constant 0 : i32
          %dma_wait3A_704 = tpu.memref_slice %arg4[%add3A_702, %dma_wait3A_703] : memref<32768x1024xf32, #tpu.memory_space<hbm>> -> memref<4x1024xf32, #tpu.memory_space<hbm>>
          %dma_wait3A_705 = arith.constant 0 : i32
          %dma_wait3A_706 = tpu.memref_slice %arg4[%add3A_702, %dma_wait3A_705] : memref<32768x1024xf32, #tpu.memory_space<hbm>> -> memref<4x1024xf32, #tpu.memory_space<hbm>>
          tpu.wait_dma2 semaphore(%arg32 : memref<!tpu.dma_semaphore, #tpu.memory_space<semaphore_mem>>) src(%arg24 : memref<4x1024xf32, #tpu.memory_space<vmem>>) dst(%dma_wait3A_706 : memref<4x1024xf32, #tpu.memory_space<hbm>>)
        } else {
        }
        %add3A_619 = arith.constant 2 : i32
        %add3A_620 = arith.addi %add3A_312, %add3A_619 : i32
        %mul3A_621 = arith.constant 4 : i32
        %mul3A_622 = arith.muli %add3A_620, %mul3A_621 : i32
        %add3A_623 = arith.addi %mul3A_2, %mul3A_622 : i32
        %dma_start3A_624 = arith.constant 0 : i32
        %dma_start3A_625 = tpu.memref_slice %arg3[%add3A_623, %dma_start3A_624] : memref<8192x1024xf32, #tpu.memory_space<hbm>> -> memref<4x1024xf32, #tpu.memory_space<hbm>>
        %dma_start3A_626 = arith.constant 0 : i32
        %dma_start3A_627 = tpu.memref_slice %arg3[%add3A_623, %dma_start3A_626] : memref<8192x1024xf32, #tpu.memory_space<hbm>> -> memref<4x1024xf32, #tpu.memory_space<hbm>>
        tpu.enqueue_dma source(%dma_start3A_627 : memref<4x1024xf32, #tpu.memory_space<hbm>>) target(%arg20 : memref<4x1024xf32, #tpu.memory_space<vmem>>) target_semaphore(%arg28 : memref<!tpu.dma_semaphore, #tpu.memory_space<semaphore_mem>>)
        %mul3A_628 = arith.constant 4 : i32
        %mul3A_629 = arith.muli %add3A_620, %mul3A_628 : i32
        %add3A_630 = arith.addi %mul3A_2, %mul3A_629 : i32
        %add3A_631 = arith.constant 0 : i32
        %add3A_632 = arith.addi %add3A_631, %add3A_630 : i32
        %dma_start3A_633 = arith.constant 0 : i32
        %dma_start3A_634 = tpu.memref_slice %arg2[%add3A_632, %dma_start3A_633] : memref<32768x1024xf32, #tpu.memory_space<hbm>> -> memref<4x1024xf32, #tpu.memory_space<hbm>>
        %dma_start3A_635 = arith.constant 0 : i32
        %dma_start3A_636 = tpu.memref_slice %arg2[%add3A_632, %dma_start3A_635] : memref<32768x1024xf32, #tpu.memory_space<hbm>> -> memref<4x1024xf32, #tpu.memory_space<hbm>>
        tpu.enqueue_dma source(%dma_start3A_636 : memref<4x1024xf32, #tpu.memory_space<hbm>>) target(%arg21 : memref<4x1024xf32, #tpu.memory_space<vmem>>) target_semaphore(%arg28 : memref<!tpu.dma_semaphore, #tpu.memory_space<semaphore_mem>>)
        %mul3A_637 = arith.constant 4 : i32
        %mul3A_638 = arith.muli %add3A_620, %mul3A_637 : i32
        %add3A_639 = arith.addi %mul3A_2, %mul3A_638 : i32
        %add3A_640 = arith.constant 8192 : i32
        %add3A_641 = arith.addi %add3A_640, %add3A_639 : i32
        %dma_start3A_642 = arith.constant 0 : i32
        %dma_start3A_643 = tpu.memref_slice %arg2[%add3A_641, %dma_start3A_642] : memref<32768x1024xf32, #tpu.memory_space<hbm>> -> memref<4x1024xf32, #tpu.memory_space<hbm>>
        %dma_start3A_644 = arith.constant 0 : i32
        %dma_start3A_645 = tpu.memref_slice %arg2[%add3A_641, %dma_start3A_644] : memref<32768x1024xf32, #tpu.memory_space<hbm>> -> memref<4x1024xf32, #tpu.memory_space<hbm>>
        tpu.enqueue_dma source(%dma_start3A_645 : memref<4x1024xf32, #tpu.memory_space<hbm>>) target(%arg22 : memref<4x1024xf32, #tpu.memory_space<vmem>>) target_semaphore(%arg28 : memref<!tpu.dma_semaphore, #tpu.memory_space<semaphore_mem>>)
        %mul3A_646 = arith.constant 4 : i32
        %mul3A_647 = arith.muli %add3A_620, %mul3A_646 : i32
        %add3A_648 = arith.addi %mul3A_2, %mul3A_647 : i32
        %add3A_649 = arith.constant 16384 : i32
        %add3A_650 = arith.addi %add3A_649, %add3A_648 : i32
        %dma_start3A_651 = arith.constant 0 : i32
        %dma_start3A_652 = tpu.memref_slice %arg2[%add3A_650, %dma_start3A_651] : memref<32768x1024xf32, #tpu.memory_space<hbm>> -> memref<4x1024xf32, #tpu.memory_space<hbm>>
        %dma_start3A_653 = arith.constant 0 : i32
        %dma_start3A_654 = tpu.memref_slice %arg2[%add3A_650, %dma_start3A_653] : memref<32768x1024xf32, #tpu.memory_space<hbm>> -> memref<4x1024xf32, #tpu.memory_space<hbm>>
        tpu.enqueue_dma source(%dma_start3A_654 : memref<4x1024xf32, #tpu.memory_space<hbm>>) target(%arg23 : memref<4x1024xf32, #tpu.memory_space<vmem>>) target_semaphore(%arg28 : memref<!tpu.dma_semaphore, #tpu.memory_space<semaphore_mem>>)
        %mul3A_655 = arith.constant 4 : i32
        %mul3A_656 = arith.muli %add3A_620, %mul3A_655 : i32
        %add3A_657 = arith.addi %mul3A_2, %mul3A_656 : i32
        %add3A_658 = arith.constant 24576 : i32
        %add3A_659 = arith.addi %add3A_658, %add3A_657 : i32
        %dma_start3A_660 = arith.constant 0 : i32
        %dma_start3A_661 = tpu.memref_slice %arg2[%add3A_659, %dma_start3A_660] : memref<32768x1024xf32, #tpu.memory_space<hbm>> -> memref<4x1024xf32, #tpu.memory_space<hbm>>
        %dma_start3A_662 = arith.constant 0 : i32
        %dma_start3A_663 = tpu.memref_slice %arg2[%add3A_659, %dma_start3A_662] : memref<32768x1024xf32, #tpu.memory_space<hbm>> -> memref<4x1024xf32, #tpu.memory_space<hbm>>
        tpu.enqueue_dma source(%dma_start3A_663 : memref<4x1024xf32, #tpu.memory_space<hbm>>) target(%arg24 : memref<4x1024xf32, #tpu.memory_space<vmem>>) target_semaphore(%arg28 : memref<!tpu.dma_semaphore, #tpu.memory_space<semaphore_mem>>)
      } else {
      }
      %mul3A_320 = arith.constant 4 : i32
      %mul3A_321 = arith.muli %add3A_312, %mul3A_320 : i32
      %add3A_322 = arith.addi %mul3A_2, %mul3A_321 : i32
      %dma_wait3A_323 = arith.constant 0 : i32
      %dma_wait3A_324 = tpu.memref_slice %arg3[%add3A_322, %dma_wait3A_323] : memref<8192x1024xf32, #tpu.memory_space<hbm>> -> memref<4x1024xf32, #tpu.memory_space<hbm>>
      %dma_wait3A_325 = arith.constant 0 : i32
      %dma_wait3A_326 = tpu.memref_slice %arg3[%add3A_322, %dma_wait3A_325] : memref<8192x1024xf32, #tpu.memory_space<hbm>> -> memref<4x1024xf32, #tpu.memory_space<hbm>>
      tpu.wait_dma2 semaphore(%arg26 : memref<!tpu.dma_semaphore, #tpu.memory_space<semaphore_mem>>) src(%dma_wait3A_326 : memref<4x1024xf32, #tpu.memory_space<hbm>>) dst(%arg10 : memref<4x1024xf32, #tpu.memory_space<vmem>>)
      %mul3A_327 = arith.constant 4 : i32
      %mul3A_328 = arith.muli %add3A_312, %mul3A_327 : i32
      %add3A_329 = arith.addi %mul3A_2, %mul3A_328 : i32
      %add3A_330 = arith.constant 0 : i32
      %add3A_331 = arith.addi %add3A_330, %add3A_329 : i32
      %dma_wait3A_332 = arith.constant 0 : i32
      %dma_wait3A_333 = tpu.memref_slice %arg2[%add3A_331, %dma_wait3A_332] : memref<32768x1024xf32, #tpu.memory_space<hbm>> -> memref<4x1024xf32, #tpu.memory_space<hbm>>
      %dma_wait3A_334 = arith.constant 0 : i32
      %dma_wait3A_335 = tpu.memref_slice %arg2[%add3A_331, %dma_wait3A_334] : memref<32768x1024xf32, #tpu.memory_space<hbm>> -> memref<4x1024xf32, #tpu.memory_space<hbm>>
      tpu.wait_dma2 semaphore(%arg26 : memref<!tpu.dma_semaphore, #tpu.memory_space<semaphore_mem>>) src(%dma_wait3A_335 : memref<4x1024xf32, #tpu.memory_space<hbm>>) dst(%arg11 : memref<4x1024xf32, #tpu.memory_space<vmem>>)
      %mul3A_336 = arith.constant 4 : i32
      %mul3A_337 = arith.muli %add3A_312, %mul3A_336 : i32
      %add3A_338 = arith.addi %mul3A_2, %mul3A_337 : i32
      %add3A_339 = arith.constant 8192 : i32
      %add3A_340 = arith.addi %add3A_339, %add3A_338 : i32
      %dma_wait3A_341 = arith.constant 0 : i32
      %dma_wait3A_342 = tpu.memref_slice %arg2[%add3A_340, %dma_wait3A_341] : memref<32768x1024xf32, #tpu.memory_space<hbm>> -> memref<4x1024xf32, #tpu.memory_space<hbm>>
      %dma_wait3A_343 = arith.constant 0 : i32
      %dma_wait3A_344 = tpu.memref_slice %arg2[%add3A_340, %dma_wait3A_343] : memref<32768x1024xf32, #tpu.memory_space<hbm>> -> memref<4x1024xf32, #tpu.memory_space<hbm>>
      tpu.wait_dma2 semaphore(%arg26 : memref<!tpu.dma_semaphore, #tpu.memory_space<semaphore_mem>>) src(%dma_wait3A_344 : memref<4x1024xf32, #tpu.memory_space<hbm>>) dst(%arg12 : memref<4x1024xf32, #tpu.memory_space<vmem>>)
      %mul3A_345 = arith.constant 4 : i32
      %mul3A_346 = arith.muli %add3A_312, %mul3A_345 : i32
      %add3A_347 = arith.addi %mul3A_2, %mul3A_346 : i32
      %add3A_348 = arith.constant 16384 : i32
      %add3A_349 = arith.addi %add3A_348, %add3A_347 : i32
      %dma_wait3A_350 = arith.constant 0 : i32
      %dma_wait3A_351 = tpu.memref_slice %arg2[%add3A_349, %dma_wait3A_350] : memref<32768x1024xf32, #tpu.memory_space<hbm>> -> memref<4x1024xf32, #tpu.memory_space<hbm>>
      %dma_wait3A_352 = arith.constant 0 : i32
      %dma_wait3A_353 = tpu.memref_slice %arg2[%add3A_349, %dma_wait3A_352] : memref<32768x1024xf32, #tpu.memory_space<hbm>> -> memref<4x1024xf32, #tpu.memory_space<hbm>>
      tpu.wait_dma2 semaphore(%arg26 : memref<!tpu.dma_semaphore, #tpu.memory_space<semaphore_mem>>) src(%dma_wait3A_353 : memref<4x1024xf32, #tpu.memory_space<hbm>>) dst(%arg13 : memref<4x1024xf32, #tpu.memory_space<vmem>>)
      %mul3A_354 = arith.constant 4 : i32
      %mul3A_355 = arith.muli %add3A_312, %mul3A_354 : i32
      %add3A_356 = arith.addi %mul3A_2, %mul3A_355 : i32
      %add3A_357 = arith.constant 24576 : i32
      %add3A_358 = arith.addi %add3A_357, %add3A_356 : i32
      %dma_wait3A_359 = arith.constant 0 : i32
      %dma_wait3A_360 = tpu.memref_slice %arg2[%add3A_358, %dma_wait3A_359] : memref<32768x1024xf32, #tpu.memory_space<hbm>> -> memref<4x1024xf32, #tpu.memory_space<hbm>>
      %dma_wait3A_361 = arith.constant 0 : i32
      %dma_wait3A_362 = tpu.memref_slice %arg2[%add3A_358, %dma_wait3A_361] : memref<32768x1024xf32, #tpu.memory_space<hbm>> -> memref<4x1024xf32, #tpu.memory_space<hbm>>
      tpu.wait_dma2 semaphore(%arg26 : memref<!tpu.dma_semaphore, #tpu.memory_space<semaphore_mem>>) src(%dma_wait3A_362 : memref<4x1024xf32, #tpu.memory_space<hbm>>) dst(%arg14 : memref<4x1024xf32, #tpu.memory_space<vmem>>)
      %parallel_loop3A_363 = arith.constant 0 : i32
      %parallel_loop3A_364 = arith.constant 256 : i32
      %parallel_loop3A_365 = arith.constant 1 : i32
      scf.for %parallel_loop3A_615 = %parallel_loop3A_363 to %parallel_loop3A_364 step %parallel_loop3A_365  : i32 {
        %parallel_loop3A_616 = arith.constant 64 : i32
        %parallel_loop3A_617 = arith.divsi %parallel_loop3A_615, %parallel_loop3A_616 : i32
        %parallel_loop3A_618 = arith.constant 0 : i32
        %parallel_loop3A_619 = arith.cmpi sgt, %parallel_loop3A_615, %parallel_loop3A_618 : i32
        %parallel_loop3A_620 = arith.extui %parallel_loop3A_619 : i1 to i32
        %parallel_loop3A_621 = arith.constant 0 : i32
        %parallel_loop3A_622 = arith.cmpi slt, %parallel_loop3A_615, %parallel_loop3A_621 : i32
        %parallel_loop3A_623 = arith.extui %parallel_loop3A_622 : i1 to i32
        %parallel_loop3A_624 = arith.subi %parallel_loop3A_620, %parallel_loop3A_623 : i32
        %parallel_loop3A_625 = arith.constant 0 : i32
        %parallel_loop3A_626 = arith.cmpi sgt, %parallel_loop3A_616, %parallel_loop3A_625 : i32
        %parallel_loop3A_627 = arith.extui %parallel_loop3A_626 : i1 to i32
        %parallel_loop3A_628 = arith.constant 0 : i32
        %parallel_loop3A_629 = arith.cmpi slt, %parallel_loop3A_616, %parallel_loop3A_628 : i32
        %parallel_loop3A_630 = arith.extui %parallel_loop3A_629 : i1 to i32
        %parallel_loop3A_631 = arith.subi %parallel_loop3A_627, %parallel_loop3A_630 : i32
        %parallel_loop3A_632 = arith.cmpi ne, %parallel_loop3A_624, %parallel_loop3A_631 : i32
        %parallel_loop3A_633 = arith.remsi %parallel_loop3A_615, %parallel_loop3A_616 : i32
        %parallel_loop3A_634 = arith.constant 0 : i32
        %parallel_loop3A_635 = arith.cmpi ne, %parallel_loop3A_633, %parallel_loop3A_634 : i32
        %parallel_loop3A_636 = arith.andi %parallel_loop3A_632, %parallel_loop3A_635 : i1
        %parallel_loop3A_637 = arith.constant 1 : i32
        %parallel_loop3A_638 = arith.subi %parallel_loop3A_617, %parallel_loop3A_637 : i32
        %parallel_loop3A_639 = arith.select %parallel_loop3A_636, %parallel_loop3A_638, %parallel_loop3A_617 : i32
        %parallel_loop3A_640 = arith.constant 64 : i32
        %parallel_loop3A_641 = arith.constant 0 : i32
        %parallel_loop3A_642 = arith.cmpi eq, %parallel_loop3A_640, %parallel_loop3A_641 : i32
        %parallel_loop3A_643 = arith.constant 1 : i32
        %parallel_loop3A_644 = arith.select %parallel_loop3A_642, %parallel_loop3A_643, %parallel_loop3A_640 : i32
        %parallel_loop3A_645 = arith.remsi %parallel_loop3A_615, %parallel_loop3A_644 : i32
        %parallel_loop3A_646 = arith.constant 0 : i32
        %parallel_loop3A_647 = arith.cmpi ne, %parallel_loop3A_645, %parallel_loop3A_646 : i32
        %parallel_loop3A_648 = arith.constant 0 : i32
        %parallel_loop3A_649 = arith.cmpi slt, %parallel_loop3A_645, %parallel_loop3A_648 : i32
        %parallel_loop3A_650 = arith.constant 0 : i32
        %parallel_loop3A_651 = arith.cmpi slt, %parallel_loop3A_644, %parallel_loop3A_650 : i32
        %parallel_loop3A_652 = arith.xori %parallel_loop3A_649, %parallel_loop3A_651 : i1
        %parallel_loop3A_653 = arith.andi %parallel_loop3A_652, %parallel_loop3A_647 : i1
        %parallel_loop3A_654 = arith.addi %parallel_loop3A_645, %parallel_loop3A_644 : i32
        %parallel_loop3A_655 = arith.select %parallel_loop3A_653, %parallel_loop3A_654, %parallel_loop3A_645 : i32
        %parallel_loop3A_656 = arith.constant 16 : i32
        %parallel_loop3A_657 = arith.muli %parallel_loop3A_655, %parallel_loop3A_656 : i32
        %parallel_loop3A_658 = arith.index_cast %parallel_loop3A_639 : i32 to index
        %parallel_loop3A_659 = arith.index_cast %parallel_loop3A_657 : i32 to index
        %parallel_loop3A_660 = tpu.vector_load %arg10[%parallel_loop3A_658, %parallel_loop3A_659] {strides = array<i32>} : memref<4x1024xf32, #tpu.memory_space<vmem>>, vector<1x16xf32>,
        %parallel_loop3A_661 = vector.shape_cast %parallel_loop3A_660 : vector<1x16xf32> to vector<16xf32>
        %parallel_loop3A_662 = arith.index_cast %parallel_loop3A_639 : i32 to index
        %parallel_loop3A_663 = arith.index_cast %parallel_loop3A_657 : i32 to index
        %parallel_loop3A_664 = tpu.vector_load %arg11[%parallel_loop3A_662, %parallel_loop3A_663] {strides = array<i32>} : memref<4x1024xf32, #tpu.memory_space<vmem>>, vector<1x16xf32>,
        %parallel_loop3A_665 = vector.shape_cast %parallel_loop3A_664 : vector<1x16xf32> to vector<16xf32>
        %parallel_loop3A_666 = vector.shape_cast %parallel_loop3A_661 : vector<16xf32> to vector<1x16xf32>
        tpu.vector_store %arg11[%parallel_loop3A_662, %parallel_loop3A_663], %parallel_loop3A_666 {add = true, strides = array<i32>} : memref<4x1024xf32, #tpu.memory_space<vmem>>, vector<1x16xf32>,
      } {sc.loop_unroll_factor = 8 : i64, sc.parallel_access}
      %mul3A_366 = arith.constant 4 : i32
      %mul3A_367 = arith.muli %add3A_312, %mul3A_366 : i32
      %add3A_368 = arith.addi %mul3A_2, %mul3A_367 : i32
      %add3A_369 = arith.constant 0 : i32
      %add3A_370 = arith.addi %add3A_369, %add3A_368 : i32
      %dma_start3A_371 = arith.constant 0 : i32
      %dma_start3A_372 = tpu.memref_slice %arg4[%add3A_370, %dma_start3A_371] : memref<32768x1024xf32, #tpu.memory_space<hbm>> -> memref<4x1024xf32, #tpu.memory_space<hbm>>
      %dma_start3A_373 = arith.constant 0 : i32
      %dma_start3A_374 = tpu.memref_slice %arg4[%add3A_370, %dma_start3A_373] : memref<32768x1024xf32, #tpu.memory_space<hbm>> -> memref<4x1024xf32, #tpu.memory_space<hbm>>
      tpu.enqueue_dma source(%arg11 : memref<4x1024xf32, #tpu.memory_space<vmem>>) target(%dma_start3A_374 : memref<4x1024xf32, #tpu.memory_space<hbm>>) target_semaphore(%arg30 : memref<!tpu.dma_semaphore, #tpu.memory_space<semaphore_mem>>)
      %parallel_loop3A_375 = arith.constant 0 : i32
      %parallel_loop3A_376 = arith.constant 256 : i32
      %parallel_loop3A_377 = arith.constant 1 : i32
      scf.for %parallel_loop3A_615 = %parallel_loop3A_375 to %parallel_loop3A_376 step %parallel_loop3A_377  : i32 {
        %parallel_loop3A_616 = arith.constant 64 : i32
        %parallel_loop3A_617 = arith.divsi %parallel_loop3A_615, %parallel_loop3A_616 : i32
        %parallel_loop3A_618 = arith.constant 0 : i32
        %parallel_loop3A_619 = arith.cmpi sgt, %parallel_loop3A_615, %parallel_loop3A_618 : i32
        %parallel_loop3A_620 = arith.extui %parallel_loop3A_619 : i1 to i32
        %parallel_loop3A_621 = arith.constant 0 : i32
        %parallel_loop3A_622 = arith.cmpi slt, %parallel_loop3A_615, %parallel_loop3A_621 : i32
        %parallel_loop3A_623 = arith.extui %parallel_loop3A_622 : i1 to i32
        %parallel_loop3A_624 = arith.subi %parallel_loop3A_620, %parallel_loop3A_623 : i32
        %parallel_loop3A_625 = arith.constant 0 : i32
        %parallel_loop3A_626 = arith.cmpi sgt, %parallel_loop3A_616, %parallel_loop3A_625 : i32
        %parallel_loop3A_627 = arith.extui %parallel_loop3A_626 : i1 to i32
        %parallel_loop3A_628 = arith.constant 0 : i32
        %parallel_loop3A_629 = arith.cmpi slt, %parallel_loop3A_616, %parallel_loop3A_628 : i32
        %parallel_loop3A_630 = arith.extui %parallel_loop3A_629 : i1 to i32
        %parallel_loop3A_631 = arith.subi %parallel_loop3A_627, %parallel_loop3A_630 : i32
        %parallel_loop3A_632 = arith.cmpi ne, %parallel_loop3A_624, %parallel_loop3A_631 : i32
        %parallel_loop3A_633 = arith.remsi %parallel_loop3A_615, %parallel_loop3A_616 : i32
        %parallel_loop3A_634 = arith.constant 0 : i32
        %parallel_loop3A_635 = arith.cmpi ne, %parallel_loop3A_633, %parallel_loop3A_634 : i32
        %parallel_loop3A_636 = arith.andi %parallel_loop3A_632, %parallel_loop3A_635 : i1
        %parallel_loop3A_637 = arith.constant 1 : i32
        %parallel_loop3A_638 = arith.subi %parallel_loop3A_617, %parallel_loop3A_637 : i32
        %parallel_loop3A_639 = arith.select %parallel_loop3A_636, %parallel_loop3A_638, %parallel_loop3A_617 : i32
        %parallel_loop3A_640 = arith.constant 64 : i32
        %parallel_loop3A_641 = arith.constant 0 : i32
        %parallel_loop3A_642 = arith.cmpi eq, %parallel_loop3A_640, %parallel_loop3A_641 : i32
        %parallel_loop3A_643 = arith.constant 1 : i32
        %parallel_loop3A_644 = arith.select %parallel_loop3A_642, %parallel_loop3A_643, %parallel_loop3A_640 : i32
        %parallel_loop3A_645 = arith.remsi %parallel_loop3A_615, %parallel_loop3A_644 : i32
        %parallel_loop3A_646 = arith.constant 0 : i32
        %parallel_loop3A_647 = arith.cmpi ne, %parallel_loop3A_645, %parallel_loop3A_646 : i32
        %parallel_loop3A_648 = arith.constant 0 : i32
        %parallel_loop3A_649 = arith.cmpi slt, %parallel_loop3A_645, %parallel_loop3A_648 : i32
        %parallel_loop3A_650 = arith.constant 0 : i32
        %parallel_loop3A_651 = arith.cmpi slt, %parallel_loop3A_644, %parallel_loop3A_650 : i32
        %parallel_loop3A_652 = arith.xori %parallel_loop3A_649, %parallel_loop3A_651 : i1
        %parallel_loop3A_653 = arith.andi %parallel_loop3A_652, %parallel_loop3A_647 : i1
        %parallel_loop3A_654 = arith.addi %parallel_loop3A_645, %parallel_loop3A_644 : i32
        %parallel_loop3A_655 = arith.select %parallel_loop3A_653, %parallel_loop3A_654, %parallel_loop3A_645 : i32
        %parallel_loop3A_656 = arith.constant 16 : i32
        %parallel_loop3A_657 = arith.muli %parallel_loop3A_655, %parallel_loop3A_656 : i32
        %parallel_loop3A_658 = arith.index_cast %parallel_loop3A_639 : i32 to index
        %parallel_loop3A_659 = arith.index_cast %parallel_loop3A_657 : i32 to index
        %parallel_loop3A_660 = tpu.vector_load %arg10[%parallel_loop3A_658, %parallel_loop3A_659] {strides = array<i32>} : memref<4x1024xf32, #tpu.memory_space<vmem>>, vector<1x16xf32>,
        %parallel_loop3A_661 = vector.shape_cast %parallel_loop3A_660 : vector<1x16xf32> to vector<16xf32>
        %parallel_loop3A_662 = arith.index_cast %parallel_loop3A_639 : i32 to index
        %parallel_loop3A_663 = arith.index_cast %parallel_loop3A_657 : i32 to index
        %parallel_loop3A_664 = tpu.vector_load %arg12[%parallel_loop3A_662, %parallel_loop3A_663] {strides = array<i32>} : memref<4x1024xf32, #tpu.memory_space<vmem>>, vector<1x16xf32>,
        %parallel_loop3A_665 = vector.shape_cast %parallel_loop3A_664 : vector<1x16xf32> to vector<16xf32>
        %parallel_loop3A_666 = vector.shape_cast %parallel_loop3A_661 : vector<16xf32> to vector<1x16xf32>
        tpu.vector_store %arg12[%parallel_loop3A_662, %parallel_loop3A_663], %parallel_loop3A_666 {add = true, strides = array<i32>} : memref<4x1024xf32, #tpu.memory_space<vmem>>, vector<1x16xf32>,
      } {sc.loop_unroll_factor = 8 : i64, sc.parallel_access}
      %mul3A_378 = arith.constant 4 : i32
      %mul3A_379 = arith.muli %add3A_312, %mul3A_378 : i32
      %add3A_380 = arith.addi %mul3A_2, %mul3A_379 : i32
      %add3A_381 = arith.constant 8192 : i32
      %add3A_382 = arith.addi %add3A_381, %add3A_380 : i32
      %dma_start3A_383 = arith.constant 0 : i32
      %dma_start3A_384 = tpu.memref_slice %arg4[%add3A_382, %dma_start3A_383] : memref<32768x1024xf32, #tpu.memory_space<hbm>> -> memref<4x1024xf32, #tpu.memory_space<hbm>>
      %dma_start3A_385 = arith.constant 0 : i32
      %dma_start3A_386 = tpu.memref_slice %arg4[%add3A_382, %dma_start3A_385] : memref<32768x1024xf32, #tpu.memory_space<hbm>> -> memref<4x1024xf32, #tpu.memory_space<hbm>>
      tpu.enqueue_dma source(%arg12 : memref<4x1024xf32, #tpu.memory_space<vmem>>) target(%dma_start3A_386 : memref<4x1024xf32, #tpu.memory_space<hbm>>) target_semaphore(%arg30 : memref<!tpu.dma_semaphore, #tpu.memory_space<semaphore_mem>>)
      %parallel_loop3A_387 = arith.constant 0 : i32
      %parallel_loop3A_388 = arith.constant 256 : i32
      %parallel_loop3A_389 = arith.constant 1 : i32
      scf.for %parallel_loop3A_615 = %parallel_loop3A_387 to %parallel_loop3A_388 step %parallel_loop3A_389  : i32 {
        %parallel_loop3A_616 = arith.constant 64 : i32
        %parallel_loop3A_617 = arith.divsi %parallel_loop3A_615, %parallel_loop3A_616 : i32
        %parallel_loop3A_618 = arith.constant 0 : i32
        %parallel_loop3A_619 = arith.cmpi sgt, %parallel_loop3A_615, %parallel_loop3A_618 : i32
        %parallel_loop3A_620 = arith.extui %parallel_loop3A_619 : i1 to i32
        %parallel_loop3A_621 = arith.constant 0 : i32
        %parallel_loop3A_622 = arith.cmpi slt, %parallel_loop3A_615, %parallel_loop3A_621 : i32
        %parallel_loop3A_623 = arith.extui %parallel_loop3A_622 : i1 to i32
        %parallel_loop3A_624 = arith.subi %parallel_loop3A_620, %parallel_loop3A_623 : i32
        %parallel_loop3A_625 = arith.constant 0 : i32
        %parallel_loop3A_626 = arith.cmpi sgt, %parallel_loop3A_616, %parallel_loop3A_625 : i32
        %parallel_loop3A_627 = arith.extui %parallel_loop3A_626 : i1 to i32
        %parallel_loop3A_628 = arith.constant 0 : i32
        %parallel_loop3A_629 = arith.cmpi slt, %parallel_loop3A_616, %parallel_loop3A_628 : i32
        %parallel_loop3A_630 = arith.extui %parallel_loop3A_629 : i1 to i32
        %parallel_loop3A_631 = arith.subi %parallel_loop3A_627, %parallel_loop3A_630 : i32
        %parallel_loop3A_632 = arith.cmpi ne, %parallel_loop3A_624, %parallel_loop3A_631 : i32
        %parallel_loop3A_633 = arith.remsi %parallel_loop3A_615, %parallel_loop3A_616 : i32
        %parallel_loop3A_634 = arith.constant 0 : i32
        %parallel_loop3A_635 = arith.cmpi ne, %parallel_loop3A_633, %parallel_loop3A_634 : i32
        %parallel_loop3A_636 = arith.andi %parallel_loop3A_632, %parallel_loop3A_635 : i1
        %parallel_loop3A_637 = arith.constant 1 : i32
        %parallel_loop3A_638 = arith.subi %parallel_loop3A_617, %parallel_loop3A_637 : i32
        %parallel_loop3A_639 = arith.select %parallel_loop3A_636, %parallel_loop3A_638, %parallel_loop3A_617 : i32
        %parallel_loop3A_640 = arith.constant 64 : i32
        %parallel_loop3A_641 = arith.constant 0 : i32
        %parallel_loop3A_642 = arith.cmpi eq, %parallel_loop3A_640, %parallel_loop3A_641 : i32
        %parallel_loop3A_643 = arith.constant 1 : i32
        %parallel_loop3A_644 = arith.select %parallel_loop3A_642, %parallel_loop3A_643, %parallel_loop3A_640 : i32
        %parallel_loop3A_645 = arith.remsi %parallel_loop3A_615, %parallel_loop3A_644 : i32
        %parallel_loop3A_646 = arith.constant 0 : i32
        %parallel_loop3A_647 = arith.cmpi ne, %parallel_loop3A_645, %parallel_loop3A_646 : i32
        %parallel_loop3A_648 = arith.constant 0 : i32
        %parallel_loop3A_649 = arith.cmpi slt, %parallel_loop3A_645, %parallel_loop3A_648 : i32
        %parallel_loop3A_650 = arith.constant 0 : i32
        %parallel_loop3A_651 = arith.cmpi slt, %parallel_loop3A_644, %parallel_loop3A_650 : i32
        %parallel_loop3A_652 = arith.xori %parallel_loop3A_649, %parallel_loop3A_651 : i1
        %parallel_loop3A_653 = arith.andi %parallel_loop3A_652, %parallel_loop3A_647 : i1
        %parallel_loop3A_654 = arith.addi %parallel_loop3A_645, %parallel_loop3A_644 : i32
        %parallel_loop3A_655 = arith.select %parallel_loop3A_653, %parallel_loop3A_654, %parallel_loop3A_645 : i32
        %parallel_loop3A_656 = arith.constant 16 : i32
        %parallel_loop3A_657 = arith.muli %parallel_loop3A_655, %parallel_loop3A_656 : i32
        %parallel_loop3A_658 = arith.index_cast %parallel_loop3A_639 : i32 to index
        %parallel_loop3A_659 = arith.index_cast %parallel_loop3A_657 : i32 to index
        %parallel_loop3A_660 = tpu.vector_load %arg10[%parallel_loop3A_658, %parallel_loop3A_659] {strides = array<i32>} : memref<4x1024xf32, #tpu.memory_space<vmem>>, vector<1x16xf32>,
        %parallel_loop3A_661 = vector.shape_cast %parallel_loop3A_660 : vector<1x16xf32> to vector<16xf32>
        %parallel_loop3A_662 = arith.index_cast %parallel_loop3A_639 : i32 to index
        %parallel_loop3A_663 = arith.index_cast %parallel_loop3A_657 : i32 to index
        %parallel_loop3A_664 = tpu.vector_load %arg13[%parallel_loop3A_662, %parallel_loop3A_663] {strides = array<i32>} : memref<4x1024xf32, #tpu.memory_space<vmem>>, vector<1x16xf32>,
        %parallel_loop3A_665 = vector.shape_cast %parallel_loop3A_664 : vector<1x16xf32> to vector<16xf32>
        %parallel_loop3A_666 = vector.shape_cast %parallel_loop3A_661 : vector<16xf32> to vector<1x16xf32>
        tpu.vector_store %arg13[%parallel_loop3A_662, %parallel_loop3A_663], %parallel_loop3A_666 {add = true, strides = array<i32>} : memref<4x1024xf32, #tpu.memory_space<vmem>>, vector<1x16xf32>,
      } {sc.loop_unroll_factor = 8 : i64, sc.parallel_access}
      %mul3A_390 = arith.constant 4 : i32
      %mul3A_391 = arith.muli %add3A_312, %mul3A_390 : i32
      %add3A_392 = arith.addi %mul3A_2, %mul3A_391 : i32
      %add3A_393 = arith.constant 16384 : i32
      %add3A_394 = arith.addi %add3A_393, %add3A_392 : i32
      %dma_start3A_395 = arith.constant 0 : i32
      %dma_start3A_396 = tpu.memref_slice %arg4[%add3A_394, %dma_start3A_395] : memref<32768x1024xf32, #tpu.memory_space<hbm>> -> memref<4x1024xf32, #tpu.memory_space<hbm>>
      %dma_start3A_397 = arith.constant 0 : i32
      %dma_start3A_398 = tpu.memref_slice %arg4[%add3A_394, %dma_start3A_397] : memref<32768x1024xf32, #tpu.memory_space<hbm>> -> memref<4x1024xf32, #tpu.memory_space<hbm>>
      tpu.enqueue_dma source(%arg13 : memref<4x1024xf32, #tpu.memory_space<vmem>>) target(%dma_start3A_398 : memref<4x1024xf32, #tpu.memory_space<hbm>>) target_semaphore(%arg30 : memref<!tpu.dma_semaphore, #tpu.memory_space<semaphore_mem>>)
      %parallel_loop3A_399 = arith.constant 0 : i32
      %parallel_loop3A_400 = arith.constant 256 : i32
      %parallel_loop3A_401 = arith.constant 1 : i32
      scf.for %parallel_loop3A_615 = %parallel_loop3A_399 to %parallel_loop3A_400 step %parallel_loop3A_401  : i32 {
        %parallel_loop3A_616 = arith.constant 64 : i32
        %parallel_loop3A_617 = arith.divsi %parallel_loop3A_615, %parallel_loop3A_616 : i32
        %parallel_loop3A_618 = arith.constant 0 : i32
        %parallel_loop3A_619 = arith.cmpi sgt, %parallel_loop3A_615, %parallel_loop3A_618 : i32
        %parallel_loop3A_620 = arith.extui %parallel_loop3A_619 : i1 to i32
        %parallel_loop3A_621 = arith.constant 0 : i32
        %parallel_loop3A_622 = arith.cmpi slt, %parallel_loop3A_615, %parallel_loop3A_621 : i32
        %parallel_loop3A_623 = arith.extui %parallel_loop3A_622 : i1 to i32
        %parallel_loop3A_624 = arith.subi %parallel_loop3A_620, %parallel_loop3A_623 : i32
        %parallel_loop3A_625 = arith.constant 0 : i32
        %parallel_loop3A_626 = arith.cmpi sgt, %parallel_loop3A_616, %parallel_loop3A_625 : i32
        %parallel_loop3A_627 = arith.extui %parallel_loop3A_626 : i1 to i32
        %parallel_loop3A_628 = arith.constant 0 : i32
        %parallel_loop3A_629 = arith.cmpi slt, %parallel_loop3A_616, %parallel_loop3A_628 : i32
        %parallel_loop3A_630 = arith.extui %parallel_loop3A_629 : i1 to i32
        %parallel_loop3A_631 = arith.subi %parallel_loop3A_627, %parallel_loop3A_630 : i32
        %parallel_loop3A_632 = arith.cmpi ne, %parallel_loop3A_624, %parallel_loop3A_631 : i32
        %parallel_loop3A_633 = arith.remsi %parallel_loop3A_615, %parallel_loop3A_616 : i32
        %parallel_loop3A_634 = arith.constant 0 : i32
        %parallel_loop3A_635 = arith.cmpi ne, %parallel_loop3A_633, %parallel_loop3A_634 : i32
        %parallel_loop3A_636 = arith.andi %parallel_loop3A_632, %parallel_loop3A_635 : i1
        %parallel_loop3A_637 = arith.constant 1 : i32
        %parallel_loop3A_638 = arith.subi %parallel_loop3A_617, %parallel_loop3A_637 : i32
        %parallel_loop3A_639 = arith.select %parallel_loop3A_636, %parallel_loop3A_638, %parallel_loop3A_617 : i32
        %parallel_loop3A_640 = arith.constant 64 : i32
        %parallel_loop3A_641 = arith.constant 0 : i32
        %parallel_loop3A_642 = arith.cmpi eq, %parallel_loop3A_640, %parallel_loop3A_641 : i32
        %parallel_loop3A_643 = arith.constant 1 : i32
        %parallel_loop3A_644 = arith.select %parallel_loop3A_642, %parallel_loop3A_643, %parallel_loop3A_640 : i32
        %parallel_loop3A_645 = arith.remsi %parallel_loop3A_615, %parallel_loop3A_644 : i32
        %parallel_loop3A_646 = arith.constant 0 : i32
        %parallel_loop3A_647 = arith.cmpi ne, %parallel_loop3A_645, %parallel_loop3A_646 : i32
        %parallel_loop3A_648 = arith.constant 0 : i32
        %parallel_loop3A_649 = arith.cmpi slt, %parallel_loop3A_645, %parallel_loop3A_648 : i32
        %parallel_loop3A_650 = arith.constant 0 : i32
        %parallel_loop3A_651 = arith.cmpi slt, %parallel_loop3A_644, %parallel_loop3A_650 : i32
        %parallel_loop3A_652 = arith.xori %parallel_loop3A_649, %parallel_loop3A_651 : i1
        %parallel_loop3A_653 = arith.andi %parallel_loop3A_652, %parallel_loop3A_647 : i1
        %parallel_loop3A_654 = arith.addi %parallel_loop3A_645, %parallel_loop3A_644 : i32
        %parallel_loop3A_655 = arith.select %parallel_loop3A_653, %parallel_loop3A_654, %parallel_loop3A_645 : i32
        %parallel_loop3A_656 = arith.constant 16 : i32
        %parallel_loop3A_657 = arith.muli %parallel_loop3A_655, %parallel_loop3A_656 : i32
        %parallel_loop3A_658 = arith.index_cast %parallel_loop3A_639 : i32 to index
        %parallel_loop3A_659 = arith.index_cast %parallel_loop3A_657 : i32 to index
        %parallel_loop3A_660 = tpu.vector_load %arg10[%parallel_loop3A_658, %parallel_loop3A_659] {strides = array<i32>} : memref<4x1024xf32, #tpu.memory_space<vmem>>, vector<1x16xf32>,
        %parallel_loop3A_661 = vector.shape_cast %parallel_loop3A_660 : vector<1x16xf32> to vector<16xf32>
        %parallel_loop3A_662 = arith.index_cast %parallel_loop3A_639 : i32 to index
        %parallel_loop3A_663 = arith.index_cast %parallel_loop3A_657 : i32 to index
        %parallel_loop3A_664 = tpu.vector_load %arg14[%parallel_loop3A_662, %parallel_loop3A_663] {strides = array<i32>} : memref<4x1024xf32, #tpu.memory_space<vmem>>, vector<1x16xf32>,
        %parallel_loop3A_665 = vector.shape_cast %parallel_loop3A_664 : vector<1x16xf32> to vector<16xf32>
        %parallel_loop3A_666 = vector.shape_cast %parallel_loop3A_661 : vector<16xf32> to vector<1x16xf32>
        tpu.vector_store %arg14[%parallel_loop3A_662, %parallel_loop3A_663], %parallel_loop3A_666 {add = true, strides = array<i32>} : memref<4x1024xf32, #tpu.memory_space<vmem>>, vector<1x16xf32>,
      } {sc.loop_unroll_factor = 8 : i64, sc.parallel_access}
      %mul3A_402 = arith.constant 4 : i32
      %mul3A_403 = arith.muli %add3A_312, %mul3A_402 : i32
      %add3A_404 = arith.addi %mul3A_2, %mul3A_403 : i32
      %add3A_405 = arith.constant 24576 : i32
      %add3A_406 = arith.addi %add3A_405, %add3A_404 : i32
      %dma_start3A_407 = arith.constant 0 : i32
      %dma_start3A_408 = tpu.memref_slice %arg4[%add3A_406, %dma_start3A_407] : memref<32768x1024xf32, #tpu.memory_space<hbm>> -> memref<4x1024xf32, #tpu.memory_space<hbm>>
      %dma_start3A_409 = arith.constant 0 : i32
      %dma_start3A_410 = tpu.memref_slice %arg4[%add3A_406, %dma_start3A_409] : memref<32768x1024xf32, #tpu.memory_space<hbm>> -> memref<4x1024xf32, #tpu.memory_space<hbm>>
      tpu.enqueue_dma source(%arg14 : memref<4x1024xf32, #tpu.memory_space<vmem>>) target(%dma_start3A_410 : memref<4x1024xf32, #tpu.memory_space<hbm>>) target_semaphore(%arg30 : memref<!tpu.dma_semaphore, #tpu.memory_space<semaphore_mem>>)
      %mul3A_411 = arith.constant 4 : i32
      %mul3A_412 = arith.muli %mul3A_411, %scan3A_210 : i32
      %add3A_413 = arith.constant 2 : i32
      %add3A_414 = arith.addi %mul3A_412, %add3A_413 : i32
      %add3A_415 = arith.constant 2 : i32
      %add3A_416 = arith.addi %add3A_414, %add3A_415 : i32
      %lt3A_417 = arith.constant 64 : i32
      %lt3A_418 = arith.cmpi slt, %add3A_416, %lt3A_417 : i32
      %convert_element_type3A_419 = arith.extui %lt3A_418 : i1 to i32
      %cond3A_420 = arith.constant 0 : i32
      %cond3A_421 = arith.cmpi ne, %convert_element_type3A_419, %cond3A_420 : i32
      scf.if %cond3A_421 {
        %ge3A = arith.constant 2 : i32
        %ge3A_615 = arith.cmpi sge, %add3A_414, %ge3A : i32
        %convert_element_type3A_616 = arith.extui %ge3A_615 : i1 to i32
        %cond3A_617 = arith.constant 0 : i32
        %cond3A_618 = arith.cmpi ne, %convert_element_type3A_616, %cond3A_617 : i32
        scf.if %cond3A_618 {
          %sub3A = arith.constant 2 : i32
          %sub3A_664 = arith.subi %add3A_414, %sub3A : i32
          %mul3A_665 = arith.constant 4 : i32
          %mul3A_666 = arith.muli %sub3A_664, %mul3A_665 : i32
          %add3A_667 = arith.addi %mul3A_2, %mul3A_666 : i32
          %add3A_668 = arith.constant 0 : i32
          %add3A_669 = arith.addi %add3A_668, %add3A_667 : i32
          %dma_wait3A_670 = arith.constant 0 : i32
          %dma_wait3A_671 = tpu.memref_slice %arg4[%add3A_669, %dma_wait3A_670] : memref<32768x1024xf32, #tpu.memory_space<hbm>> -> memref<4x1024xf32, #tpu.memory_space<hbm>>
          %dma_wait3A_672 = arith.constant 0 : i32
          %dma_wait3A_673 = tpu.memref_slice %arg4[%add3A_669, %dma_wait3A_672] : memref<32768x1024xf32, #tpu.memory_space<hbm>> -> memref<4x1024xf32, #tpu.memory_space<hbm>>
          tpu.wait_dma2 semaphore(%arg29 : memref<!tpu.dma_semaphore, #tpu.memory_space<semaphore_mem>>) src(%arg6 : memref<4x1024xf32, #tpu.memory_space<vmem>>) dst(%dma_wait3A_673 : memref<4x1024xf32, #tpu.memory_space<hbm>>)
          %sub3A_674 = arith.constant 2 : i32
          %sub3A_675 = arith.subi %add3A_414, %sub3A_674 : i32
          %mul3A_676 = arith.constant 4 : i32
          %mul3A_677 = arith.muli %sub3A_675, %mul3A_676 : i32
          %add3A_678 = arith.addi %mul3A_2, %mul3A_677 : i32
          %add3A_679 = arith.constant 8192 : i32
          %add3A_680 = arith.addi %add3A_679, %add3A_678 : i32
          %dma_wait3A_681 = arith.constant 0 : i32
          %dma_wait3A_682 = tpu.memref_slice %arg4[%add3A_680, %dma_wait3A_681] : memref<32768x1024xf32, #tpu.memory_space<hbm>> -> memref<4x1024xf32, #tpu.memory_space<hbm>>
          %dma_wait3A_683 = arith.constant 0 : i32
          %dma_wait3A_684 = tpu.memref_slice %arg4[%add3A_680, %dma_wait3A_683] : memref<32768x1024xf32, #tpu.memory_space<hbm>> -> memref<4x1024xf32, #tpu.memory_space<hbm>>
          tpu.wait_dma2 semaphore(%arg29 : memref<!tpu.dma_semaphore, #tpu.memory_space<semaphore_mem>>) src(%arg7 : memref<4x1024xf32, #tpu.memory_space<vmem>>) dst(%dma_wait3A_684 : memref<4x1024xf32, #tpu.memory_space<hbm>>)
          %sub3A_685 = arith.constant 2 : i32
          %sub3A_686 = arith.subi %add3A_414, %sub3A_685 : i32
          %mul3A_687 = arith.constant 4 : i32
          %mul3A_688 = arith.muli %sub3A_686, %mul3A_687 : i32
          %add3A_689 = arith.addi %mul3A_2, %mul3A_688 : i32
          %add3A_690 = arith.constant 16384 : i32
          %add3A_691 = arith.addi %add3A_690, %add3A_689 : i32
          %dma_wait3A_692 = arith.constant 0 : i32
          %dma_wait3A_693 = tpu.memref_slice %arg4[%add3A_691, %dma_wait3A_692] : memref<32768x1024xf32, #tpu.memory_space<hbm>> -> memref<4x1024xf32, #tpu.memory_space<hbm>>
          %dma_wait3A_694 = arith.constant 0 : i32
          %dma_wait3A_695 = tpu.memref_slice %arg4[%add3A_691, %dma_wait3A_694] : memref<32768x1024xf32, #tpu.memory_space<hbm>> -> memref<4x1024xf32, #tpu.memory_space<hbm>>
          tpu.wait_dma2 semaphore(%arg29 : memref<!tpu.dma_semaphore, #tpu.memory_space<semaphore_mem>>) src(%arg8 : memref<4x1024xf32, #tpu.memory_space<vmem>>) dst(%dma_wait3A_695 : memref<4x1024xf32, #tpu.memory_space<hbm>>)
          %sub3A_696 = arith.constant 2 : i32
          %sub3A_697 = arith.subi %add3A_414, %sub3A_696 : i32
          %mul3A_698 = arith.constant 4 : i32
          %mul3A_699 = arith.muli %sub3A_697, %mul3A_698 : i32
          %add3A_700 = arith.addi %mul3A_2, %mul3A_699 : i32
          %add3A_701 = arith.constant 24576 : i32
          %add3A_702 = arith.addi %add3A_701, %add3A_700 : i32
          %dma_wait3A_703 = arith.constant 0 : i32
          %dma_wait3A_704 = tpu.memref_slice %arg4[%add3A_702, %dma_wait3A_703] : memref<32768x1024xf32, #tpu.memory_space<hbm>> -> memref<4x1024xf32, #tpu.memory_space<hbm>>
          %dma_wait3A_705 = arith.constant 0 : i32
          %dma_wait3A_706 = tpu.memref_slice %arg4[%add3A_702, %dma_wait3A_705] : memref<32768x1024xf32, #tpu.memory_space<hbm>> -> memref<4x1024xf32, #tpu.memory_space<hbm>>
          tpu.wait_dma2 semaphore(%arg29 : memref<!tpu.dma_semaphore, #tpu.memory_space<semaphore_mem>>) src(%arg9 : memref<4x1024xf32, #tpu.memory_space<vmem>>) dst(%dma_wait3A_706 : memref<4x1024xf32, #tpu.memory_space<hbm>>)
        } else {
        }
        %add3A_619 = arith.constant 2 : i32
        %add3A_620 = arith.addi %add3A_414, %add3A_619 : i32
        %mul3A_621 = arith.constant 4 : i32
        %mul3A_622 = arith.muli %add3A_620, %mul3A_621 : i32
        %add3A_623 = arith.addi %mul3A_2, %mul3A_622 : i32
        %dma_start3A_624 = arith.constant 0 : i32
        %dma_start3A_625 = tpu.memref_slice %arg3[%add3A_623, %dma_start3A_624] : memref<8192x1024xf32, #tpu.memory_space<hbm>> -> memref<4x1024xf32, #tpu.memory_space<hbm>>
        %dma_start3A_626 = arith.constant 0 : i32
        %dma_start3A_627 = tpu.memref_slice %arg3[%add3A_623, %dma_start3A_626] : memref<8192x1024xf32, #tpu.memory_space<hbm>> -> memref<4x1024xf32, #tpu.memory_space<hbm>>
        tpu.enqueue_dma source(%dma_start3A_627 : memref<4x1024xf32, #tpu.memory_space<hbm>>) target(%arg5 : memref<4x1024xf32, #tpu.memory_space<vmem>>) target_semaphore(%arg25 : memref<!tpu.dma_semaphore, #tpu.memory_space<semaphore_mem>>)
        %mul3A_628 = arith.constant 4 : i32
        %mul3A_629 = arith.muli %add3A_620, %mul3A_628 : i32
        %add3A_630 = arith.addi %mul3A_2, %mul3A_629 : i32
        %add3A_631 = arith.constant 0 : i32
        %add3A_632 = arith.addi %add3A_631, %add3A_630 : i32
        %dma_start3A_633 = arith.constant 0 : i32
        %dma_start3A_634 = tpu.memref_slice %arg2[%add3A_632, %dma_start3A_633] : memref<32768x1024xf32, #tpu.memory_space<hbm>> -> memref<4x1024xf32, #tpu.memory_space<hbm>>
        %dma_start3A_635 = arith.constant 0 : i32
        %dma_start3A_636 = tpu.memref_slice %arg2[%add3A_632, %dma_start3A_635] : memref<32768x1024xf32, #tpu.memory_space<hbm>> -> memref<4x1024xf32, #tpu.memory_space<hbm>>
        tpu.enqueue_dma source(%dma_start3A_636 : memref<4x1024xf32, #tpu.memory_space<hbm>>) target(%arg6 : memref<4x1024xf32, #tpu.memory_space<vmem>>) target_semaphore(%arg25 : memref<!tpu.dma_semaphore, #tpu.memory_space<semaphore_mem>>)
        %mul3A_637 = arith.constant 4 : i32
        %mul3A_638 = arith.muli %add3A_620, %mul3A_637 : i32
        %add3A_639 = arith.addi %mul3A_2, %mul3A_638 : i32
        %add3A_640 = arith.constant 8192 : i32
        %add3A_641 = arith.addi %add3A_640, %add3A_639 : i32
        %dma_start3A_642 = arith.constant 0 : i32
        %dma_start3A_643 = tpu.memref_slice %arg2[%add3A_641, %dma_start3A_642] : memref<32768x1024xf32, #tpu.memory_space<hbm>> -> memref<4x1024xf32, #tpu.memory_space<hbm>>
        %dma_start3A_644 = arith.constant 0 : i32
        %dma_start3A_645 = tpu.memref_slice %arg2[%add3A_641, %dma_start3A_644] : memref<32768x1024xf32, #tpu.memory_space<hbm>> -> memref<4x1024xf32, #tpu.memory_space<hbm>>
        tpu.enqueue_dma source(%dma_start3A_645 : memref<4x1024xf32, #tpu.memory_space<hbm>>) target(%arg7 : memref<4x1024xf32, #tpu.memory_space<vmem>>) target_semaphore(%arg25 : memref<!tpu.dma_semaphore, #tpu.memory_space<semaphore_mem>>)
        %mul3A_646 = arith.constant 4 : i32
        %mul3A_647 = arith.muli %add3A_620, %mul3A_646 : i32
        %add3A_648 = arith.addi %mul3A_2, %mul3A_647 : i32
        %add3A_649 = arith.constant 16384 : i32
        %add3A_650 = arith.addi %add3A_649, %add3A_648 : i32
        %dma_start3A_651 = arith.constant 0 : i32
        %dma_start3A_652 = tpu.memref_slice %arg2[%add3A_650, %dma_start3A_651] : memref<32768x1024xf32, #tpu.memory_space<hbm>> -> memref<4x1024xf32, #tpu.memory_space<hbm>>
        %dma_start3A_653 = arith.constant 0 : i32
        %dma_start3A_654 = tpu.memref_slice %arg2[%add3A_650, %dma_start3A_653] : memref<32768x1024xf32, #tpu.memory_space<hbm>> -> memref<4x1024xf32, #tpu.memory_space<hbm>>
        tpu.enqueue_dma source(%dma_start3A_654 : memref<4x1024xf32, #tpu.memory_space<hbm>>) target(%arg8 : memref<4x1024xf32, #tpu.memory_space<vmem>>) target_semaphore(%arg25 : memref<!tpu.dma_semaphore, #tpu.memory_space<semaphore_mem>>)
        %mul3A_655 = arith.constant 4 : i32
        %mul3A_656 = arith.muli %add3A_620, %mul3A_655 : i32
        %add3A_657 = arith.addi %mul3A_2, %mul3A_656 : i32
        %add3A_658 = arith.constant 24576 : i32
        %add3A_659 = arith.addi %add3A_658, %add3A_657 : i32
        %dma_start3A_660 = arith.constant 0 : i32
        %dma_start3A_661 = tpu.memref_slice %arg2[%add3A_659, %dma_start3A_660] : memref<32768x1024xf32, #tpu.memory_space<hbm>> -> memref<4x1024xf32, #tpu.memory_space<hbm>>
        %dma_start3A_662 = arith.constant 0 : i32
        %dma_start3A_663 = tpu.memref_slice %arg2[%add3A_659, %dma_start3A_662] : memref<32768x1024xf32, #tpu.memory_space<hbm>> -> memref<4x1024xf32, #tpu.memory_space<hbm>>
        tpu.enqueue_dma source(%dma_start3A_663 : memref<4x1024xf32, #tpu.memory_space<hbm>>) target(%arg9 : memref<4x1024xf32, #tpu.memory_space<vmem>>) target_semaphore(%arg25 : memref<!tpu.dma_semaphore, #tpu.memory_space<semaphore_mem>>)
      } else {
      }
      %mul3A_422 = arith.constant 4 : i32
      %mul3A_423 = arith.muli %add3A_414, %mul3A_422 : i32
      %add3A_424 = arith.addi %mul3A_2, %mul3A_423 : i32
      %dma_wait3A_425 = arith.constant 0 : i32
      %dma_wait3A_426 = tpu.memref_slice %arg3[%add3A_424, %dma_wait3A_425] : memref<8192x1024xf32, #tpu.memory_space<hbm>> -> memref<4x1024xf32, #tpu.memory_space<hbm>>
      %dma_wait3A_427 = arith.constant 0 : i32
      %dma_wait3A_428 = tpu.memref_slice %arg3[%add3A_424, %dma_wait3A_427] : memref<8192x1024xf32, #tpu.memory_space<hbm>> -> memref<4x1024xf32, #tpu.memory_space<hbm>>
      tpu.wait_dma2 semaphore(%arg27 : memref<!tpu.dma_semaphore, #tpu.memory_space<semaphore_mem>>) src(%dma_wait3A_428 : memref<4x1024xf32, #tpu.memory_space<hbm>>) dst(%arg15 : memref<4x1024xf32, #tpu.memory_space<vmem>>)
      %mul3A_429 = arith.constant 4 : i32
      %mul3A_430 = arith.muli %add3A_414, %mul3A_429 : i32
      %add3A_431 = arith.addi %mul3A_2, %mul3A_430 : i32
      %add3A_432 = arith.constant 0 : i32
      %add3A_433 = arith.addi %add3A_432, %add3A_431 : i32
      %dma_wait3A_434 = arith.constant 0 : i32
      %dma_wait3A_435 = tpu.memref_slice %arg2[%add3A_433, %dma_wait3A_434] : memref<32768x1024xf32, #tpu.memory_space<hbm>> -> memref<4x1024xf32, #tpu.memory_space<hbm>>
      %dma_wait3A_436 = arith.constant 0 : i32
      %dma_wait3A_437 = tpu.memref_slice %arg2[%add3A_433, %dma_wait3A_436] : memref<32768x1024xf32, #tpu.memory_space<hbm>> -> memref<4x1024xf32, #tpu.memory_space<hbm>>
      tpu.wait_dma2 semaphore(%arg27 : memref<!tpu.dma_semaphore, #tpu.memory_space<semaphore_mem>>) src(%dma_wait3A_437 : memref<4x1024xf32, #tpu.memory_space<hbm>>) dst(%arg16 : memref<4x1024xf32, #tpu.memory_space<vmem>>)
      %mul3A_438 = arith.constant 4 : i32
      %mul3A_439 = arith.muli %add3A_414, %mul3A_438 : i32
      %add3A_440 = arith.addi %mul3A_2, %mul3A_439 : i32
      %add3A_441 = arith.constant 8192 : i32
      %add3A_442 = arith.addi %add3A_441, %add3A_440 : i32
      %dma_wait3A_443 = arith.constant 0 : i32
      %dma_wait3A_444 = tpu.memref_slice %arg2[%add3A_442, %dma_wait3A_443] : memref<32768x1024xf32, #tpu.memory_space<hbm>> -> memref<4x1024xf32, #tpu.memory_space<hbm>>
      %dma_wait3A_445 = arith.constant 0 : i32
      %dma_wait3A_446 = tpu.memref_slice %arg2[%add3A_442, %dma_wait3A_445] : memref<32768x1024xf32, #tpu.memory_space<hbm>> -> memref<4x1024xf32, #tpu.memory_space<hbm>>
      tpu.wait_dma2 semaphore(%arg27 : memref<!tpu.dma_semaphore, #tpu.memory_space<semaphore_mem>>) src(%dma_wait3A_446 : memref<4x1024xf32, #tpu.memory_space<hbm>>) dst(%arg17 : memref<4x1024xf32, #tpu.memory_space<vmem>>)
      %mul3A_447 = arith.constant 4 : i32
      %mul3A_448 = arith.muli %add3A_414, %mul3A_447 : i32
      %add3A_449 = arith.addi %mul3A_2, %mul3A_448 : i32
      %add3A_450 = arith.constant 16384 : i32
      %add3A_451 = arith.addi %add3A_450, %add3A_449 : i32
      %dma_wait3A_452 = arith.constant 0 : i32
      %dma_wait3A_453 = tpu.memref_slice %arg2[%add3A_451, %dma_wait3A_452] : memref<32768x1024xf32, #tpu.memory_space<hbm>> -> memref<4x1024xf32, #tpu.memory_space<hbm>>
      %dma_wait3A_454 = arith.constant 0 : i32
      %dma_wait3A_455 = tpu.memref_slice %arg2[%add3A_451, %dma_wait3A_454] : memref<32768x1024xf32, #tpu.memory_space<hbm>> -> memref<4x1024xf32, #tpu.memory_space<hbm>>
      tpu.wait_dma2 semaphore(%arg27 : memref<!tpu.dma_semaphore, #tpu.memory_space<semaphore_mem>>) src(%dma_wait3A_455 : memref<4x1024xf32, #tpu.memory_space<hbm>>) dst(%arg18 : memref<4x1024xf32, #tpu.memory_space<vmem>>)
      %mul3A_456 = arith.constant 4 : i32
      %mul3A_457 = arith.muli %add3A_414, %mul3A_456 : i32
      %add3A_458 = arith.addi %mul3A_2, %mul3A_457 : i32
      %add3A_459 = arith.constant 24576 : i32
      %add3A_460 = arith.addi %add3A_459, %add3A_458 : i32
      %dma_wait3A_461 = arith.constant 0 : i32
      %dma_wait3A_462 = tpu.memref_slice %arg2[%add3A_460, %dma_wait3A_461] : memref<32768x1024xf32, #tpu.memory_space<hbm>> -> memref<4x1024xf32, #tpu.memory_space<hbm>>
      %dma_wait3A_463 = arith.constant 0 : i32
      %dma_wait3A_464 = tpu.memref_slice %arg2[%add3A_460, %dma_wait3A_463] : memref<32768x1024xf32, #tpu.memory_space<hbm>> -> memref<4x1024xf32, #tpu.memory_space<hbm>>
      tpu.wait_dma2 semaphore(%arg27 : memref<!tpu.dma_semaphore, #tpu.memory_space<semaphore_mem>>) src(%dma_wait3A_464 : memref<4x1024xf32, #tpu.memory_space<hbm>>) dst(%arg19 : memref<4x1024xf32, #tpu.memory_space<vmem>>)
      %parallel_loop3A_465 = arith.constant 0 : i32
      %parallel_loop3A_466 = arith.constant 256 : i32
      %parallel_loop3A_467 = arith.constant 1 : i32
      scf.for %parallel_loop3A_615 = %parallel_loop3A_465 to %parallel_loop3A_466 step %parallel_loop3A_467  : i32 {
        %parallel_loop3A_616 = arith.constant 64 : i32
        %parallel_loop3A_617 = arith.divsi %parallel_loop3A_615, %parallel_loop3A_616 : i32
        %parallel_loop3A_618 = arith.constant 0 : i32
        %parallel_loop3A_619 = arith.cmpi sgt, %parallel_loop3A_615, %parallel_loop3A_618 : i32
        %parallel_loop3A_620 = arith.extui %parallel_loop3A_619 : i1 to i32
        %parallel_loop3A_621 = arith.constant 0 : i32
        %parallel_loop3A_622 = arith.cmpi slt, %parallel_loop3A_615, %parallel_loop3A_621 : i32
        %parallel_loop3A_623 = arith.extui %parallel_loop3A_622 : i1 to i32
        %parallel_loop3A_624 = arith.subi %parallel_loop3A_620, %parallel_loop3A_623 : i32
        %parallel_loop3A_625 = arith.constant 0 : i32
        %parallel_loop3A_626 = arith.cmpi sgt, %parallel_loop3A_616, %parallel_loop3A_625 : i32
        %parallel_loop3A_627 = arith.extui %parallel_loop3A_626 : i1 to i32
        %parallel_loop3A_628 = arith.constant 0 : i32
        %parallel_loop3A_629 = arith.cmpi slt, %parallel_loop3A_616, %parallel_loop3A_628 : i32
        %parallel_loop3A_630 = arith.extui %parallel_loop3A_629 : i1 to i32
        %parallel_loop3A_631 = arith.subi %parallel_loop3A_627, %parallel_loop3A_630 : i32
        %parallel_loop3A_632 = arith.cmpi ne, %parallel_loop3A_624, %parallel_loop3A_631 : i32
        %parallel_loop3A_633 = arith.remsi %parallel_loop3A_615, %parallel_loop3A_616 : i32
        %parallel_loop3A_634 = arith.constant 0 : i32
        %parallel_loop3A_635 = arith.cmpi ne, %parallel_loop3A_633, %parallel_loop3A_634 : i32
        %parallel_loop3A_636 = arith.andi %parallel_loop3A_632, %parallel_loop3A_635 : i1
        %parallel_loop3A_637 = arith.constant 1 : i32
        %parallel_loop3A_638 = arith.subi %parallel_loop3A_617, %parallel_loop3A_637 : i32
        %parallel_loop3A_639 = arith.select %parallel_loop3A_636, %parallel_loop3A_638, %parallel_loop3A_617 : i32
        %parallel_loop3A_640 = arith.constant 64 : i32
        %parallel_loop3A_641 = arith.constant 0 : i32
        %parallel_loop3A_642 = arith.cmpi eq, %parallel_loop3A_640, %parallel_loop3A_641 : i32
        %parallel_loop3A_643 = arith.constant 1 : i32
        %parallel_loop3A_644 = arith.select %parallel_loop3A_642, %parallel_loop3A_643, %parallel_loop3A_640 : i32
        %parallel_loop3A_645 = arith.remsi %parallel_loop3A_615, %parallel_loop3A_644 : i32
        %parallel_loop3A_646 = arith.constant 0 : i32
        %parallel_loop3A_647 = arith.cmpi ne, %parallel_loop3A_645, %parallel_loop3A_646 : i32
        %parallel_loop3A_648 = arith.constant 0 : i32
        %parallel_loop3A_649 = arith.cmpi slt, %parallel_loop3A_645, %parallel_loop3A_648 : i32
        %parallel_loop3A_650 = arith.constant 0 : i32
        %parallel_loop3A_651 = arith.cmpi slt, %parallel_loop3A_644, %parallel_loop3A_650 : i32
        %parallel_loop3A_652 = arith.xori %parallel_loop3A_649, %parallel_loop3A_651 : i1
        %parallel_loop3A_653 = arith.andi %parallel_loop3A_652, %parallel_loop3A_647 : i1
        %parallel_loop3A_654 = arith.addi %parallel_loop3A_645, %parallel_loop3A_644 : i32
        %parallel_loop3A_655 = arith.select %parallel_loop3A_653, %parallel_loop3A_654, %parallel_loop3A_645 : i32
        %parallel_loop3A_656 = arith.constant 16 : i32
        %parallel_loop3A_657 = arith.muli %parallel_loop3A_655, %parallel_loop3A_656 : i32
        %parallel_loop3A_658 = arith.index_cast %parallel_loop3A_639 : i32 to index
        %parallel_loop3A_659 = arith.index_cast %parallel_loop3A_657 : i32 to index
        %parallel_loop3A_660 = tpu.vector_load %arg15[%parallel_loop3A_658, %parallel_loop3A_659] {strides = array<i32>} : memref<4x1024xf32, #tpu.memory_space<vmem>>, vector<1x16xf32>,
        %parallel_loop3A_661 = vector.shape_cast %parallel_loop3A_660 : vector<1x16xf32> to vector<16xf32>
        %parallel_loop3A_662 = arith.index_cast %parallel_loop3A_639 : i32 to index
        %parallel_loop3A_663 = arith.index_cast %parallel_loop3A_657 : i32 to index
        %parallel_loop3A_664 = tpu.vector_load %arg16[%parallel_loop3A_662, %parallel_loop3A_663] {strides = array<i32>} : memref<4x1024xf32, #tpu.memory_space<vmem>>, vector<1x16xf32>,
        %parallel_loop3A_665 = vector.shape_cast %parallel_loop3A_664 : vector<1x16xf32> to vector<16xf32>
        %parallel_loop3A_666 = vector.shape_cast %parallel_loop3A_661 : vector<16xf32> to vector<1x16xf32>
        tpu.vector_store %arg16[%parallel_loop3A_662, %parallel_loop3A_663], %parallel_loop3A_666 {add = true, strides = array<i32>} : memref<4x1024xf32, #tpu.memory_space<vmem>>, vector<1x16xf32>,
      } {sc.loop_unroll_factor = 8 : i64, sc.parallel_access}
      %mul3A_468 = arith.constant 4 : i32
      %mul3A_469 = arith.muli %add3A_414, %mul3A_468 : i32
      %add3A_470 = arith.addi %mul3A_2, %mul3A_469 : i32
      %add3A_471 = arith.constant 0 : i32
      %add3A_472 = arith.addi %add3A_471, %add3A_470 : i32
      %dma_start3A_473 = arith.constant 0 : i32
      %dma_start3A_474 = tpu.memref_slice %arg4[%add3A_472, %dma_start3A_473] : memref<32768x1024xf32, #tpu.memory_space<hbm>> -> memref<4x1024xf32, #tpu.memory_space<hbm>>
      %dma_start3A_475 = arith.constant 0 : i32
      %dma_start3A_476 = tpu.memref_slice %arg4[%add3A_472, %dma_start3A_475] : memref<32768x1024xf32, #tpu.memory_space<hbm>> -> memref<4x1024xf32, #tpu.memory_space<hbm>>
      tpu.enqueue_dma source(%arg16 : memref<4x1024xf32, #tpu.memory_space<vmem>>) target(%dma_start3A_476 : memref<4x1024xf32, #tpu.memory_space<hbm>>) target_semaphore(%arg31 : memref<!tpu.dma_semaphore, #tpu.memory_space<semaphore_mem>>)
      %parallel_loop3A_477 = arith.constant 0 : i32
      %parallel_loop3A_478 = arith.constant 256 : i32
      %parallel_loop3A_479 = arith.constant 1 : i32
      scf.for %parallel_loop3A_615 = %parallel_loop3A_477 to %parallel_loop3A_478 step %parallel_loop3A_479  : i32 {
        %parallel_loop3A_616 = arith.constant 64 : i32
        %parallel_loop3A_617 = arith.divsi %parallel_loop3A_615, %parallel_loop3A_616 : i32
        %parallel_loop3A_618 = arith.constant 0 : i32
        %parallel_loop3A_619 = arith.cmpi sgt, %parallel_loop3A_615, %parallel_loop3A_618 : i32
        %parallel_loop3A_620 = arith.extui %parallel_loop3A_619 : i1 to i32
        %parallel_loop3A_621 = arith.constant 0 : i32
        %parallel_loop3A_622 = arith.cmpi slt, %parallel_loop3A_615, %parallel_loop3A_621 : i32
        %parallel_loop3A_623 = arith.extui %parallel_loop3A_622 : i1 to i32
        %parallel_loop3A_624 = arith.subi %parallel_loop3A_620, %parallel_loop3A_623 : i32
        %parallel_loop3A_625 = arith.constant 0 : i32
        %parallel_loop3A_626 = arith.cmpi sgt, %parallel_loop3A_616, %parallel_loop3A_625 : i32
        %parallel_loop3A_627 = arith.extui %parallel_loop3A_626 : i1 to i32
        %parallel_loop3A_628 = arith.constant 0 : i32
        %parallel_loop3A_629 = arith.cmpi slt, %parallel_loop3A_616, %parallel_loop3A_628 : i32
        %parallel_loop3A_630 = arith.extui %parallel_loop3A_629 : i1 to i32
        %parallel_loop3A_631 = arith.subi %parallel_loop3A_627, %parallel_loop3A_630 : i32
        %parallel_loop3A_632 = arith.cmpi ne, %parallel_loop3A_624, %parallel_loop3A_631 : i32
        %parallel_loop3A_633 = arith.remsi %parallel_loop3A_615, %parallel_loop3A_616 : i32
        %parallel_loop3A_634 = arith.constant 0 : i32
        %parallel_loop3A_635 = arith.cmpi ne, %parallel_loop3A_633, %parallel_loop3A_634 : i32
        %parallel_loop3A_636 = arith.andi %parallel_loop3A_632, %parallel_loop3A_635 : i1
        %parallel_loop3A_637 = arith.constant 1 : i32
        %parallel_loop3A_638 = arith.subi %parallel_loop3A_617, %parallel_loop3A_637 : i32
        %parallel_loop3A_639 = arith.select %parallel_loop3A_636, %parallel_loop3A_638, %parallel_loop3A_617 : i32
        %parallel_loop3A_640 = arith.constant 64 : i32
        %parallel_loop3A_641 = arith.constant 0 : i32
        %parallel_loop3A_642 = arith.cmpi eq, %parallel_loop3A_640, %parallel_loop3A_641 : i32
        %parallel_loop3A_643 = arith.constant 1 : i32
        %parallel_loop3A_644 = arith.select %parallel_loop3A_642, %parallel_loop3A_643, %parallel_loop3A_640 : i32
        %parallel_loop3A_645 = arith.remsi %parallel_loop3A_615, %parallel_loop3A_644 : i32
        %parallel_loop3A_646 = arith.constant 0 : i32
        %parallel_loop3A_647 = arith.cmpi ne, %parallel_loop3A_645, %parallel_loop3A_646 : i32
        %parallel_loop3A_648 = arith.constant 0 : i32
        %parallel_loop3A_649 = arith.cmpi slt, %parallel_loop3A_645, %parallel_loop3A_648 : i32
        %parallel_loop3A_650 = arith.constant 0 : i32
        %parallel_loop3A_651 = arith.cmpi slt, %parallel_loop3A_644, %parallel_loop3A_650 : i32
        %parallel_loop3A_652 = arith.xori %parallel_loop3A_649, %parallel_loop3A_651 : i1
        %parallel_loop3A_653 = arith.andi %parallel_loop3A_652, %parallel_loop3A_647 : i1
        %parallel_loop3A_654 = arith.addi %parallel_loop3A_645, %parallel_loop3A_644 : i32
        %parallel_loop3A_655 = arith.select %parallel_loop3A_653, %parallel_loop3A_654, %parallel_loop3A_645 : i32
        %parallel_loop3A_656 = arith.constant 16 : i32
        %parallel_loop3A_657 = arith.muli %parallel_loop3A_655, %parallel_loop3A_656 : i32
        %parallel_loop3A_658 = arith.index_cast %parallel_loop3A_639 : i32 to index
        %parallel_loop3A_659 = arith.index_cast %parallel_loop3A_657 : i32 to index
        %parallel_loop3A_660 = tpu.vector_load %arg15[%parallel_loop3A_658, %parallel_loop3A_659] {strides = array<i32>} : memref<4x1024xf32, #tpu.memory_space<vmem>>, vector<1x16xf32>,
        %parallel_loop3A_661 = vector.shape_cast %parallel_loop3A_660 : vector<1x16xf32> to vector<16xf32>
        %parallel_loop3A_662 = arith.index_cast %parallel_loop3A_639 : i32 to index
        %parallel_loop3A_663 = arith.index_cast %parallel_loop3A_657 : i32 to index
        %parallel_loop3A_664 = tpu.vector_load %arg17[%parallel_loop3A_662, %parallel_loop3A_663] {strides = array<i32>} : memref<4x1024xf32, #tpu.memory_space<vmem>>, vector<1x16xf32>,
        %parallel_loop3A_665 = vector.shape_cast %parallel_loop3A_664 : vector<1x16xf32> to vector<16xf32>
        %parallel_loop3A_666 = vector.shape_cast %parallel_loop3A_661 : vector<16xf32> to vector<1x16xf32>
        tpu.vector_store %arg17[%parallel_loop3A_662, %parallel_loop3A_663], %parallel_loop3A_666 {add = true, strides = array<i32>} : memref<4x1024xf32, #tpu.memory_space<vmem>>, vector<1x16xf32>,
      } {sc.loop_unroll_factor = 8 : i64, sc.parallel_access}
      %mul3A_480 = arith.constant 4 : i32
      %mul3A_481 = arith.muli %add3A_414, %mul3A_480 : i32
      %add3A_482 = arith.addi %mul3A_2, %mul3A_481 : i32
      %add3A_483 = arith.constant 8192 : i32
      %add3A_484 = arith.addi %add3A_483, %add3A_482 : i32
      %dma_start3A_485 = arith.constant 0 : i32
      %dma_start3A_486 = tpu.memref_slice %arg4[%add3A_484, %dma_start3A_485] : memref<32768x1024xf32, #tpu.memory_space<hbm>> -> memref<4x1024xf32, #tpu.memory_space<hbm>>
      %dma_start3A_487 = arith.constant 0 : i32
      %dma_start3A_488 = tpu.memref_slice %arg4[%add3A_484, %dma_start3A_487] : memref<32768x1024xf32, #tpu.memory_space<hbm>> -> memref<4x1024xf32, #tpu.memory_space<hbm>>
      tpu.enqueue_dma source(%arg17 : memref<4x1024xf32, #tpu.memory_space<vmem>>) target(%dma_start3A_488 : memref<4x1024xf32, #tpu.memory_space<hbm>>) target_semaphore(%arg31 : memref<!tpu.dma_semaphore, #tpu.memory_space<semaphore_mem>>)
      %parallel_loop3A_489 = arith.constant 0 : i32
      %parallel_loop3A_490 = arith.constant 256 : i32
      %parallel_loop3A_491 = arith.constant 1 : i32
      scf.for %parallel_loop3A_615 = %parallel_loop3A_489 to %parallel_loop3A_490 step %parallel_loop3A_491  : i32 {
        %parallel_loop3A_616 = arith.constant 64 : i32
        %parallel_loop3A_617 = arith.divsi %parallel_loop3A_615, %parallel_loop3A_616 : i32
        %parallel_loop3A_618 = arith.constant 0 : i32
        %parallel_loop3A_619 = arith.cmpi sgt, %parallel_loop3A_615, %parallel_loop3A_618 : i32
        %parallel_loop3A_620 = arith.extui %parallel_loop3A_619 : i1 to i32
        %parallel_loop3A_621 = arith.constant 0 : i32
        %parallel_loop3A_622 = arith.cmpi slt, %parallel_loop3A_615, %parallel_loop3A_621 : i32
        %parallel_loop3A_623 = arith.extui %parallel_loop3A_622 : i1 to i32
        %parallel_loop3A_624 = arith.subi %parallel_loop3A_620, %parallel_loop3A_623 : i32
        %parallel_loop3A_625 = arith.constant 0 : i32
        %parallel_loop3A_626 = arith.cmpi sgt, %parallel_loop3A_616, %parallel_loop3A_625 : i32
        %parallel_loop3A_627 = arith.extui %parallel_loop3A_626 : i1 to i32
        %parallel_loop3A_628 = arith.constant 0 : i32
        %parallel_loop3A_629 = arith.cmpi slt, %parallel_loop3A_616, %parallel_loop3A_628 : i32
        %parallel_loop3A_630 = arith.extui %parallel_loop3A_629 : i1 to i32
        %parallel_loop3A_631 = arith.subi %parallel_loop3A_627, %parallel_loop3A_630 : i32
        %parallel_loop3A_632 = arith.cmpi ne, %parallel_loop3A_624, %parallel_loop3A_631 : i32
        %parallel_loop3A_633 = arith.remsi %parallel_loop3A_615, %parallel_loop3A_616 : i32
        %parallel_loop3A_634 = arith.constant 0 : i32
        %parallel_loop3A_635 = arith.cmpi ne, %parallel_loop3A_633, %parallel_loop3A_634 : i32
        %parallel_loop3A_636 = arith.andi %parallel_loop3A_632, %parallel_loop3A_635 : i1
        %parallel_loop3A_637 = arith.constant 1 : i32
        %parallel_loop3A_638 = arith.subi %parallel_loop3A_617, %parallel_loop3A_637 : i32
        %parallel_loop3A_639 = arith.select %parallel_loop3A_636, %parallel_loop3A_638, %parallel_loop3A_617 : i32
        %parallel_loop3A_640 = arith.constant 64 : i32
        %parallel_loop3A_641 = arith.constant 0 : i32
        %parallel_loop3A_642 = arith.cmpi eq, %parallel_loop3A_640, %parallel_loop3A_641 : i32
        %parallel_loop3A_643 = arith.constant 1 : i32
        %parallel_loop3A_644 = arith.select %parallel_loop3A_642, %parallel_loop3A_643, %parallel_loop3A_640 : i32
        %parallel_loop3A_645 = arith.remsi %parallel_loop3A_615, %parallel_loop3A_644 : i32
        %parallel_loop3A_646 = arith.constant 0 : i32
        %parallel_loop3A_647 = arith.cmpi ne, %parallel_loop3A_645, %parallel_loop3A_646 : i32
        %parallel_loop3A_648 = arith.constant 0 : i32
        %parallel_loop3A_649 = arith.cmpi slt, %parallel_loop3A_645, %parallel_loop3A_648 : i32
        %parallel_loop3A_650 = arith.constant 0 : i32
        %parallel_loop3A_651 = arith.cmpi slt, %parallel_loop3A_644, %parallel_loop3A_650 : i32
        %parallel_loop3A_652 = arith.xori %parallel_loop3A_649, %parallel_loop3A_651 : i1
        %parallel_loop3A_653 = arith.andi %parallel_loop3A_652, %parallel_loop3A_647 : i1
        %parallel_loop3A_654 = arith.addi %parallel_loop3A_645, %parallel_loop3A_644 : i32
        %parallel_loop3A_655 = arith.select %parallel_loop3A_653, %parallel_loop3A_654, %parallel_loop3A_645 : i32
        %parallel_loop3A_656 = arith.constant 16 : i32
        %parallel_loop3A_657 = arith.muli %parallel_loop3A_655, %parallel_loop3A_656 : i32
        %parallel_loop3A_658 = arith.index_cast %parallel_loop3A_639 : i32 to index
        %parallel_loop3A_659 = arith.index_cast %parallel_loop3A_657 : i32 to index
        %parallel_loop3A_660 = tpu.vector_load %arg15[%parallel_loop3A_658, %parallel_loop3A_659] {strides = array<i32>} : memref<4x1024xf32, #tpu.memory_space<vmem>>, vector<1x16xf32>,
        %parallel_loop3A_661 = vector.shape_cast %parallel_loop3A_660 : vector<1x16xf32> to vector<16xf32>
        %parallel_loop3A_662 = arith.index_cast %parallel_loop3A_639 : i32 to index
        %parallel_loop3A_663 = arith.index_cast %parallel_loop3A_657 : i32 to index
        %parallel_loop3A_664 = tpu.vector_load %arg18[%parallel_loop3A_662, %parallel_loop3A_663] {strides = array<i32>} : memref<4x1024xf32, #tpu.memory_space<vmem>>, vector<1x16xf32>,
        %parallel_loop3A_665 = vector.shape_cast %parallel_loop3A_664 : vector<1x16xf32> to vector<16xf32>
        %parallel_loop3A_666 = vector.shape_cast %parallel_loop3A_661 : vector<16xf32> to vector<1x16xf32>
        tpu.vector_store %arg18[%parallel_loop3A_662, %parallel_loop3A_663], %parallel_loop3A_666 {add = true, strides = array<i32>} : memref<4x1024xf32, #tpu.memory_space<vmem>>, vector<1x16xf32>,
      } {sc.loop_unroll_factor = 8 : i64, sc.parallel_access}
      %mul3A_492 = arith.constant 4 : i32
      %mul3A_493 = arith.muli %add3A_414, %mul3A_492 : i32
      %add3A_494 = arith.addi %mul3A_2, %mul3A_493 : i32
      %add3A_495 = arith.constant 16384 : i32
      %add3A_496 = arith.addi %add3A_495, %add3A_494 : i32
      %dma_start3A_497 = arith.constant 0 : i32
      %dma_start3A_498 = tpu.memref_slice %arg4[%add3A_496, %dma_start3A_497] : memref<32768x1024xf32, #tpu.memory_space<hbm>> -> memref<4x1024xf32, #tpu.memory_space<hbm>>
      %dma_start3A_499 = arith.constant 0 : i32
      %dma_start3A_500 = tpu.memref_slice %arg4[%add3A_496, %dma_start3A_499] : memref<32768x1024xf32, #tpu.memory_space<hbm>> -> memref<4x1024xf32, #tpu.memory_space<hbm>>
      tpu.enqueue_dma source(%arg18 : memref<4x1024xf32, #tpu.memory_space<vmem>>) target(%dma_start3A_500 : memref<4x1024xf32, #tpu.memory_space<hbm>>) target_semaphore(%arg31 : memref<!tpu.dma_semaphore, #tpu.memory_space<semaphore_mem>>)
      %parallel_loop3A_501 = arith.constant 0 : i32
      %parallel_loop3A_502 = arith.constant 256 : i32
      %parallel_loop3A_503 = arith.constant 1 : i32
      scf.for %parallel_loop3A_615 = %parallel_loop3A_501 to %parallel_loop3A_502 step %parallel_loop3A_503  : i32 {
        %parallel_loop3A_616 = arith.constant 64 : i32
        %parallel_loop3A_617 = arith.divsi %parallel_loop3A_615, %parallel_loop3A_616 : i32
        %parallel_loop3A_618 = arith.constant 0 : i32
        %parallel_loop3A_619 = arith.cmpi sgt, %parallel_loop3A_615, %parallel_loop3A_618 : i32
        %parallel_loop3A_620 = arith.extui %parallel_loop3A_619 : i1 to i32
        %parallel_loop3A_621 = arith.constant 0 : i32
        %parallel_loop3A_622 = arith.cmpi slt, %parallel_loop3A_615, %parallel_loop3A_621 : i32
        %parallel_loop3A_623 = arith.extui %parallel_loop3A_622 : i1 to i32
        %parallel_loop3A_624 = arith.subi %parallel_loop3A_620, %parallel_loop3A_623 : i32
        %parallel_loop3A_625 = arith.constant 0 : i32
        %parallel_loop3A_626 = arith.cmpi sgt, %parallel_loop3A_616, %parallel_loop3A_625 : i32
        %parallel_loop3A_627 = arith.extui %parallel_loop3A_626 : i1 to i32
        %parallel_loop3A_628 = arith.constant 0 : i32
        %parallel_loop3A_629 = arith.cmpi slt, %parallel_loop3A_616, %parallel_loop3A_628 : i32
        %parallel_loop3A_630 = arith.extui %parallel_loop3A_629 : i1 to i32
        %parallel_loop3A_631 = arith.subi %parallel_loop3A_627, %parallel_loop3A_630 : i32
        %parallel_loop3A_632 = arith.cmpi ne, %parallel_loop3A_624, %parallel_loop3A_631 : i32
        %parallel_loop3A_633 = arith.remsi %parallel_loop3A_615, %parallel_loop3A_616 : i32
        %parallel_loop3A_634 = arith.constant 0 : i32
        %parallel_loop3A_635 = arith.cmpi ne, %parallel_loop3A_633, %parallel_loop3A_634 : i32
        %parallel_loop3A_636 = arith.andi %parallel_loop3A_632, %parallel_loop3A_635 : i1
        %parallel_loop3A_637 = arith.constant 1 : i32
        %parallel_loop3A_638 = arith.subi %parallel_loop3A_617, %parallel_loop3A_637 : i32
        %parallel_loop3A_639 = arith.select %parallel_loop3A_636, %parallel_loop3A_638, %parallel_loop3A_617 : i32
        %parallel_loop3A_640 = arith.constant 64 : i32
        %parallel_loop3A_641 = arith.constant 0 : i32
        %parallel_loop3A_642 = arith.cmpi eq, %parallel_loop3A_640, %parallel_loop3A_641 : i32
        %parallel_loop3A_643 = arith.constant 1 : i32
        %parallel_loop3A_644 = arith.select %parallel_loop3A_642, %parallel_loop3A_643, %parallel_loop3A_640 : i32
        %parallel_loop3A_645 = arith.remsi %parallel_loop3A_615, %parallel_loop3A_644 : i32
        %parallel_loop3A_646 = arith.constant 0 : i32
        %parallel_loop3A_647 = arith.cmpi ne, %parallel_loop3A_645, %parallel_loop3A_646 : i32
        %parallel_loop3A_648 = arith.constant 0 : i32
        %parallel_loop3A_649 = arith.cmpi slt, %parallel_loop3A_645, %parallel_loop3A_648 : i32
        %parallel_loop3A_650 = arith.constant 0 : i32
        %parallel_loop3A_651 = arith.cmpi slt, %parallel_loop3A_644, %parallel_loop3A_650 : i32
        %parallel_loop3A_652 = arith.xori %parallel_loop3A_649, %parallel_loop3A_651 : i1
        %parallel_loop3A_653 = arith.andi %parallel_loop3A_652, %parallel_loop3A_647 : i1
        %parallel_loop3A_654 = arith.addi %parallel_loop3A_645, %parallel_loop3A_644 : i32
        %parallel_loop3A_655 = arith.select %parallel_loop3A_653, %parallel_loop3A_654, %parallel_loop3A_645 : i32
        %parallel_loop3A_656 = arith.constant 16 : i32
        %parallel_loop3A_657 = arith.muli %parallel_loop3A_655, %parallel_loop3A_656 : i32
        %parallel_loop3A_658 = arith.index_cast %parallel_loop3A_639 : i32 to index
        %parallel_loop3A_659 = arith.index_cast %parallel_loop3A_657 : i32 to index
        %parallel_loop3A_660 = tpu.vector_load %arg15[%parallel_loop3A_658, %parallel_loop3A_659] {strides = array<i32>} : memref<4x1024xf32, #tpu.memory_space<vmem>>, vector<1x16xf32>,
        %parallel_loop3A_661 = vector.shape_cast %parallel_loop3A_660 : vector<1x16xf32> to vector<16xf32>
        %parallel_loop3A_662 = arith.index_cast %parallel_loop3A_639 : i32 to index
        %parallel_loop3A_663 = arith.index_cast %parallel_loop3A_657 : i32 to index
        %parallel_loop3A_664 = tpu.vector_load %arg19[%parallel_loop3A_662, %parallel_loop3A_663] {strides = array<i32>} : memref<4x1024xf32, #tpu.memory_space<vmem>>, vector<1x16xf32>,
        %parallel_loop3A_665 = vector.shape_cast %parallel_loop3A_664 : vector<1x16xf32> to vector<16xf32>
        %parallel_loop3A_666 = vector.shape_cast %parallel_loop3A_661 : vector<16xf32> to vector<1x16xf32>
        tpu.vector_store %arg19[%parallel_loop3A_662, %parallel_loop3A_663], %parallel_loop3A_666 {add = true, strides = array<i32>} : memref<4x1024xf32, #tpu.memory_space<vmem>>, vector<1x16xf32>,
      } {sc.loop_unroll_factor = 8 : i64, sc.parallel_access}
      %mul3A_504 = arith.constant 4 : i32
      %mul3A_505 = arith.muli %add3A_414, %mul3A_504 : i32
      %add3A_506 = arith.addi %mul3A_2, %mul3A_505 : i32
      %add3A_507 = arith.constant 24576 : i32
      %add3A_508 = arith.addi %add3A_507, %add3A_506 : i32
      %dma_start3A_509 = arith.constant 0 : i32
      %dma_start3A_510 = tpu.memref_slice %arg4[%add3A_508, %dma_start3A_509] : memref<32768x1024xf32, #tpu.memory_space<hbm>> -> memref<4x1024xf32, #tpu.memory_space<hbm>>
      %dma_start3A_511 = arith.constant 0 : i32
      %dma_start3A_512 = tpu.memref_slice %arg4[%add3A_508, %dma_start3A_511] : memref<32768x1024xf32, #tpu.memory_space<hbm>> -> memref<4x1024xf32, #tpu.memory_space<hbm>>
      tpu.enqueue_dma source(%arg19 : memref<4x1024xf32, #tpu.memory_space<vmem>>) target(%dma_start3A_512 : memref<4x1024xf32, #tpu.memory_space<hbm>>) target_semaphore(%arg31 : memref<!tpu.dma_semaphore, #tpu.memory_space<semaphore_mem>>)
      %mul3A_513 = arith.constant 4 : i32
      %mul3A_514 = arith.muli %mul3A_513, %scan3A_210 : i32
      %add3A_515 = arith.constant 3 : i32
      %add3A_516 = arith.addi %mul3A_514, %add3A_515 : i32
      %add3A_517 = arith.constant 2 : i32
      %add3A_518 = arith.addi %add3A_516, %add3A_517 : i32
      %lt3A_519 = arith.constant 64 : i32
      %lt3A_520 = arith.cmpi slt, %add3A_518, %lt3A_519 : i32
      %convert_element_type3A_521 = arith.extui %lt3A_520 : i1 to i32
      %cond3A_522 = arith.constant 0 : i32
      %cond3A_523 = arith.cmpi ne, %convert_element_type3A_521, %cond3A_522 : i32
      scf.if %cond3A_523 {
        %ge3A = arith.constant 2 : i32
        %ge3A_615 = arith.cmpi sge, %add3A_516, %ge3A : i32
        %convert_element_type3A_616 = arith.extui %ge3A_615 : i1 to i32
        %cond3A_617 = arith.constant 0 : i32
        %cond3A_618 = arith.cmpi ne, %convert_element_type3A_616, %cond3A_617 : i32
        scf.if %cond3A_618 {
          %sub3A = arith.constant 2 : i32
          %sub3A_664 = arith.subi %add3A_516, %sub3A : i32
          %mul3A_665 = arith.constant 4 : i32
          %mul3A_666 = arith.muli %sub3A_664, %mul3A_665 : i32
          %add3A_667 = arith.addi %mul3A_2, %mul3A_666 : i32
          %add3A_668 = arith.constant 0 : i32
          %add3A_669 = arith.addi %add3A_668, %add3A_667 : i32
          %dma_wait3A_670 = arith.constant 0 : i32
          %dma_wait3A_671 = tpu.memref_slice %arg4[%add3A_669, %dma_wait3A_670] : memref<32768x1024xf32, #tpu.memory_space<hbm>> -> memref<4x1024xf32, #tpu.memory_space<hbm>>
          %dma_wait3A_672 = arith.constant 0 : i32
          %dma_wait3A_673 = tpu.memref_slice %arg4[%add3A_669, %dma_wait3A_672] : memref<32768x1024xf32, #tpu.memory_space<hbm>> -> memref<4x1024xf32, #tpu.memory_space<hbm>>
          tpu.wait_dma2 semaphore(%arg30 : memref<!tpu.dma_semaphore, #tpu.memory_space<semaphore_mem>>) src(%arg11 : memref<4x1024xf32, #tpu.memory_space<vmem>>) dst(%dma_wait3A_673 : memref<4x1024xf32, #tpu.memory_space<hbm>>)
          %sub3A_674 = arith.constant 2 : i32
          %sub3A_675 = arith.subi %add3A_516, %sub3A_674 : i32
          %mul3A_676 = arith.constant 4 : i32
          %mul3A_677 = arith.muli %sub3A_675, %mul3A_676 : i32
          %add3A_678 = arith.addi %mul3A_2, %mul3A_677 : i32
          %add3A_679 = arith.constant 8192 : i32
          %add3A_680 = arith.addi %add3A_679, %add3A_678 : i32
          %dma_wait3A_681 = arith.constant 0 : i32
          %dma_wait3A_682 = tpu.memref_slice %arg4[%add3A_680, %dma_wait3A_681] : memref<32768x1024xf32, #tpu.memory_space<hbm>> -> memref<4x1024xf32, #tpu.memory_space<hbm>>
          %dma_wait3A_683 = arith.constant 0 : i32
          %dma_wait3A_684 = tpu.memref_slice %arg4[%add3A_680, %dma_wait3A_683] : memref<32768x1024xf32, #tpu.memory_space<hbm>> -> memref<4x1024xf32, #tpu.memory_space<hbm>>
          tpu.wait_dma2 semaphore(%arg30 : memref<!tpu.dma_semaphore, #tpu.memory_space<semaphore_mem>>) src(%arg12 : memref<4x1024xf32, #tpu.memory_space<vmem>>) dst(%dma_wait3A_684 : memref<4x1024xf32, #tpu.memory_space<hbm>>)
          %sub3A_685 = arith.constant 2 : i32
          %sub3A_686 = arith.subi %add3A_516, %sub3A_685 : i32
          %mul3A_687 = arith.constant 4 : i32
          %mul3A_688 = arith.muli %sub3A_686, %mul3A_687 : i32
          %add3A_689 = arith.addi %mul3A_2, %mul3A_688 : i32
          %add3A_690 = arith.constant 16384 : i32
          %add3A_691 = arith.addi %add3A_690, %add3A_689 : i32
          %dma_wait3A_692 = arith.constant 0 : i32
          %dma_wait3A_693 = tpu.memref_slice %arg4[%add3A_691, %dma_wait3A_692] : memref<32768x1024xf32, #tpu.memory_space<hbm>> -> memref<4x1024xf32, #tpu.memory_space<hbm>>
          %dma_wait3A_694 = arith.constant 0 : i32
          %dma_wait3A_695 = tpu.memref_slice %arg4[%add3A_691, %dma_wait3A_694] : memref<32768x1024xf32, #tpu.memory_space<hbm>> -> memref<4x1024xf32, #tpu.memory_space<hbm>>
          tpu.wait_dma2 semaphore(%arg30 : memref<!tpu.dma_semaphore, #tpu.memory_space<semaphore_mem>>) src(%arg13 : memref<4x1024xf32, #tpu.memory_space<vmem>>) dst(%dma_wait3A_695 : memref<4x1024xf32, #tpu.memory_space<hbm>>)
          %sub3A_696 = arith.constant 2 : i32
          %sub3A_697 = arith.subi %add3A_516, %sub3A_696 : i32
          %mul3A_698 = arith.constant 4 : i32
          %mul3A_699 = arith.muli %sub3A_697, %mul3A_698 : i32
          %add3A_700 = arith.addi %mul3A_2, %mul3A_699 : i32
          %add3A_701 = arith.constant 24576 : i32
          %add3A_702 = arith.addi %add3A_701, %add3A_700 : i32
          %dma_wait3A_703 = arith.constant 0 : i32
          %dma_wait3A_704 = tpu.memref_slice %arg4[%add3A_702, %dma_wait3A_703] : memref<32768x1024xf32, #tpu.memory_space<hbm>> -> memref<4x1024xf32, #tpu.memory_space<hbm>>
          %dma_wait3A_705 = arith.constant 0 : i32
          %dma_wait3A_706 = tpu.memref_slice %arg4[%add3A_702, %dma_wait3A_705] : memref<32768x1024xf32, #tpu.memory_space<hbm>> -> memref<4x1024xf32, #tpu.memory_space<hbm>>
          tpu.wait_dma2 semaphore(%arg30 : memref<!tpu.dma_semaphore, #tpu.memory_space<semaphore_mem>>) src(%arg14 : memref<4x1024xf32, #tpu.memory_space<vmem>>) dst(%dma_wait3A_706 : memref<4x1024xf32, #tpu.memory_space<hbm>>)
        } else {
        }
        %add3A_619 = arith.constant 2 : i32
        %add3A_620 = arith.addi %add3A_516, %add3A_619 : i32
        %mul3A_621 = arith.constant 4 : i32
        %mul3A_622 = arith.muli %add3A_620, %mul3A_621 : i32
        %add3A_623 = arith.addi %mul3A_2, %mul3A_622 : i32
        %dma_start3A_624 = arith.constant 0 : i32
        %dma_start3A_625 = tpu.memref_slice %arg3[%add3A_623, %dma_start3A_624] : memref<8192x1024xf32, #tpu.memory_space<hbm>> -> memref<4x1024xf32, #tpu.memory_space<hbm>>
        %dma_start3A_626 = arith.constant 0 : i32
        %dma_start3A_627 = tpu.memref_slice %arg3[%add3A_623, %dma_start3A_626] : memref<8192x1024xf32, #tpu.memory_space<hbm>> -> memref<4x1024xf32, #tpu.memory_space<hbm>>
        tpu.enqueue_dma source(%dma_start3A_627 : memref<4x1024xf32, #tpu.memory_space<hbm>>) target(%arg10 : memref<4x1024xf32, #tpu.memory_space<vmem>>) target_semaphore(%arg26 : memref<!tpu.dma_semaphore, #tpu.memory_space<semaphore_mem>>)
        %mul3A_628 = arith.constant 4 : i32
        %mul3A_629 = arith.muli %add3A_620, %mul3A_628 : i32
        %add3A_630 = arith.addi %mul3A_2, %mul3A_629 : i32
        %add3A_631 = arith.constant 0 : i32
        %add3A_632 = arith.addi %add3A_631, %add3A_630 : i32
        %dma_start3A_633 = arith.constant 0 : i32
        %dma_start3A_634 = tpu.memref_slice %arg2[%add3A_632, %dma_start3A_633] : memref<32768x1024xf32, #tpu.memory_space<hbm>> -> memref<4x1024xf32, #tpu.memory_space<hbm>>
        %dma_start3A_635 = arith.constant 0 : i32
        %dma_start3A_636 = tpu.memref_slice %arg2[%add3A_632, %dma_start3A_635] : memref<32768x1024xf32, #tpu.memory_space<hbm>> -> memref<4x1024xf32, #tpu.memory_space<hbm>>
        tpu.enqueue_dma source(%dma_start3A_636 : memref<4x1024xf32, #tpu.memory_space<hbm>>) target(%arg11 : memref<4x1024xf32, #tpu.memory_space<vmem>>) target_semaphore(%arg26 : memref<!tpu.dma_semaphore, #tpu.memory_space<semaphore_mem>>)
        %mul3A_637 = arith.constant 4 : i32
        %mul3A_638 = arith.muli %add3A_620, %mul3A_637 : i32
        %add3A_639 = arith.addi %mul3A_2, %mul3A_638 : i32
        %add3A_640 = arith.constant 8192 : i32
        %add3A_641 = arith.addi %add3A_640, %add3A_639 : i32
        %dma_start3A_642 = arith.constant 0 : i32
        %dma_start3A_643 = tpu.memref_slice %arg2[%add3A_641, %dma_start3A_642] : memref<32768x1024xf32, #tpu.memory_space<hbm>> -> memref<4x1024xf32, #tpu.memory_space<hbm>>
        %dma_start3A_644 = arith.constant 0 : i32
        %dma_start3A_645 = tpu.memref_slice %arg2[%add3A_641, %dma_start3A_644] : memref<32768x1024xf32, #tpu.memory_space<hbm>> -> memref<4x1024xf32, #tpu.memory_space<hbm>>
        tpu.enqueue_dma source(%dma_start3A_645 : memref<4x1024xf32, #tpu.memory_space<hbm>>) target(%arg12 : memref<4x1024xf32, #tpu.memory_space<vmem>>) target_semaphore(%arg26 : memref<!tpu.dma_semaphore, #tpu.memory_space<semaphore_mem>>)
        %mul3A_646 = arith.constant 4 : i32
        %mul3A_647 = arith.muli %add3A_620, %mul3A_646 : i32
        %add3A_648 = arith.addi %mul3A_2, %mul3A_647 : i32
        %add3A_649 = arith.constant 16384 : i32
        %add3A_650 = arith.addi %add3A_649, %add3A_648 : i32
        %dma_start3A_651 = arith.constant 0 : i32
        %dma_start3A_652 = tpu.memref_slice %arg2[%add3A_650, %dma_start3A_651] : memref<32768x1024xf32, #tpu.memory_space<hbm>> -> memref<4x1024xf32, #tpu.memory_space<hbm>>
        %dma_start3A_653 = arith.constant 0 : i32
        %dma_start3A_654 = tpu.memref_slice %arg2[%add3A_650, %dma_start3A_653] : memref<32768x1024xf32, #tpu.memory_space<hbm>> -> memref<4x1024xf32, #tpu.memory_space<hbm>>
        tpu.enqueue_dma source(%dma_start3A_654 : memref<4x1024xf32, #tpu.memory_space<hbm>>) target(%arg13 : memref<4x1024xf32, #tpu.memory_space<vmem>>) target_semaphore(%arg26 : memref<!tpu.dma_semaphore, #tpu.memory_space<semaphore_mem>>)
        %mul3A_655 = arith.constant 4 : i32
        %mul3A_656 = arith.muli %add3A_620, %mul3A_655 : i32
        %add3A_657 = arith.addi %mul3A_2, %mul3A_656 : i32
        %add3A_658 = arith.constant 24576 : i32
        %add3A_659 = arith.addi %add3A_658, %add3A_657 : i32
        %dma_start3A_660 = arith.constant 0 : i32
        %dma_start3A_661 = tpu.memref_slice %arg2[%add3A_659, %dma_start3A_660] : memref<32768x1024xf32, #tpu.memory_space<hbm>> -> memref<4x1024xf32, #tpu.memory_space<hbm>>
        %dma_start3A_662 = arith.constant 0 : i32
        %dma_start3A_663 = tpu.memref_slice %arg2[%add3A_659, %dma_start3A_662] : memref<32768x1024xf32, #tpu.memory_space<hbm>> -> memref<4x1024xf32, #tpu.memory_space<hbm>>
        tpu.enqueue_dma source(%dma_start3A_663 : memref<4x1024xf32, #tpu.memory_space<hbm>>) target(%arg14 : memref<4x1024xf32, #tpu.memory_space<vmem>>) target_semaphore(%arg26 : memref<!tpu.dma_semaphore, #tpu.memory_space<semaphore_mem>>)
      } else {
      }
      %mul3A_524 = arith.constant 4 : i32
      %mul3A_525 = arith.muli %add3A_516, %mul3A_524 : i32
      %add3A_526 = arith.addi %mul3A_2, %mul3A_525 : i32
      %dma_wait3A_527 = arith.constant 0 : i32
      %dma_wait3A_528 = tpu.memref_slice %arg3[%add3A_526, %dma_wait3A_527] : memref<8192x1024xf32, #tpu.memory_space<hbm>> -> memref<4x1024xf32, #tpu.memory_space<hbm>>
      %dma_wait3A_529 = arith.constant 0 : i32
      %dma_wait3A_530 = tpu.memref_slice %arg3[%add3A_526, %dma_wait3A_529] : memref<8192x1024xf32, #tpu.memory_space<hbm>> -> memref<4x1024xf32, #tpu.memory_space<hbm>>
      tpu.wait_dma2 semaphore(%arg28 : memref<!tpu.dma_semaphore, #tpu.memory_space<semaphore_mem>>) src(%dma_wait3A_530 : memref<4x1024xf32, #tpu.memory_space<hbm>>) dst(%arg20 : memref<4x1024xf32, #tpu.memory_space<vmem>>)
      %mul3A_531 = arith.constant 4 : i32
      %mul3A_532 = arith.muli %add3A_516, %mul3A_531 : i32
      %add3A_533 = arith.addi %mul3A_2, %mul3A_532 : i32
      %add3A_534 = arith.constant 0 : i32
      %add3A_535 = arith.addi %add3A_534, %add3A_533 : i32
      %dma_wait3A_536 = arith.constant 0 : i32
      %dma_wait3A_537 = tpu.memref_slice %arg2[%add3A_535, %dma_wait3A_536] : memref<32768x1024xf32, #tpu.memory_space<hbm>> -> memref<4x1024xf32, #tpu.memory_space<hbm>>
      %dma_wait3A_538 = arith.constant 0 : i32
      %dma_wait3A_539 = tpu.memref_slice %arg2[%add3A_535, %dma_wait3A_538] : memref<32768x1024xf32, #tpu.memory_space<hbm>> -> memref<4x1024xf32, #tpu.memory_space<hbm>>
      tpu.wait_dma2 semaphore(%arg28 : memref<!tpu.dma_semaphore, #tpu.memory_space<semaphore_mem>>) src(%dma_wait3A_539 : memref<4x1024xf32, #tpu.memory_space<hbm>>) dst(%arg21 : memref<4x1024xf32, #tpu.memory_space<vmem>>)
      %mul3A_540 = arith.constant 4 : i32
      %mul3A_541 = arith.muli %add3A_516, %mul3A_540 : i32
      %add3A_542 = arith.addi %mul3A_2, %mul3A_541 : i32
      %add3A_543 = arith.constant 8192 : i32
      %add3A_544 = arith.addi %add3A_543, %add3A_542 : i32
      %dma_wait3A_545 = arith.constant 0 : i32
      %dma_wait3A_546 = tpu.memref_slice %arg2[%add3A_544, %dma_wait3A_545] : memref<32768x1024xf32, #tpu.memory_space<hbm>> -> memref<4x1024xf32, #tpu.memory_space<hbm>>
      %dma_wait3A_547 = arith.constant 0 : i32
      %dma_wait3A_548 = tpu.memref_slice %arg2[%add3A_544, %dma_wait3A_547] : memref<32768x1024xf32, #tpu.memory_space<hbm>> -> memref<4x1024xf32, #tpu.memory_space<hbm>>
      tpu.wait_dma2 semaphore(%arg28 : memref<!tpu.dma_semaphore, #tpu.memory_space<semaphore_mem>>) src(%dma_wait3A_548 : memref<4x1024xf32, #tpu.memory_space<hbm>>) dst(%arg22 : memref<4x1024xf32, #tpu.memory_space<vmem>>)
      %mul3A_549 = arith.constant 4 : i32
      %mul3A_550 = arith.muli %add3A_516, %mul3A_549 : i32
      %add3A_551 = arith.addi %mul3A_2, %mul3A_550 : i32
      %add3A_552 = arith.constant 16384 : i32
      %add3A_553 = arith.addi %add3A_552, %add3A_551 : i32
      %dma_wait3A_554 = arith.constant 0 : i32
      %dma_wait3A_555 = tpu.memref_slice %arg2[%add3A_553, %dma_wait3A_554] : memref<32768x1024xf32, #tpu.memory_space<hbm>> -> memref<4x1024xf32, #tpu.memory_space<hbm>>
      %dma_wait3A_556 = arith.constant 0 : i32
      %dma_wait3A_557 = tpu.memref_slice %arg2[%add3A_553, %dma_wait3A_556] : memref<32768x1024xf32, #tpu.memory_space<hbm>> -> memref<4x1024xf32, #tpu.memory_space<hbm>>
      tpu.wait_dma2 semaphore(%arg28 : memref<!tpu.dma_semaphore, #tpu.memory_space<semaphore_mem>>) src(%dma_wait3A_557 : memref<4x1024xf32, #tpu.memory_space<hbm>>) dst(%arg23 : memref<4x1024xf32, #tpu.memory_space<vmem>>)
      %mul3A_558 = arith.constant 4 : i32
      %mul3A_559 = arith.muli %add3A_516, %mul3A_558 : i32
      %add3A_560 = arith.addi %mul3A_2, %mul3A_559 : i32
      %add3A_561 = arith.constant 24576 : i32
      %add3A_562 = arith.addi %add3A_561, %add3A_560 : i32
      %dma_wait3A_563 = arith.constant 0 : i32
      %dma_wait3A_564 = tpu.memref_slice %arg2[%add3A_562, %dma_wait3A_563] : memref<32768x1024xf32, #tpu.memory_space<hbm>> -> memref<4x1024xf32, #tpu.memory_space<hbm>>
      %dma_wait3A_565 = arith.constant 0 : i32
      %dma_wait3A_566 = tpu.memref_slice %arg2[%add3A_562, %dma_wait3A_565] : memref<32768x1024xf32, #tpu.memory_space<hbm>> -> memref<4x1024xf32, #tpu.memory_space<hbm>>
      tpu.wait_dma2 semaphore(%arg28 : memref<!tpu.dma_semaphore, #tpu.memory_space<semaphore_mem>>) src(%dma_wait3A_566 : memref<4x1024xf32, #tpu.memory_space<hbm>>) dst(%arg24 : memref<4x1024xf32, #tpu.memory_space<vmem>>)
      %parallel_loop3A_567 = arith.constant 0 : i32
      %parallel_loop3A_568 = arith.constant 256 : i32
      %parallel_loop3A_569 = arith.constant 1 : i32
      scf.for %parallel_loop3A_615 = %parallel_loop3A_567 to %parallel_loop3A_568 step %parallel_loop3A_569  : i32 {
        %parallel_loop3A_616 = arith.constant 64 : i32
        %parallel_loop3A_617 = arith.divsi %parallel_loop3A_615, %parallel_loop3A_616 : i32
        %parallel_loop3A_618 = arith.constant 0 : i32
        %parallel_loop3A_619 = arith.cmpi sgt, %parallel_loop3A_615, %parallel_loop3A_618 : i32
        %parallel_loop3A_620 = arith.extui %parallel_loop3A_619 : i1 to i32
        %parallel_loop3A_621 = arith.constant 0 : i32
        %parallel_loop3A_622 = arith.cmpi slt, %parallel_loop3A_615, %parallel_loop3A_621 : i32
        %parallel_loop3A_623 = arith.extui %parallel_loop3A_622 : i1 to i32
        %parallel_loop3A_624 = arith.subi %parallel_loop3A_620, %parallel_loop3A_623 : i32
        %parallel_loop3A_625 = arith.constant 0 : i32
        %parallel_loop3A_626 = arith.cmpi sgt, %parallel_loop3A_616, %parallel_loop3A_625 : i32
        %parallel_loop3A_627 = arith.extui %parallel_loop3A_626 : i1 to i32
        %parallel_loop3A_628 = arith.constant 0 : i32
        %parallel_loop3A_629 = arith.cmpi slt, %parallel_loop3A_616, %parallel_loop3A_628 : i32
        %parallel_loop3A_630 = arith.extui %parallel_loop3A_629 : i1 to i32
        %parallel_loop3A_631 = arith.subi %parallel_loop3A_627, %parallel_loop3A_630 : i32
        %parallel_loop3A_632 = arith.cmpi ne, %parallel_loop3A_624, %parallel_loop3A_631 : i32
        %parallel_loop3A_633 = arith.remsi %parallel_loop3A_615, %parallel_loop3A_616 : i32
        %parallel_loop3A_634 = arith.constant 0 : i32
        %parallel_loop3A_635 = arith.cmpi ne, %parallel_loop3A_633, %parallel_loop3A_634 : i32
        %parallel_loop3A_636 = arith.andi %parallel_loop3A_632, %parallel_loop3A_635 : i1
        %parallel_loop3A_637 = arith.constant 1 : i32
        %parallel_loop3A_638 = arith.subi %parallel_loop3A_617, %parallel_loop3A_637 : i32
        %parallel_loop3A_639 = arith.select %parallel_loop3A_636, %parallel_loop3A_638, %parallel_loop3A_617 : i32
        %parallel_loop3A_640 = arith.constant 64 : i32
        %parallel_loop3A_641 = arith.constant 0 : i32
        %parallel_loop3A_642 = arith.cmpi eq, %parallel_loop3A_640, %parallel_loop3A_641 : i32
        %parallel_loop3A_643 = arith.constant 1 : i32
        %parallel_loop3A_644 = arith.select %parallel_loop3A_642, %parallel_loop3A_643, %parallel_loop3A_640 : i32
        %parallel_loop3A_645 = arith.remsi %parallel_loop3A_615, %parallel_loop3A_644 : i32
        %parallel_loop3A_646 = arith.constant 0 : i32
        %parallel_loop3A_647 = arith.cmpi ne, %parallel_loop3A_645, %parallel_loop3A_646 : i32
        %parallel_loop3A_648 = arith.constant 0 : i32
        %parallel_loop3A_649 = arith.cmpi slt, %parallel_loop3A_645, %parallel_loop3A_648 : i32
        %parallel_loop3A_650 = arith.constant 0 : i32
        %parallel_loop3A_651 = arith.cmpi slt, %parallel_loop3A_644, %parallel_loop3A_650 : i32
        %parallel_loop3A_652 = arith.xori %parallel_loop3A_649, %parallel_loop3A_651 : i1
        %parallel_loop3A_653 = arith.andi %parallel_loop3A_652, %parallel_loop3A_647 : i1
        %parallel_loop3A_654 = arith.addi %parallel_loop3A_645, %parallel_loop3A_644 : i32
        %parallel_loop3A_655 = arith.select %parallel_loop3A_653, %parallel_loop3A_654, %parallel_loop3A_645 : i32
        %parallel_loop3A_656 = arith.constant 16 : i32
        %parallel_loop3A_657 = arith.muli %parallel_loop3A_655, %parallel_loop3A_656 : i32
        %parallel_loop3A_658 = arith.index_cast %parallel_loop3A_639 : i32 to index
        %parallel_loop3A_659 = arith.index_cast %parallel_loop3A_657 : i32 to index
        %parallel_loop3A_660 = tpu.vector_load %arg20[%parallel_loop3A_658, %parallel_loop3A_659] {strides = array<i32>} : memref<4x1024xf32, #tpu.memory_space<vmem>>, vector<1x16xf32>,
        %parallel_loop3A_661 = vector.shape_cast %parallel_loop3A_660 : vector<1x16xf32> to vector<16xf32>
        %parallel_loop3A_662 = arith.index_cast %parallel_loop3A_639 : i32 to index
        %parallel_loop3A_663 = arith.index_cast %parallel_loop3A_657 : i32 to index
        %parallel_loop3A_664 = tpu.vector_load %arg21[%parallel_loop3A_662, %parallel_loop3A_663] {strides = array<i32>} : memref<4x1024xf32, #tpu.memory_space<vmem>>, vector<1x16xf32>,
        %parallel_loop3A_665 = vector.shape_cast %parallel_loop3A_664 : vector<1x16xf32> to vector<16xf32>
        %parallel_loop3A_666 = vector.shape_cast %parallel_loop3A_661 : vector<16xf32> to vector<1x16xf32>
        tpu.vector_store %arg21[%parallel_loop3A_662, %parallel_loop3A_663], %parallel_loop3A_666 {add = true, strides = array<i32>} : memref<4x1024xf32, #tpu.memory_space<vmem>>, vector<1x16xf32>,
      } {sc.loop_unroll_factor = 8 : i64, sc.parallel_access}
      %mul3A_570 = arith.constant 4 : i32
      %mul3A_571 = arith.muli %add3A_516, %mul3A_570 : i32
      %add3A_572 = arith.addi %mul3A_2, %mul3A_571 : i32
      %add3A_573 = arith.constant 0 : i32
      %add3A_574 = arith.addi %add3A_573, %add3A_572 : i32
      %dma_start3A_575 = arith.constant 0 : i32
      %dma_start3A_576 = tpu.memref_slice %arg4[%add3A_574, %dma_start3A_575] : memref<32768x1024xf32, #tpu.memory_space<hbm>> -> memref<4x1024xf32, #tpu.memory_space<hbm>>
      %dma_start3A_577 = arith.constant 0 : i32
      %dma_start3A_578 = tpu.memref_slice %arg4[%add3A_574, %dma_start3A_577] : memref<32768x1024xf32, #tpu.memory_space<hbm>> -> memref<4x1024xf32, #tpu.memory_space<hbm>>
      tpu.enqueue_dma source(%arg21 : memref<4x1024xf32, #tpu.memory_space<vmem>>) target(%dma_start3A_578 : memref<4x1024xf32, #tpu.memory_space<hbm>>) target_semaphore(%arg32 : memref<!tpu.dma_semaphore, #tpu.memory_space<semaphore_mem>>)
      %parallel_loop3A_579 = arith.constant 0 : i32
      %parallel_loop3A_580 = arith.constant 256 : i32
      %parallel_loop3A_581 = arith.constant 1 : i32
      scf.for %parallel_loop3A_615 = %parallel_loop3A_579 to %parallel_loop3A_580 step %parallel_loop3A_581  : i32 {
        %parallel_loop3A_616 = arith.constant 64 : i32
        %parallel_loop3A_617 = arith.divsi %parallel_loop3A_615, %parallel_loop3A_616 : i32
        %parallel_loop3A_618 = arith.constant 0 : i32
        %parallel_loop3A_619 = arith.cmpi sgt, %parallel_loop3A_615, %parallel_loop3A_618 : i32
        %parallel_loop3A_620 = arith.extui %parallel_loop3A_619 : i1 to i32
        %parallel_loop3A_621 = arith.constant 0 : i32
        %parallel_loop3A_622 = arith.cmpi slt, %parallel_loop3A_615, %parallel_loop3A_621 : i32
        %parallel_loop3A_623 = arith.extui %parallel_loop3A_622 : i1 to i32
        %parallel_loop3A_624 = arith.subi %parallel_loop3A_620, %parallel_loop3A_623 : i32
        %parallel_loop3A_625 = arith.constant 0 : i32
        %parallel_loop3A_626 = arith.cmpi sgt, %parallel_loop3A_616, %parallel_loop3A_625 : i32
        %parallel_loop3A_627 = arith.extui %parallel_loop3A_626 : i1 to i32
        %parallel_loop3A_628 = arith.constant 0 : i32
        %parallel_loop3A_629 = arith.cmpi slt, %parallel_loop3A_616, %parallel_loop3A_628 : i32
        %parallel_loop3A_630 = arith.extui %parallel_loop3A_629 : i1 to i32
        %parallel_loop3A_631 = arith.subi %parallel_loop3A_627, %parallel_loop3A_630 : i32
        %parallel_loop3A_632 = arith.cmpi ne, %parallel_loop3A_624, %parallel_loop3A_631 : i32
        %parallel_loop3A_633 = arith.remsi %parallel_loop3A_615, %parallel_loop3A_616 : i32
        %parallel_loop3A_634 = arith.constant 0 : i32
        %parallel_loop3A_635 = arith.cmpi ne, %parallel_loop3A_633, %parallel_loop3A_634 : i32
        %parallel_loop3A_636 = arith.andi %parallel_loop3A_632, %parallel_loop3A_635 : i1
        %parallel_loop3A_637 = arith.constant 1 : i32
        %parallel_loop3A_638 = arith.subi %parallel_loop3A_617, %parallel_loop3A_637 : i32
        %parallel_loop3A_639 = arith.select %parallel_loop3A_636, %parallel_loop3A_638, %parallel_loop3A_617 : i32
        %parallel_loop3A_640 = arith.constant 64 : i32
        %parallel_loop3A_641 = arith.constant 0 : i32
        %parallel_loop3A_642 = arith.cmpi eq, %parallel_loop3A_640, %parallel_loop3A_641 : i32
        %parallel_loop3A_643 = arith.constant 1 : i32
        %parallel_loop3A_644 = arith.select %parallel_loop3A_642, %parallel_loop3A_643, %parallel_loop3A_640 : i32
        %parallel_loop3A_645 = arith.remsi %parallel_loop3A_615, %parallel_loop3A_644 : i32
        %parallel_loop3A_646 = arith.constant 0 : i32
        %parallel_loop3A_647 = arith.cmpi ne, %parallel_loop3A_645, %parallel_loop3A_646 : i32
        %parallel_loop3A_648 = arith.constant 0 : i32
        %parallel_loop3A_649 = arith.cmpi slt, %parallel_loop3A_645, %parallel_loop3A_648 : i32
        %parallel_loop3A_650 = arith.constant 0 : i32
        %parallel_loop3A_651 = arith.cmpi slt, %parallel_loop3A_644, %parallel_loop3A_650 : i32
        %parallel_loop3A_652 = arith.xori %parallel_loop3A_649, %parallel_loop3A_651 : i1
        %parallel_loop3A_653 = arith.andi %parallel_loop3A_652, %parallel_loop3A_647 : i1
        %parallel_loop3A_654 = arith.addi %parallel_loop3A_645, %parallel_loop3A_644 : i32
        %parallel_loop3A_655 = arith.select %parallel_loop3A_653, %parallel_loop3A_654, %parallel_loop3A_645 : i32
        %parallel_loop3A_656 = arith.constant 16 : i32
        %parallel_loop3A_657 = arith.muli %parallel_loop3A_655, %parallel_loop3A_656 : i32
        %parallel_loop3A_658 = arith.index_cast %parallel_loop3A_639 : i32 to index
        %parallel_loop3A_659 = arith.index_cast %parallel_loop3A_657 : i32 to index
        %parallel_loop3A_660 = tpu.vector_load %arg20[%parallel_loop3A_658, %parallel_loop3A_659] {strides = array<i32>} : memref<4x1024xf32, #tpu.memory_space<vmem>>, vector<1x16xf32>,
        %parallel_loop3A_661 = vector.shape_cast %parallel_loop3A_660 : vector<1x16xf32> to vector<16xf32>
        %parallel_loop3A_662 = arith.index_cast %parallel_loop3A_639 : i32 to index
        %parallel_loop3A_663 = arith.index_cast %parallel_loop3A_657 : i32 to index
        %parallel_loop3A_664 = tpu.vector_load %arg22[%parallel_loop3A_662, %parallel_loop3A_663] {strides = array<i32>} : memref<4x1024xf32, #tpu.memory_space<vmem>>, vector<1x16xf32>,
        %parallel_loop3A_665 = vector.shape_cast %parallel_loop3A_664 : vector<1x16xf32> to vector<16xf32>
        %parallel_loop3A_666 = vector.shape_cast %parallel_loop3A_661 : vector<16xf32> to vector<1x16xf32>
        tpu.vector_store %arg22[%parallel_loop3A_662, %parallel_loop3A_663], %parallel_loop3A_666 {add = true, strides = array<i32>} : memref<4x1024xf32, #tpu.memory_space<vmem>>, vector<1x16xf32>,
      } {sc.loop_unroll_factor = 8 : i64, sc.parallel_access}
      %mul3A_582 = arith.constant 4 : i32
      %mul3A_583 = arith.muli %add3A_516, %mul3A_582 : i32
      %add3A_584 = arith.addi %mul3A_2, %mul3A_583 : i32
      %add3A_585 = arith.constant 8192 : i32
      %add3A_586 = arith.addi %add3A_585, %add3A_584 : i32
      %dma_start3A_587 = arith.constant 0 : i32
      %dma_start3A_588 = tpu.memref_slice %arg4[%add3A_586, %dma_start3A_587] : memref<32768x1024xf32, #tpu.memory_space<hbm>> -> memref<4x1024xf32, #tpu.memory_space<hbm>>
      %dma_start3A_589 = arith.constant 0 : i32
      %dma_start3A_590 = tpu.memref_slice %arg4[%add3A_586, %dma_start3A_589] : memref<32768x1024xf32, #tpu.memory_space<hbm>> -> memref<4x1024xf32, #tpu.memory_space<hbm>>
      tpu.enqueue_dma source(%arg22 : memref<4x1024xf32, #tpu.memory_space<vmem>>) target(%dma_start3A_590 : memref<4x1024xf32, #tpu.memory_space<hbm>>) target_semaphore(%arg32 : memref<!tpu.dma_semaphore, #tpu.memory_space<semaphore_mem>>)
      %parallel_loop3A_591 = arith.constant 0 : i32
      %parallel_loop3A_592 = arith.constant 256 : i32
      %parallel_loop3A_593 = arith.constant 1 : i32
      scf.for %parallel_loop3A_615 = %parallel_loop3A_591 to %parallel_loop3A_592 step %parallel_loop3A_593  : i32 {
        %parallel_loop3A_616 = arith.constant 64 : i32
        %parallel_loop3A_617 = arith.divsi %parallel_loop3A_615, %parallel_loop3A_616 : i32
        %parallel_loop3A_618 = arith.constant 0 : i32
        %parallel_loop3A_619 = arith.cmpi sgt, %parallel_loop3A_615, %parallel_loop3A_618 : i32
        %parallel_loop3A_620 = arith.extui %parallel_loop3A_619 : i1 to i32
        %parallel_loop3A_621 = arith.constant 0 : i32
        %parallel_loop3A_622 = arith.cmpi slt, %parallel_loop3A_615, %parallel_loop3A_621 : i32
        %parallel_loop3A_623 = arith.extui %parallel_loop3A_622 : i1 to i32
        %parallel_loop3A_624 = arith.subi %parallel_loop3A_620, %parallel_loop3A_623 : i32
        %parallel_loop3A_625 = arith.constant 0 : i32
        %parallel_loop3A_626 = arith.cmpi sgt, %parallel_loop3A_616, %parallel_loop3A_625 : i32
        %parallel_loop3A_627 = arith.extui %parallel_loop3A_626 : i1 to i32
        %parallel_loop3A_628 = arith.constant 0 : i32
        %parallel_loop3A_629 = arith.cmpi slt, %parallel_loop3A_616, %parallel_loop3A_628 : i32
        %parallel_loop3A_630 = arith.extui %parallel_loop3A_629 : i1 to i32
        %parallel_loop3A_631 = arith.subi %parallel_loop3A_627, %parallel_loop3A_630 : i32
        %parallel_loop3A_632 = arith.cmpi ne, %parallel_loop3A_624, %parallel_loop3A_631 : i32
        %parallel_loop3A_633 = arith.remsi %parallel_loop3A_615, %parallel_loop3A_616 : i32
        %parallel_loop3A_634 = arith.constant 0 : i32
        %parallel_loop3A_635 = arith.cmpi ne, %parallel_loop3A_633, %parallel_loop3A_634 : i32
        %parallel_loop3A_636 = arith.andi %parallel_loop3A_632, %parallel_loop3A_635 : i1
        %parallel_loop3A_637 = arith.constant 1 : i32
        %parallel_loop3A_638 = arith.subi %parallel_loop3A_617, %parallel_loop3A_637 : i32
        %parallel_loop3A_639 = arith.select %parallel_loop3A_636, %parallel_loop3A_638, %parallel_loop3A_617 : i32
        %parallel_loop3A_640 = arith.constant 64 : i32
        %parallel_loop3A_641 = arith.constant 0 : i32
        %parallel_loop3A_642 = arith.cmpi eq, %parallel_loop3A_640, %parallel_loop3A_641 : i32
        %parallel_loop3A_643 = arith.constant 1 : i32
        %parallel_loop3A_644 = arith.select %parallel_loop3A_642, %parallel_loop3A_643, %parallel_loop3A_640 : i32
        %parallel_loop3A_645 = arith.remsi %parallel_loop3A_615, %parallel_loop3A_644 : i32
        %parallel_loop3A_646 = arith.constant 0 : i32
        %parallel_loop3A_647 = arith.cmpi ne, %parallel_loop3A_645, %parallel_loop3A_646 : i32
        %parallel_loop3A_648 = arith.constant 0 : i32
        %parallel_loop3A_649 = arith.cmpi slt, %parallel_loop3A_645, %parallel_loop3A_648 : i32
        %parallel_loop3A_650 = arith.constant 0 : i32
        %parallel_loop3A_651 = arith.cmpi slt, %parallel_loop3A_644, %parallel_loop3A_650 : i32
        %parallel_loop3A_652 = arith.xori %parallel_loop3A_649, %parallel_loop3A_651 : i1
        %parallel_loop3A_653 = arith.andi %parallel_loop3A_652, %parallel_loop3A_647 : i1
        %parallel_loop3A_654 = arith.addi %parallel_loop3A_645, %parallel_loop3A_644 : i32
        %parallel_loop3A_655 = arith.select %parallel_loop3A_653, %parallel_loop3A_654, %parallel_loop3A_645 : i32
        %parallel_loop3A_656 = arith.constant 16 : i32
        %parallel_loop3A_657 = arith.muli %parallel_loop3A_655, %parallel_loop3A_656 : i32
        %parallel_loop3A_658 = arith.index_cast %parallel_loop3A_639 : i32 to index
        %parallel_loop3A_659 = arith.index_cast %parallel_loop3A_657 : i32 to index
        %parallel_loop3A_660 = tpu.vector_load %arg20[%parallel_loop3A_658, %parallel_loop3A_659] {strides = array<i32>} : memref<4x1024xf32, #tpu.memory_space<vmem>>, vector<1x16xf32>,
        %parallel_loop3A_661 = vector.shape_cast %parallel_loop3A_660 : vector<1x16xf32> to vector<16xf32>
        %parallel_loop3A_662 = arith.index_cast %parallel_loop3A_639 : i32 to index
        %parallel_loop3A_663 = arith.index_cast %parallel_loop3A_657 : i32 to index
        %parallel_loop3A_664 = tpu.vector_load %arg23[%parallel_loop3A_662, %parallel_loop3A_663] {strides = array<i32>} : memref<4x1024xf32, #tpu.memory_space<vmem>>, vector<1x16xf32>,
        %parallel_loop3A_665 = vector.shape_cast %parallel_loop3A_664 : vector<1x16xf32> to vector<16xf32>
        %parallel_loop3A_666 = vector.shape_cast %parallel_loop3A_661 : vector<16xf32> to vector<1x16xf32>
        tpu.vector_store %arg23[%parallel_loop3A_662, %parallel_loop3A_663], %parallel_loop3A_666 {add = true, strides = array<i32>} : memref<4x1024xf32, #tpu.memory_space<vmem>>, vector<1x16xf32>,
      } {sc.loop_unroll_factor = 8 : i64, sc.parallel_access}
      %mul3A_594 = arith.constant 4 : i32
      %mul3A_595 = arith.muli %add3A_516, %mul3A_594 : i32
      %add3A_596 = arith.addi %mul3A_2, %mul3A_595 : i32
      %add3A_597 = arith.constant 16384 : i32
      %add3A_598 = arith.addi %add3A_597, %add3A_596 : i32
      %dma_start3A_599 = arith.constant 0 : i32
      %dma_start3A_600 = tpu.memref_slice %arg4[%add3A_598, %dma_start3A_599] : memref<32768x1024xf32, #tpu.memory_space<hbm>> -> memref<4x1024xf32, #tpu.memory_space<hbm>>
      %dma_start3A_601 = arith.constant 0 : i32
      %dma_start3A_602 = tpu.memref_slice %arg4[%add3A_598, %dma_start3A_601] : memref<32768x1024xf32, #tpu.memory_space<hbm>> -> memref<4x1024xf32, #tpu.memory_space<hbm>>
      tpu.enqueue_dma source(%arg23 : memref<4x1024xf32, #tpu.memory_space<vmem>>) target(%dma_start3A_602 : memref<4x1024xf32, #tpu.memory_space<hbm>>) target_semaphore(%arg32 : memref<!tpu.dma_semaphore, #tpu.memory_space<semaphore_mem>>)
      %parallel_loop3A_603 = arith.constant 0 : i32
      %parallel_loop3A_604 = arith.constant 256 : i32
      %parallel_loop3A_605 = arith.constant 1 : i32
      scf.for %parallel_loop3A_615 = %parallel_loop3A_603 to %parallel_loop3A_604 step %parallel_loop3A_605  : i32 {
        %parallel_loop3A_616 = arith.constant 64 : i32
        %parallel_loop3A_617 = arith.divsi %parallel_loop3A_615, %parallel_loop3A_616 : i32
        %parallel_loop3A_618 = arith.constant 0 : i32
        %parallel_loop3A_619 = arith.cmpi sgt, %parallel_loop3A_615, %parallel_loop3A_618 : i32
        %parallel_loop3A_620 = arith.extui %parallel_loop3A_619 : i1 to i32
        %parallel_loop3A_621 = arith.constant 0 : i32
        %parallel_loop3A_622 = arith.cmpi slt, %parallel_loop3A_615, %parallel_loop3A_621 : i32
        %parallel_loop3A_623 = arith.extui %parallel_loop3A_622 : i1 to i32
        %parallel_loop3A_624 = arith.subi %parallel_loop3A_620, %parallel_loop3A_623 : i32
        %parallel_loop3A_625 = arith.constant 0 : i32
        %parallel_loop3A_626 = arith.cmpi sgt, %parallel_loop3A_616, %parallel_loop3A_625 : i32
        %parallel_loop3A_627 = arith.extui %parallel_loop3A_626 : i1 to i32
        %parallel_loop3A_628 = arith.constant 0 : i32
        %parallel_loop3A_629 = arith.cmpi slt, %parallel_loop3A_616, %parallel_loop3A_628 : i32
        %parallel_loop3A_630 = arith.extui %parallel_loop3A_629 : i1 to i32
        %parallel_loop3A_631 = arith.subi %parallel_loop3A_627, %parallel_loop3A_630 : i32
        %parallel_loop3A_632 = arith.cmpi ne, %parallel_loop3A_624, %parallel_loop3A_631 : i32
        %parallel_loop3A_633 = arith.remsi %parallel_loop3A_615, %parallel_loop3A_616 : i32
        %parallel_loop3A_634 = arith.constant 0 : i32
        %parallel_loop3A_635 = arith.cmpi ne, %parallel_loop3A_633, %parallel_loop3A_634 : i32
        %parallel_loop3A_636 = arith.andi %parallel_loop3A_632, %parallel_loop3A_635 : i1
        %parallel_loop3A_637 = arith.constant 1 : i32
        %parallel_loop3A_638 = arith.subi %parallel_loop3A_617, %parallel_loop3A_637 : i32
        %parallel_loop3A_639 = arith.select %parallel_loop3A_636, %parallel_loop3A_638, %parallel_loop3A_617 : i32
        %parallel_loop3A_640 = arith.constant 64 : i32
        %parallel_loop3A_641 = arith.constant 0 : i32
        %parallel_loop3A_642 = arith.cmpi eq, %parallel_loop3A_640, %parallel_loop3A_641 : i32
        %parallel_loop3A_643 = arith.constant 1 : i32
        %parallel_loop3A_644 = arith.select %parallel_loop3A_642, %parallel_loop3A_643, %parallel_loop3A_640 : i32
        %parallel_loop3A_645 = arith.remsi %parallel_loop3A_615, %parallel_loop3A_644 : i32
        %parallel_loop3A_646 = arith.constant 0 : i32
        %parallel_loop3A_647 = arith.cmpi ne, %parallel_loop3A_645, %parallel_loop3A_646 : i32
        %parallel_loop3A_648 = arith.constant 0 : i32
        %parallel_loop3A_649 = arith.cmpi slt, %parallel_loop3A_645, %parallel_loop3A_648 : i32
        %parallel_loop3A_650 = arith.constant 0 : i32
        %parallel_loop3A_651 = arith.cmpi slt, %parallel_loop3A_644, %parallel_loop3A_650 : i32
        %parallel_loop3A_652 = arith.xori %parallel_loop3A_649, %parallel_loop3A_651 : i1
        %parallel_loop3A_653 = arith.andi %parallel_loop3A_652, %parallel_loop3A_647 : i1
        %parallel_loop3A_654 = arith.addi %parallel_loop3A_645, %parallel_loop3A_644 : i32
        %parallel_loop3A_655 = arith.select %parallel_loop3A_653, %parallel_loop3A_654, %parallel_loop3A_645 : i32
        %parallel_loop3A_656 = arith.constant 16 : i32
        %parallel_loop3A_657 = arith.muli %parallel_loop3A_655, %parallel_loop3A_656 : i32
        %parallel_loop3A_658 = arith.index_cast %parallel_loop3A_639 : i32 to index
        %parallel_loop3A_659 = arith.index_cast %parallel_loop3A_657 : i32 to index
        %parallel_loop3A_660 = tpu.vector_load %arg20[%parallel_loop3A_658, %parallel_loop3A_659] {strides = array<i32>} : memref<4x1024xf32, #tpu.memory_space<vmem>>, vector<1x16xf32>,
        %parallel_loop3A_661 = vector.shape_cast %parallel_loop3A_660 : vector<1x16xf32> to vector<16xf32>
        %parallel_loop3A_662 = arith.index_cast %parallel_loop3A_639 : i32 to index
        %parallel_loop3A_663 = arith.index_cast %parallel_loop3A_657 : i32 to index
        %parallel_loop3A_664 = tpu.vector_load %arg24[%parallel_loop3A_662, %parallel_loop3A_663] {strides = array<i32>} : memref<4x1024xf32, #tpu.memory_space<vmem>>, vector<1x16xf32>,
        %parallel_loop3A_665 = vector.shape_cast %parallel_loop3A_664 : vector<1x16xf32> to vector<16xf32>
        %parallel_loop3A_666 = vector.shape_cast %parallel_loop3A_661 : vector<16xf32> to vector<1x16xf32>
        tpu.vector_store %arg24[%parallel_loop3A_662, %parallel_loop3A_663], %parallel_loop3A_666 {add = true, strides = array<i32>} : memref<4x1024xf32, #tpu.memory_space<vmem>>, vector<1x16xf32>,
      } {sc.loop_unroll_factor = 8 : i64, sc.parallel_access}
      %mul3A_606 = arith.constant 4 : i32
      %mul3A_607 = arith.muli %add3A_516, %mul3A_606 : i32
      %add3A_608 = arith.addi %mul3A_2, %mul3A_607 : i32
      %add3A_609 = arith.constant 24576 : i32
      %add3A_610 = arith.addi %add3A_609, %add3A_608 : i32
      %dma_start3A_611 = arith.constant 0 : i32
      %dma_start3A_612 = tpu.memref_slice %arg4[%add3A_610, %dma_start3A_611] : memref<32768x1024xf32, #tpu.memory_space<hbm>> -> memref<4x1024xf32, #tpu.memory_space<hbm>>
      %dma_start3A_613 = arith.constant 0 : i32
      %dma_start3A_614 = tpu.memref_slice %arg4[%add3A_610, %dma_start3A_613] : memref<32768x1024xf32, #tpu.memory_space<hbm>> -> memref<4x1024xf32, #tpu.memory_space<hbm>>
      tpu.enqueue_dma source(%arg24 : memref<4x1024xf32, #tpu.memory_space<vmem>>) target(%dma_start3A_614 : memref<4x1024xf32, #tpu.memory_space<hbm>>) target_semaphore(%arg32 : memref<!tpu.dma_semaphore, #tpu.memory_space<semaphore_mem>>)
    }
    %scan3A_82 = arith.constant 16 : i32
    %add3A_83 = arith.constant 240 : i32
    %add3A_84 = arith.addi %mul3A_2, %add3A_83 : i32
    %add3A_85 = arith.constant 0 : i32
    %add3A_86 = arith.addi %add3A_85, %add3A_84 : i32
    %dma_wait3A = arith.constant 0 : i32
    %dma_wait3A_87 = tpu.memref_slice %arg4[%add3A_86, %dma_wait3A] : memref<32768x1024xf32, #tpu.memory_space<hbm>> -> memref<4x1024xf32, #tpu.memory_space<hbm>>
    %dma_wait3A_88 = arith.constant 0 : i32
    %dma_wait3A_89 = tpu.memref_slice %arg4[%add3A_86, %dma_wait3A_88] : memref<32768x1024xf32, #tpu.memory_space<hbm>> -> memref<4x1024xf32, #tpu.memory_space<hbm>>
    tpu.wait_dma2 semaphore(%arg29 : memref<!tpu.dma_semaphore, #tpu.memory_space<semaphore_mem>>) src(%arg6 : memref<4x1024xf32, #tpu.memory_space<vmem>>) dst(%dma_wait3A_89 : memref<4x1024xf32, #tpu.memory_space<hbm>>)
    %add3A_90 = arith.constant 240 : i32
    %add3A_91 = arith.addi %mul3A_2, %add3A_90 : i32
    %add3A_92 = arith.constant 8192 : i32
    %add3A_93 = arith.addi %add3A_92, %add3A_91 : i32
    %dma_wait3A_94 = arith.constant 0 : i32
    %dma_wait3A_95 = tpu.memref_slice %arg4[%add3A_93, %dma_wait3A_94] : memref<32768x1024xf32, #tpu.memory_space<hbm>> -> memref<4x1024xf32, #tpu.memory_space<hbm>>
    %dma_wait3A_96 = arith.constant 0 : i32
    %dma_wait3A_97 = tpu.memref_slice %arg4[%add3A_93, %dma_wait3A_96] : memref<32768x1024xf32, #tpu.memory_space<hbm>> -> memref<4x1024xf32, #tpu.memory_space<hbm>>
    tpu.wait_dma2 semaphore(%arg29 : memref<!tpu.dma_semaphore, #tpu.memory_space<semaphore_mem>>) src(%arg7 : memref<4x1024xf32, #tpu.memory_space<vmem>>) dst(%dma_wait3A_97 : memref<4x1024xf32, #tpu.memory_space<hbm>>)
    %add3A_98 = arith.constant 240 : i32
    %add3A_99 = arith.addi %mul3A_2, %add3A_98 : i32
    %add3A_100 = arith.constant 16384 : i32
    %add3A_101 = arith.addi %add3A_100, %add3A_99 : i32
    %dma_wait3A_102 = arith.constant 0 : i32
    %dma_wait3A_103 = tpu.memref_slice %arg4[%add3A_101, %dma_wait3A_102] : memref<32768x1024xf32, #tpu.memory_space<hbm>> -> memref<4x1024xf32, #tpu.memory_space<hbm>>
    %dma_wait3A_104 = arith.constant 0 : i32
    %dma_wait3A_105 = tpu.memref_slice %arg4[%add3A_101, %dma_wait3A_104] : memref<32768x1024xf32, #tpu.memory_space<hbm>> -> memref<4x1024xf32, #tpu.memory_space<hbm>>
    tpu.wait_dma2 semaphore(%arg29 : memref<!tpu.dma_semaphore, #tpu.memory_space<semaphore_mem>>) src(%arg8 : memref<4x1024xf32, #tpu.memory_space<vmem>>) dst(%dma_wait3A_105 : memref<4x1024xf32, #tpu.memory_space<hbm>>)
    %add3A_106 = arith.constant 240 : i32
    %add3A_107 = arith.addi %mul3A_2, %add3A_106 : i32
    %add3A_108 = arith.constant 24576 : i32
    %add3A_109 = arith.addi %add3A_108, %add3A_107 : i32
    %dma_wait3A_110 = arith.constant 0 : i32
    %dma_wait3A_111 = tpu.memref_slice %arg4[%add3A_109, %dma_wait3A_110] : memref<32768x1024xf32, #tpu.memory_space<hbm>> -> memref<4x1024xf32, #tpu.memory_space<hbm>>
    %dma_wait3A_112 = arith.constant 0 : i32
    %dma_wait3A_113 = tpu.memref_slice %arg4[%add3A_109, %dma_wait3A_112] : memref<32768x1024xf32, #tpu.memory_space<hbm>> -> memref<4x1024xf32, #tpu.memory_space<hbm>>
    tpu.wait_dma2 semaphore(%arg29 : memref<!tpu.dma_semaphore, #tpu.memory_space<semaphore_mem>>) src(%arg9 : memref<4x1024xf32, #tpu.memory_space<vmem>>) dst(%dma_wait3A_113 : memref<4x1024xf32, #tpu.memory_space<hbm>>)
    %add3A_114 = arith.constant 244 : i32
    %add3A_115 = arith.addi %mul3A_2, %add3A_114 : i32
    %add3A_116 = arith.constant 0 : i32
    %add3A_117 = arith.addi %add3A_116, %add3A_115 : i32
    %dma_wait3A_118 = arith.constant 0 : i32
    %dma_wait3A_119 = tpu.memref_slice %arg4[%add3A_117, %dma_wait3A_118] : memref<32768x1024xf32, #tpu.memory_space<hbm>> -> memref<4x1024xf32, #tpu.memory_space<hbm>>
    %dma_wait3A_120 = arith.constant 0 : i32
    %dma_wait3A_121 = tpu.memref_slice %arg4[%add3A_117, %dma_wait3A_120] : memref<32768x1024xf32, #tpu.memory_space<hbm>> -> memref<4x1024xf32, #tpu.memory_space<hbm>>
    tpu.wait_dma2 semaphore(%arg30 : memref<!tpu.dma_semaphore, #tpu.memory_space<semaphore_mem>>) src(%arg11 : memref<4x1024xf32, #tpu.memory_space<vmem>>) dst(%dma_wait3A_121 : memref<4x1024xf32, #tpu.memory_space<hbm>>)
    %add3A_122 = arith.constant 244 : i32
    %add3A_123 = arith.addi %mul3A_2, %add3A_122 : i32
    %add3A_124 = arith.constant 8192 : i32
    %add3A_125 = arith.addi %add3A_124, %add3A_123 : i32
    %dma_wait3A_126 = arith.constant 0 : i32
    %dma_wait3A_127 = tpu.memref_slice %arg4[%add3A_125, %dma_wait3A_126] : memref<32768x1024xf32, #tpu.memory_space<hbm>> -> memref<4x1024xf32, #tpu.memory_space<hbm>>
    %dma_wait3A_128 = arith.constant 0 : i32
    %dma_wait3A_129 = tpu.memref_slice %arg4[%add3A_125, %dma_wait3A_128] : memref<32768x1024xf32, #tpu.memory_space<hbm>> -> memref<4x1024xf32, #tpu.memory_space<hbm>>
    tpu.wait_dma2 semaphore(%arg30 : memref<!tpu.dma_semaphore, #tpu.memory_space<semaphore_mem>>) src(%arg12 : memref<4x1024xf32, #tpu.memory_space<vmem>>) dst(%dma_wait3A_129 : memref<4x1024xf32, #tpu.memory_space<hbm>>)
    %add3A_130 = arith.constant 244 : i32
    %add3A_131 = arith.addi %mul3A_2, %add3A_130 : i32
    %add3A_132 = arith.constant 16384 : i32
    %add3A_133 = arith.addi %add3A_132, %add3A_131 : i32
    %dma_wait3A_134 = arith.constant 0 : i32
    %dma_wait3A_135 = tpu.memref_slice %arg4[%add3A_133, %dma_wait3A_134] : memref<32768x1024xf32, #tpu.memory_space<hbm>> -> memref<4x1024xf32, #tpu.memory_space<hbm>>
    %dma_wait3A_136 = arith.constant 0 : i32
    %dma_wait3A_137 = tpu.memref_slice %arg4[%add3A_133, %dma_wait3A_136] : memref<32768x1024xf32, #tpu.memory_space<hbm>> -> memref<4x1024xf32, #tpu.memory_space<hbm>>
    tpu.wait_dma2 semaphore(%arg30 : memref<!tpu.dma_semaphore, #tpu.memory_space<semaphore_mem>>) src(%arg13 : memref<4x1024xf32, #tpu.memory_space<vmem>>) dst(%dma_wait3A_137 : memref<4x1024xf32, #tpu.memory_space<hbm>>)
    %add3A_138 = arith.constant 244 : i32
    %add3A_139 = arith.addi %mul3A_2, %add3A_138 : i32
    %add3A_140 = arith.constant 24576 : i32
    %add3A_141 = arith.addi %add3A_140, %add3A_139 : i32
    %dma_wait3A_142 = arith.constant 0 : i32
    %dma_wait3A_143 = tpu.memref_slice %arg4[%add3A_141, %dma_wait3A_142] : memref<32768x1024xf32, #tpu.memory_space<hbm>> -> memref<4x1024xf32, #tpu.memory_space<hbm>>
    %dma_wait3A_144 = arith.constant 0 : i32
    %dma_wait3A_145 = tpu.memref_slice %arg4[%add3A_141, %dma_wait3A_144] : memref<32768x1024xf32, #tpu.memory_space<hbm>> -> memref<4x1024xf32, #tpu.memory_space<hbm>>
    tpu.wait_dma2 semaphore(%arg30 : memref<!tpu.dma_semaphore, #tpu.memory_space<semaphore_mem>>) src(%arg14 : memref<4x1024xf32, #tpu.memory_space<vmem>>) dst(%dma_wait3A_145 : memref<4x1024xf32, #tpu.memory_space<hbm>>)
    %add3A_146 = arith.constant 248 : i32
    %add3A_147 = arith.addi %mul3A_2, %add3A_146 : i32
    %add3A_148 = arith.constant 0 : i32
    %add3A_149 = arith.addi %add3A_148, %add3A_147 : i32
    %dma_wait3A_150 = arith.constant 0 : i32
    %dma_wait3A_151 = tpu.memref_slice %arg4[%add3A_149, %dma_wait3A_150] : memref<32768x1024xf32, #tpu.memory_space<hbm>> -> memref<4x1024xf32, #tpu.memory_space<hbm>>
    %dma_wait3A_152 = arith.constant 0 : i32
    %dma_wait3A_153 = tpu.memref_slice %arg4[%add3A_149, %dma_wait3A_152] : memref<32768x1024xf32, #tpu.memory_space<hbm>> -> memref<4x1024xf32, #tpu.memory_space<hbm>>
    tpu.wait_dma2 semaphore(%arg31 : memref<!tpu.dma_semaphore, #tpu.memory_space<semaphore_mem>>) src(%arg16 : memref<4x1024xf32, #tpu.memory_space<vmem>>) dst(%dma_wait3A_153 : memref<4x1024xf32, #tpu.memory_space<hbm>>)
    %add3A_154 = arith.constant 248 : i32
    %add3A_155 = arith.addi %mul3A_2, %add3A_154 : i32
    %add3A_156 = arith.constant 8192 : i32
    %add3A_157 = arith.addi %add3A_156, %add3A_155 : i32
    %dma_wait3A_158 = arith.constant 0 : i32
    %dma_wait3A_159 = tpu.memref_slice %arg4[%add3A_157, %dma_wait3A_158] : memref<32768x1024xf32, #tpu.memory_space<hbm>> -> memref<4x1024xf32, #tpu.memory_space<hbm>>
    %dma_wait3A_160 = arith.constant 0 : i32
    %dma_wait3A_161 = tpu.memref_slice %arg4[%add3A_157, %dma_wait3A_160] : memref<32768x1024xf32, #tpu.memory_space<hbm>> -> memref<4x1024xf32, #tpu.memory_space<hbm>>
    tpu.wait_dma2 semaphore(%arg31 : memref<!tpu.dma_semaphore, #tpu.memory_space<semaphore_mem>>) src(%arg17 : memref<4x1024xf32, #tpu.memory_space<vmem>>) dst(%dma_wait3A_161 : memref<4x1024xf32, #tpu.memory_space<hbm>>)
    %add3A_162 = arith.constant 248 : i32
    %add3A_163 = arith.addi %mul3A_2, %add3A_162 : i32
    %add3A_164 = arith.constant 16384 : i32
    %add3A_165 = arith.addi %add3A_164, %add3A_163 : i32
    %dma_wait3A_166 = arith.constant 0 : i32
    %dma_wait3A_167 = tpu.memref_slice %arg4[%add3A_165, %dma_wait3A_166] : memref<32768x1024xf32, #tpu.memory_space<hbm>> -> memref<4x1024xf32, #tpu.memory_space<hbm>>
    %dma_wait3A_168 = arith.constant 0 : i32
    %dma_wait3A_169 = tpu.memref_slice %arg4[%add3A_165, %dma_wait3A_168] : memref<32768x1024xf32, #tpu.memory_space<hbm>> -> memref<4x1024xf32, #tpu.memory_space<hbm>>
    tpu.wait_dma2 semaphore(%arg31 : memref<!tpu.dma_semaphore, #tpu.memory_space<semaphore_mem>>) src(%arg18 : memref<4x1024xf32, #tpu.memory_space<vmem>>) dst(%dma_wait3A_169 : memref<4x1024xf32, #tpu.memory_space<hbm>>)
    %add3A_170 = arith.constant 248 : i32
    %add3A_171 = arith.addi %mul3A_2, %add3A_170 : i32
    %add3A_172 = arith.constant 24576 : i32
    %add3A_173 = arith.addi %add3A_172, %add3A_171 : i32
    %dma_wait3A_174 = arith.constant 0 : i32
    %dma_wait3A_175 = tpu.memref_slice %arg4[%add3A_173, %dma_wait3A_174] : memref<32768x1024xf32, #tpu.memory_space<hbm>> -> memref<4x1024xf32, #tpu.memory_space<hbm>>
    %dma_wait3A_176 = arith.constant 0 : i32
    %dma_wait3A_177 = tpu.memref_slice %arg4[%add3A_173, %dma_wait3A_176] : memref<32768x1024xf32, #tpu.memory_space<hbm>> -> memref<4x1024xf32, #tpu.memory_space<hbm>>
    tpu.wait_dma2 semaphore(%arg31 : memref<!tpu.dma_semaphore, #tpu.memory_space<semaphore_mem>>) src(%arg19 : memref<4x1024xf32, #tpu.memory_space<vmem>>) dst(%dma_wait3A_177 : memref<4x1024xf32, #tpu.memory_space<hbm>>)
    %add3A_178 = arith.constant 252 : i32
    %add3A_179 = arith.addi %mul3A_2, %add3A_178 : i32
    %add3A_180 = arith.constant 0 : i32
    %add3A_181 = arith.addi %add3A_180, %add3A_179 : i32
    %dma_wait3A_182 = arith.constant 0 : i32
    %dma_wait3A_183 = tpu.memref_slice %arg4[%add3A_181, %dma_wait3A_182] : memref<32768x1024xf32, #tpu.memory_space<hbm>> -> memref<4x1024xf32, #tpu.memory_space<hbm>>
    %dma_wait3A_184 = arith.constant 0 : i32
    %dma_wait3A_185 = tpu.memref_slice %arg4[%add3A_181, %dma_wait3A_184] : memref<32768x1024xf32, #tpu.memory_space<hbm>> -> memref<4x1024xf32, #tpu.memory_space<hbm>>
    tpu.wait_dma2 semaphore(%arg32 : memref<!tpu.dma_semaphore, #tpu.memory_space<semaphore_mem>>) src(%arg21 : memref<4x1024xf32, #tpu.memory_space<vmem>>) dst(%dma_wait3A_185 : memref<4x1024xf32, #tpu.memory_space<hbm>>)
    %add3A_186 = arith.constant 252 : i32
    %add3A_187 = arith.addi %mul3A_2, %add3A_186 : i32
    %add3A_188 = arith.constant 8192 : i32
    %add3A_189 = arith.addi %add3A_188, %add3A_187 : i32
    %dma_wait3A_190 = arith.constant 0 : i32
    %dma_wait3A_191 = tpu.memref_slice %arg4[%add3A_189, %dma_wait3A_190] : memref<32768x1024xf32, #tpu.memory_space<hbm>> -> memref<4x1024xf32, #tpu.memory_space<hbm>>
    %dma_wait3A_192 = arith.constant 0 : i32
    %dma_wait3A_193 = tpu.memref_slice %arg4[%add3A_189, %dma_wait3A_192] : memref<32768x1024xf32, #tpu.memory_space<hbm>> -> memref<4x1024xf32, #tpu.memory_space<hbm>>
    tpu.wait_dma2 semaphore(%arg32 : memref<!tpu.dma_semaphore, #tpu.memory_space<semaphore_mem>>) src(%arg22 : memref<4x1024xf32, #tpu.memory_space<vmem>>) dst(%dma_wait3A_193 : memref<4x1024xf32, #tpu.memory_space<hbm>>)
    %add3A_194 = arith.constant 252 : i32
    %add3A_195 = arith.addi %mul3A_2, %add3A_194 : i32
    %add3A_196 = arith.constant 16384 : i32
    %add3A_197 = arith.addi %add3A_196, %add3A_195 : i32
    %dma_wait3A_198 = arith.constant 0 : i32
    %dma_wait3A_199 = tpu.memref_slice %arg4[%add3A_197, %dma_wait3A_198] : memref<32768x1024xf32, #tpu.memory_space<hbm>> -> memref<4x1024xf32, #tpu.memory_space<hbm>>
    %dma_wait3A_200 = arith.constant 0 : i32
    %dma_wait3A_201 = tpu.memref_slice %arg4[%add3A_197, %dma_wait3A_200] : memref<32768x1024xf32, #tpu.memory_space<hbm>> -> memref<4x1024xf32, #tpu.memory_space<hbm>>
    tpu.wait_dma2 semaphore(%arg32 : memref<!tpu.dma_semaphore, #tpu.memory_space<semaphore_mem>>) src(%arg23 : memref<4x1024xf32, #tpu.memory_space<vmem>>) dst(%dma_wait3A_201 : memref<4x1024xf32, #tpu.memory_space<hbm>>)
    %add3A_202 = arith.constant 252 : i32
    %add3A_203 = arith.addi %mul3A_2, %add3A_202 : i32
    %add3A_204 = arith.constant 24576 : i32
    %add3A_205 = arith.addi %add3A_204, %add3A_203 : i32
    %dma_wait3A_206 = arith.constant 0 : i32
    %dma_wait3A_207 = tpu.memref_slice %arg4[%add3A_205, %dma_wait3A_206] : memref<32768x1024xf32, #tpu.memory_space<hbm>> -> memref<4x1024xf32, #tpu.memory_space<hbm>>
    %dma_wait3A_208 = arith.constant 0 : i32
    %dma_wait3A_209 = tpu.memref_slice %arg4[%add3A_205, %dma_wait3A_208] : memref<32768x1024xf32, #tpu.memory_space<hbm>> -> memref<4x1024xf32, #tpu.memory_space<hbm>>
    tpu.wait_dma2 semaphore(%arg32 : memref<!tpu.dma_semaphore, #tpu.memory_space<semaphore_mem>>) src(%arg24 : memref<4x1024xf32, #tpu.memory_space<vmem>>) dst(%dma_wait3A_209 : memref<4x1024xf32, #tpu.memory_space<hbm>>)
    return
  }
}

</mosaic_0001>

<sc_bundles>
// kernel: kernel.3.cloned.1.call-start
scs
__scs_entry_jumppad:
0x0: {  	(pc) =	sbr.rel $0x88, $3  }
0x1: {  	(tag) =	ssettag $0x0;
	lr =	simm.s32 $0x1  }
0x2: {  	[smem:$0x3F9F] =	sst lr;
	_ =	strace $0xD0000000  }
0x3: {  	_ = 	snop  }
0x4: {  	_ = 	snop  }
0x5: {  	_ = 	snop  }
0x6: {  	_ = 	snop  }
0x7: {  	_ = 	snop  }
__scs_overlays_trampoline_lowered:
0x8: {  	[smem:$0x3FAE] =	sst s0  }
0x9: {  	[smem:$0x3FAF] =	sst s1  }
0xa: {  	[smem:$0x3FB0] =	sst s2  }
0xb: {  	[smem:$0x3FB1] =	sst s3  }
0xc: {  	[smem:$0x3FB2] =	sst s4  }
0xd: {  	[smem:$0x3FB3] =	sst s5  }
0xe: {  	[smem:$0x3FB4] =	sst s6  }
0xf: {  	[smem:$0x3FB5] =	sst s7  }
0x10: {  	[smem:$0x3FB6] =	sst s8  }
0x11: {  	[smem:$0x3FB7] =	sst s9;
	s0 =	simm.s32 @!p0 $0x0  }
0x12: {  	s1 =	sld [smem:$0x3F9D];
	s0 =	simm.s32 @p0 $0x1  }
0x13: {  	[smem:$0x3FB8] =	sst s0;
	s0 =	simm.s32 @!p1 $0x0  }
0x14: {  	s2 =	sld [smem:$0x3F9C];
	s0 =	simm.s32 @p1 $0x1  }
0x15: {  	[smem:$0x3FB9] =	sst s0;
	s0 =	simm.s32 @!p2 $0x0  }
0x16: {  	s3 =	sld [smem:$0x3FDB];
	s0 =	simm.s32 @p2 $0x1  }
0x17: {  	s4 =	simm.s32 $0x1BF5;
	[smem:$0x3FBB] =	sst s0  }
0x18: {  	s0 =	sld [smem:$0x3F9E];
	_ =	swait.ge [sflag:s4], $0x0  }
0x19: {  	s7 =	sld [smem:$0x3F9F]  }
0x1a: {  	s8 =	sadd.s32 $0xFFFFE003, lr  }
0x1b: {  	s9 =	sadd.s32 $0xFFFFFEF7, lr;
	s5 =	simm.s32 $0xFFFFFFFF;
	p2 =	slt.u32 s8, $0xFFFFF086  }
0x1c: {  	p1 =	slt.u32 s9, $0xF7A;
	s5 =	simm.s32 @!p2 $0x0  }
0x1d: {  	s5 =	simm.s32 @p1 $0x1;
	p0 =	seq.s32 s7, s2  }
0x1e: {  	s7 =	smul.u32 @!p0 $0xF7A, s2;
	p2 =	seq.s32 @!p0 s5, $0x0  }
0x1f: {  	s9 =	smul.u32 $0xF7A, s1;
	s8 =	simm.s32 @!p0 $0x1BF5;
	p2 =	por !p2, p0  }
0x20: {  	[sflag:s8] =	ssyncset.s32 @!p0 $0xFFFFF086;
	s6 =	sadd.s32 @!p0 s3, s7;
	s7 =	simm.s32 @!p0 $0x108  }
0x21: {  	s3 =	sadd.s32 s3, s9;
	s6 =	sadd.s32 @!p0 $0x88, s6;
	s7 =	simm.s32 @p2 $0x1082  }
0x22: {  	[simem:s7], [sflag:s8] =	dma.local @!p0 [hbm:s6], $0xF7A  }
0x23: {  	s9 =	sor.u32 $0xD0000000, s2;
	s6 =	simm.s32 $0x108;
	_ =	swait.ge @!p0 [sflag:s8], $0x0  }
0x24: {  	s3 =	sadd.s32 $0x88, s3;
	s6 =	simm.s32 @!p1 $0x1082;
	[sflag:s4] =	ssyncset.s32 $0xFFFFF086  }
0x25: {  	[simem:s6], [sflag:s4] =	dma.local [hbm:s3], $0xF7A  }
0x26: {  	[smem:$0x3F9F] =	sst s1;
	(tag) =	ssettag s2;
	_ =	strace s9  }
0x27: {  	s1 =	sld [smem:$0x3FAF]  }
0x28: {  	s2 =	sld [smem:$0x3FB0]  }
0x29: {  	s4 =	sld [smem:$0x3FB2]  }
0x2a: {  	p0 =	seq.s32 s5, $0x0;
	s5 =	sld [smem:$0x3FB3]  }
0x2b: {  	s6 =	sld [smem:$0x3FB4]  }
0x2c: {  	s7 =	sld [smem:$0x3FB5]  }
0x2d: {  	s3 =	simm.s32 $0x108;
	s8 =	sld [smem:$0x3FB6]  }
0x2e: {  	s3 =	simm.s32 @!p0 $0x1082;
	s9 =	sld [smem:$0x3FB7]  }
0x2f: {  	lr =	sadd.s32 s0, s3;
	s0 =	sld [smem:$0x3FAE]  }
0x30: {  	s3 =	sld [smem:$0x3FB1]  }
0x31: {  	[smem:$0x3FBA] =	sst s10  }
0x32: {  	s10 =	sld [smem:$0x3FB8];
	_ =	sdelay $0x3  }
0x33: {  	p0 =	seq.s32 s10, $0x1;
	s10 =	sld [smem:$0x3FBA];
	_ =	sdelay $0x3  }
0x34: {  	[smem:$0x3FBA] =	sst s10  }
0x35: {  	s10 =	sld [smem:$0x3FB9];
	_ =	sdelay $0x3  }
0x36: {  	p1 =	seq.s32 s10, $0x1;
	s10 =	sld [smem:$0x3FBA];
	_ =	sdelay $0x3  }
0x37: {  	[smem:$0x3FBA] =	sst s10  }
0x38: {  	s10 =	sld [smem:$0x3FBB]  }
0x39: {  	_ = 	snop;
	(pc) =	sbr.ind lr, $3  }
0x3a: {  	_ = 	snop  }
0x3b: {  	_ = 	snop  }
0x3c: {  	p2 =	seq.s32 s10, $0x1;
	s10 =	sld [smem:$0x3FBA]  }
0x3d: {  	_ =	shalt  }
0x3e: {  	_ =	shalt  }
0x3f: {  	_ =	shalt  }
0x40: {  	_ =	shalt  }
0x41: {  	_ =	shalt  }
0x42: {  	_ =	shalt  }
0x43: {  	_ =	shalt  }
0x44: {  	_ =	shalt  }
0x45: {  	_ =	shalt  }
0x46: {  	_ =	shalt  }
0x47: {  	_ =	shalt  }
0x48: {  	_ =	shalt  }
0x49: {  	_ =	shalt  }
0x4a: {  	_ =	shalt  }
0x4b: {  	_ =	shalt  }
0x4c: {  	_ =	shalt  }
0x4d: {  	_ =	shalt  }
0x4e: {  	_ =	shalt  }
0x4f: {  	_ =	shalt  }
0x50: {  	_ =	shalt  }
0x51: {  	_ =	shalt  }
0x52: {  	_ =	shalt  }
0x53: {  	_ =	shalt  }
0x54: {  	_ =	shalt  }
0x55: {  	_ =	shalt  }
0x56: {  	_ =	shalt  }
0x57: {  	_ =	shalt  }
0x58: {  	_ =	shalt  }
0x59: {  	_ =	shalt  }
0x5a: {  	_ =	shalt  }
0x5b: {  	_ =	shalt  }
0x5c: {  	_ =	shalt  }
0x5d: {  	_ =	shalt  }
0x5e: {  	_ =	shalt  }
0x5f: {  	_ =	shalt  }
0x60: {  	_ =	shalt  }
0x61: {  	_ =	shalt  }
0x62: {  	_ =	shalt  }
0x63: {  	_ =	shalt  }
0x64: {  	_ =	shalt  }
0x65: {  	_ =	shalt  }
0x66: {  	_ =	shalt  }
0x67: {  	_ =	shalt  }
0x68: {  	_ =	shalt  }
0x69: {  	_ =	shalt  }
0x6a: {  	_ =	shalt  }
0x6b: {  	_ =	shalt  }
0x6c: {  	_ =	shalt  }
0x6d: {  	_ =	shalt  }
0x6e: {  	_ =	shalt  }
0x6f: {  	_ =	shalt  }
0x70: {  	_ =	shalt  }
0x71: {  	_ =	shalt  }
0x72: {  	_ =	shalt  }
0x73: {  	_ =	shalt  }
0x74: {  	_ =	shalt  }
0x75: {  	_ =	shalt  }
0x76: {  	_ =	shalt  }
0x77: {  	_ =	shalt  }
0x78: {  	_ =	shalt  }
0x79: {  	_ =	shalt  }
0x7a: {  	_ =	shalt  }
0x7b: {  	_ =	shalt  }
0x7c: {  	_ =	shalt  }
0x7d: {  	_ =	shalt  }
0x7e: {  	_ =	shalt  }
0x7f: {  	_ =	shalt  }
0x80: {  	_ =	shalt  }
0x81: {  	_ =	shalt  }
0x82: {  	_ =	shalt  }
0x83: {  	_ =	shalt  }
0x84: {  	_ =	shalt  }
0x85: {  	_ =	shalt  }
0x86: {  	_ =	shalt  }
0x87: {  	_ =	shalt  }
.Lfunc_end0:
.L_simem_size_0:
called_computation_lowered:
.L_overlay_start_0:
0x88: {  	s2 =	sld [smem:$0x3FD9]  }
0x89: {  	s3 =	sld [smem:$0x3FFE];
	_ =	sdelay $0x1  }
0x8a: {  	s1 =	srdreg.scid  }
0x8b: {  	s0 =	sand.u32 $0x1, s1  }
0x8c: {  	s18 =	sshll.u32 s0, $0xA;
	s2 =	sadd.s32 s3, s2  }
0x8d: {  	s2 =	sadd.s32 s2, s18  }
0x8e: {  	[smem:$0x3FC6] =	sst s2  }
0x8f: {  	_ = 	snop  }
0x90: {  	s2 =	sld [smem:$0x3FC9]  }
0x91: {  	s19 =	sld [smem:$0x3FC8]  }
0x92: {  	s4 =	sld [smem:$0x3FD0];
	(tm) =	ssettm $0x1  }
0x93: {  	s5 =	sld [smem:$0x3FFB];
	_ =	sdelay $0x3  }
0x94: {  	_ =	strace s5  }
0x95: {  	s5 =	sld [smem:$0x3FFC];
	_ =	sdelay $0x3  }
0x96: {  	_ =	strace s5  }
0x97: {  	s5 =	sld [smem:$0x3FFD];
	_ =	sdelay $0x3  }
0x98: {  	_ =	strace s5  }
0x99: {  	_ =	strace $0x8FFFFFFF  }
0x9a: {  	s20 =	sld [smem:$0x3FDB];
	_ =	sdelay $0x1  }
0x9b: {  	s6 =	simm.s32 $_scs_section_size  }
0x9c: {  	s7 =	simm.s32 $_size__tile_overlayer_lowered;
	s8 =	simm.s32 $_tile_overlayer_lowered  }
0x9d: {  	s23 =	simm.s32 $0x1BFF;
	s22 =	sshll.u32 s8, $0x1;
	s5 =	sadd.s32 s6, s20  }
0x9e: {  	s9 =	simm.s32 $0x0;
	s21 =	sshll.u32 s7, $0x1;
	s7 =	sadd.s32 s22, s5  }
0x9f: {  	[timem:s9], [sflag:s23] =	dma.local [hbm:s7], s21  }
0xa0: {  	_ =	swait.ge [sflag:s23], s21  }
0xa1: {  	s6 =	ssub.s32 $0x0, s21;
	[sflag:s23] =	ssyncset.done $0x0  }
0xa2: {  	[sflag:s23] =	ssyncadd.s32 s6;
	_ =	sdelay $0x1  }
0xa3: {  	s24 =	simm.s32 $0x1B8B  }
0xa4: {  	_ =	swait.ge [sflag:s24], $0x1  }
0xa5: {  	[sflag:s24] =	ssyncset.done $0x0  }
0xa6: {  	s25 =	simm.s32 $0x1B8E;
	[sflag:s24] =	ssyncadd.s32 $0xFFFFFFFF  }
0xa7: {  	s26 =	simm.s32 $execute0_lowered;
	[smem:$0x3FD2] =	sst s25  }
0xa8: {  	s6 =	sshll.u32 s26, $0x1;
	_ =	strace $0x80000046;
	[dreg:$0x1] =	wrdreg $0xFFFFFFFF  }
0xa9: {  	s28 =	simm.s32 $_size_execute0_lowered;
	s5 =	sadd.s32 s5, s6;
	[dreg:$0x0] =	wrdreg $0x0  }
0xaa: {  	s6 =	sshll.u32 s28, $0x1;
	[dreg:$0x2] =	wrdreg s5  }
0xab: {  	[dreg:$0x3] =	wrdreg s6  }
0xac: {  	[dreg:$0x4] =	wrdreg $0xC0  }
0xad: {  	_ =	task [dreg:s9], $0x5FFFF  }
0xae: {  	[dreg:$0x1] =	wrdreg $0xFFFFFFFF  }
0xaf: {  	[dreg:$0x0] =	wrdreg $0x60  }
0xb0: {  	[dreg:$0x2] =	wrdreg s2  }
0xb1: {  	[dreg:$0x3] =	wrdreg s19  }
0xb2: {  	[dreg:$0x4] =	wrdreg s4  }
0xb3: {  	[dreg:$0x5] =	wrdreg $0x9  }
0xb4: {  	_ =	task.clear_ibuf [dreg:s9], $0x6FFFF;
	_ =	strace $0x90000046  }
0xb5: {  	s29 =	simm.s32 $0x9;
	_ =	strace $0x80000048  }
0xb6: {  	_ =	swait.ge [sflag:s29], $0x1  }
0xb7: {  	[sflag:s29] =	ssyncadd.s32 $0xFFFFFFFF  }
0xb8: {  	_ =	strace $0x90000048  }
0xb9: {  	_ =	sfence  }
0xba: {  	s30 =	sld [smem:$0x0];
	_ =	sdelay $0x2  }
0xbb: {  	s31 =	sshll.u32 s1, $0xD;
	s1 =	sshrl.u32 s1, $0x2  }
0xbc: {  	s3 =	sand.u32 $0x4000, s31;
	s1 =	sadd.s32 s1, s30  }
0xbd: {  	s0 =	sor.u32 s3, s0;
	s1 =	sshll.u32 s1, $0x11  }
0xbe: {  	s0 =	sor.u32 s1, s0  }
0xbf: {  	s0 =	sadd.s32 $0x8F2B, s0  }
0xc0: {  	[sflag:s0] =	ssyncadd.remote.s32 $0x1  }
0xc1: {  	_ =	sfence.sel $0xFFFF  }
0xc2: {  	[dreg:$0x0] =	wrdreg $0xFFFFFFFF;
	(pc) =	sbr.abs _section_cstart, $3  }
0xc3: {  	[dreg:$0x1] =	wrdreg $0xFFFFFFFF  }
0xc4: {  	_ =	task.clear_ibuf [dreg:s9], $0x2FFFF;
	_ =	strace $0x9FFFFFFF  }
0xc5: {  	(tm) =	ssettm $0x7FFFFFFF  }
tec
execute0_lowered:
.L_overlay_start_1:
0x0: {  	(tag) =	ssettag $0x1  }
0x1: {  	s1 =	rddreg [dreg:$0x0]  }
0x2: {  	s22 =	rddreg [dreg:$0x1]  }
0x3: {  	s3 =	rddreg [dreg:$0x2];
	s2 =	simm.s32 $0x0  }
0x4: {  	[smem:$0x7FF] =	sst s2;
	s8 =	sadd.s32 $0x100000, s1  }
0x5: {  	s11 =	sadd.s32 $0x200000, s1;
	_ =	strace $0x80000047;
	[dreg:$0x5] =	wrdreg s8  }
0x6: {  	s7 =	sadd.s32 $0x300000, s1;
	[dreg:$0x9] =	wrdreg s11  }
0x7: {  	s15 =	sadd.s32 $0x100040, s1;
	[dreg:$0xa] =	wrdreg s7  }
0x8: {  	s16 =	sadd.s32 $0x200040, s1;
	[dreg:$0xf] =	wrdreg s15  }
0x9: {  	s0 =	srdreg.scid;
	s18 =	sadd.s32 $0x300040, s1;
	[dreg:$0x10] =	wrdreg s16  }
0xa: {  	s28 =	stileid.u32;
	s21 =	sadd.s32 $0x100000, s3;
	[dreg:$0x13] =	wrdreg s18  }
0xb: {  	s0 =	sand.u32 $0x1, s0;
	s23 =	sadd.s32 $0x200000, s3;
	[dreg:$0x18] =	wrdreg s21  }
0xc: {  	s5 =	sshll.u32 s28, $0x9;
	s24 =	sadd.s32 $0x300000, s3;
	[dreg:$0x19] =	wrdreg s23  }
0xd: {  	s25 =	sadd.s32 $0x40, s3;
	s26 =	sadd.s32 $0x100040, s3;
	[dreg:$0x1a] =	wrdreg s24  }
0xe: {  	s4 =	ssub.s32 $0x2, s0;
	s0 =	sshll.u32 s0, $0x8;
	[dreg:$0x1b] =	wrdreg s25  }
0xf: {  	s28 =	sadd.s32 $0x200040, s3;
	[dreg:$0x1c] =	wrdreg s26;
	s2 =	sor.u32 s0, s5  }
0x10: {  	[dreg:$0x1d] =	wrdreg s28;
	s30 =	sshll.u32 s2, $0x7  }
0x11: {  	[dreg:$0x4] =	wrdreg s2;
	s9 =	sadd.s32 s22, s30  }
0x12: {  	s10 =	sadd.s32 s1, s30;
	[dreg:$0x6] =	wrdreg s9  }
0x13: {  	s6 =	sshrl.u32 s4, $0x1;
	s5 =	sadd.s32 s30, s8;
	[dreg:$0x7] =	wrdreg s10  }
0x14: {  	s29 =	ssub.s32 s4, s6;
	s6 =	sadd.s32 s30, s11;
	[dreg:$0x8] =	wrdreg s5  }
0x15: {  	s13 =	sadd.s32 s30, s7;
	[dreg:$0xb] =	wrdreg s6  }
0x16: {  	s17 =	sadd.s32 s30, s16;
	[dreg:$0xc] =	wrdreg s13  }
0x17: {  	s31 =	simm.s32 $0xB000;
	s0 =	smax.u32 s29, $0x1;
	[dreg:$0x12] =	wrdreg s17  }
0x18: {  	s23 =	simm.s32 $0xD000;
	s19 =	sor.u32 $0x400, s30;
	[dreg:$0x15] =	wrdreg s0  }
0x19: {  	s4 =	simm.s32 $0x0;
	s20 =	sor.u32 $0x600, s30;
	[dreg:$0x16] =	wrdreg s19  }
0x1a: {  	s12 =	sor.u32 $0x40, s30;
	s29 =	sadd.s32 $0x300040, s3;
	[dreg:$0x17] =	wrdreg s20  }
0x1b: {  	s8 =	simm.s32 $0x200;
	s14 =	sadd.s32 s22, s12;
	[dreg:$0x1e] =	wrdreg s29  }
0x1c: {  	s7 =	simm.s32 $0x3;
	s5 =	sadd.s32 s1, s12;
	[dreg:$0xd] =	wrdreg s14  }
0x1d: {  	s11 =	simm.s32 $0x4;
	[dreg:$0xe] =	wrdreg s5;
	s5 =	sadd.s32 s30, s15  }
0x1e: {  	s9 =	simm.s32 $0x400;
	[dreg:$0x11] =	wrdreg s5;
	s5 =	sadd.s32 s30, s18  }
0x1f: {  	s20 =	simm.s32 $0x13000;
	s30 =	sor.u32 $0x10, s2;
	[dreg:$0x14] =	wrdreg s5  }
0x20: {  	s6 =	simm.s32 $0x2;
	s15 =	simm.s32 $0x1;
	[dreg:$0x1f] =	wrdreg s30  }
.LBB2_1:
0x21: {  	[smem:$0x7FD] =	sst s4  }
0x22: {  	s0 =	simm.s32 $0x0;
	s2 =	rddreg [dreg:$0x6]  }
0x23: {  	[tilespmem:s0], [sflag:$0x1] =	stream.strided.gather [hbm4b:s2+s8], $0x1000, s9, s8, $0x38;
	[tilespmem:$0x14000] =	vst v63  }
0x24: {  	s4 =	simm.s32 $0x1000;
	s2 =	rddreg [dreg:$0x7]  }
0x25: {  	[tilespmem:s4], [sflag:$0x1] =	stream.strided.gather [hbm4b:s2+s8], $0x1000, s9, s8, $0x38;
	[tilespmem:$0x14000] =	vst v63  }
0x26: {  	s5 =	rddreg [dreg:$0x8];
	s10 =	simm.s32 $0x2000  }
0x27: {  	[tilespmem:s10], [sflag:$0x1] =	stream.strided.gather [hbm4b:s5+s8], $0x1000, s9, s8, $0x38;
	[tilespmem:$0x14000] =	vst v63  }
0x28: {  	s12 =	rddreg [dreg:$0xb];
	s13 =	simm.s32 $0x3000  }
0x29: {  	[tilespmem:s13], [sflag:$0x1] =	stream.strided.gather [hbm4b:s12+s8], $0x1000, s9, s8, $0x38;
	[tilespmem:$0x14000] =	vst v63  }
0x2a: {  	s14 =	rddreg [dreg:$0xc];
	s16 =	simm.s32 $0x4000  }
0x2b: {  	[tilespmem:s16], [sflag:$0x1] =	stream.strided.gather [hbm4b:s14+s8], $0x1000, s9, s8, $0x38;
	[tilespmem:$0x14000] =	vst v63  }
0x2c: {  	s17 =	rddreg [dreg:$0xd];
	s18 =	simm.s32 $0x5000  }
0x2d: {  	[tilespmem:s18], [sflag:$0x2] =	stream.strided.gather [hbm4b:s17+s8], $0x1000, s9, s8, $0x38;
	[tilespmem:$0x14000] =	vst v63  }
0x2e: {  	s19 =	rddreg [dreg:$0xe];
	s21 =	simm.s32 $0x6000  }
0x2f: {  	[tilespmem:s21], [sflag:$0x2] =	stream.strided.gather [hbm4b:s19+s8], $0x1000, s9, s8, $0x38;
	[tilespmem:$0x14000] =	vst v63  }
0x30: {  	s24 =	rddreg [dreg:$0x11];
	s25 =	simm.s32 $0x7000  }
0x31: {  	[tilespmem:s25], [sflag:$0x2] =	stream.strided.gather [hbm4b:s24+s8], $0x1000, s9, s8, $0x38;
	[tilespmem:$0x14000] =	vst v63  }
0x32: {  	s26 =	rddreg [dreg:$0x12];
	s28 =	simm.s32 $0x8000  }
0x33: {  	[tilespmem:s28], [sflag:$0x2] =	stream.strided.gather [hbm4b:s26+s8], $0x1000, s9, s8, $0x38;
	[tilespmem:$0x14000] =	vst v63  }
0x34: {  	s29 =	rddreg [dreg:$0x14];
	s30 =	simm.s32 $0x9000;
	s12 =	simm.s32 $0x0  }
0x35: {  	[tilespmem:s30], [sflag:$0x2] =	stream.strided.gather [hbm4b:s29+s8], $0x1000, s9, s8, $0x38;
	[tilespmem:$0x14000] =	vst v63  }
.LBB2_2:
0x36: {  	p0 =	seq.s32 s12, $0x0  }
0x37: {  	s0 =	simm.s32 @!p0 $0x7  }
0x38: {  	_ =	swait.ge @!p0 [sflag:s0], $0x1000  }
0x39: {  	[sflag:s0] =	ssyncset.done @!p0 $0x0  }
0x3a: {  	[sflag:s0] =	ssyncadd.s32 @!p0 $0xFFFFF000  }
0x3b: {  	_ =	swait.ge @!p0 [sflag:s0], $0x1000  }
0x3c: {  	[sflag:s0] =	ssyncset.done @!p0 $0x0  }
0x3d: {  	[sflag:s0] =	ssyncadd.s32 @!p0 $0xFFFFF000  }
0x3e: {  	_ =	swait.ge @!p0 [sflag:s0], $0x1000  }
0x3f: {  	[sflag:s0] =	ssyncset.done @!p0 $0x0  }
0x40: {  	[sflag:s0] =	ssyncadd.s32 @!p0 $0xFFFFF000  }
0x41: {  	_ =	swait.ge @!p0 [sflag:s0], $0x1000  }
0x42: {  	s18 =	sshll.u32 s12, $0xB;
	s2 =	rddreg [dreg:$0x16]  }
0x43: {  	[sflag:s0] =	ssyncset.done @!p0 $0x0;
	s28 =	sadd.s32 s2, s18  }
0x44: {  	s13 =	simm.s32 $0xA000;
	[sflag:s0] =	ssyncadd.s32 @!p0 $0xFFFFF000;
	s10 =	sadd.s32 s22, s28  }
0x45: {  	[tilespmem:s13], [sflag:$0x3] =	stream.strided.gather [hbm4b:s10+s8], $0x1000, s9, s8, $0x38;
	[tilespmem:$0x14000] =	vst v63  }
0x46: {  	s14 =	sadd.s32 s1, s28;
	s25 =	sor.u32 $0x100000, s28  }
0x47: {  	[tilespmem:s31], [sflag:$0x3] =	stream.strided.gather [hbm4b:s14+s8], $0x1000, s9, s8, $0x38;
	[tilespmem:$0x14000] =	vst v63  }
0x48: {  	s17 =	simm.s32 $0xC000;
	s21 =	sor.u32 $0x200000, s28;
	s16 =	sadd.s32 s1, s25  }
0x49: {  	[tilespmem:s17], [sflag:$0x3] =	stream.strided.gather [hbm4b:s16+s8], $0x1000, s9, s8, $0x38;
	[tilespmem:$0x14000] =	vst v63  }
0x4a: {  	s24 =	sor.u32 $0x300000, s28;
	s19 =	sadd.s32 s1, s21  }
0x4b: {  	[tilespmem:s23], [sflag:$0x3] =	stream.strided.gather [hbm4b:s19+s8], $0x1000, s9, s8, $0x38;
	[tilespmem:$0x14000] =	vst v63  }
0x4c: {  	s26 =	simm.s32 $0xE000;
	[smem:$0x7FC] =	sst s24;
	s0 =	sadd.s32 s1, s24  }
0x4d: {  	[tilespmem:s26], [sflag:$0x3] =	stream.strided.gather [hbm4b:s0+s8], $0x1000, s9, s8, $0x38;
	[tilespmem:$0x14000] =	vst v63  }
0x4e: {  	_ =	swait.ge [sflag:s15], $0x1000  }
0x4f: {  	[sflag:s15] =	ssyncset.done $0x0  }
0x50: {  	[sflag:s15] =	ssyncadd.s32 $0xFFFFF000  }
0x51: {  	_ =	swait.ge [sflag:s15], $0x1000  }
0x52: {  	[sflag:s15] =	ssyncset.done $0x0  }
0x53: {  	[sflag:s15] =	ssyncadd.s32 $0xFFFFF000  }
0x54: {  	_ =	swait.ge [sflag:s15], $0x1000  }
0x55: {  	[sflag:s15] =	ssyncset.done $0x0  }
0x56: {  	[sflag:s15] =	ssyncadd.s32 $0xFFFFF000  }
0x57: {  	_ =	swait.ge [sflag:s15], $0x1000  }
0x58: {  	[sflag:s15] =	ssyncset.done $0x0  }
0x59: {  	s24 =	simm.s32 $0x0;
	[sflag:s15] =	ssyncadd.s32 $0xFFFFF000  }
0x5a: {  	s29 =	sand.u32 $0xE00, s24;
	_ =	swait.ge [sflag:s15], $0x1000  }
0x5b: {  	s4 =	sor.u32 s29, s24;
	[sflag:s15] =	ssyncset.done $0x0  }
0x5c: {  	s5 =	sand.u32 $0x180, s24;
	s4 =	sor.u32 $0x70, s4;
	[sflag:s15] =	ssyncadd.s32 $0xFFFFF000  }
0x5d: {  	s5 =	sor.u32 s5, s29;
	v0 =	vld [tilespmem:s4+$0x0]  }
0x5e: {  	v3 =	vld [tilespmem:s5+$0x0]  }
0x5f: {  	v4 =	vld [tilespmem:s5+$0x10]  }
0x60: {  	v5 =	vld [tilespmem:s5+$0x20]  }
0x61: {  	v6 =	vld [tilespmem:s5+$0x30]  }
0x62: {  	v2 =	vld [tilespmem:s5+$0x40]  }
0x63: {  	v1 =	vld [tilespmem:s5+$0x50]  }
0x64: {  	[tilespmem:s4+$0x1000] =	vst.add.f32.msk $0xffff, v0  }
0x65: {  	s0 =	sor.u32 $0x1000, s5;
	v0 =	vld [tilespmem:s5+$0x60]  }
0x66: {  	s30 =	sor.u32 $0x1010, s5;
	[tilespmem:s0+$0x0] =	vst.add.f32.msk $0xffff, v3  }
0x67: {  	s13 =	sor.u32 $0x1020, s5;
	[tilespmem:s30+$0x0] =	vst.add.f32.msk $0xffff, v4  }
0x68: {  	s31 =	sor.u32 $0x1030, s5;
	s10 =	sor.u32 $0x1040, s5;
	s26 =	sor.u32 $0x1050, s5;
	[tilespmem:s13+$0x0] =	vst.add.f32.msk $0xffff, v5  }
0x69: {  	s0 =	simm.s32 $0x0;
	s5 =	sor.u32 $0x1060, s5;
	[tilespmem:s31+$0x0] =	vst.add.f32.msk $0xffff, v6;
	s4 =	simm.s32 $0x200  }
.LBB2_3:
0x6a: {  	s13 =	sand.u32 $0xE00, s4;
	s0 =	sadd.s32 $0x8, s0;
	[tilespmem:s10+$0x0] =	vst.add.f32.msk $0xffff, v2;
	s24 =	sadd.s32 $0x10, s24  }
0x6b: {  	s10 =	sand.u32 $0x180, s24;
	s23 =	sor.u32 s13, s24;
	p1 =	slt.u32 s0, $0xF8;
	[tilespmem:s26+$0x0] =	vst.add.f32.msk $0xffff, v1  }
0x6c: {  	s13 =	sor.u32 s10, s13;
	s23 =	sor.u32 $0x70, s23;
	[tilespmem:s5+$0x0] =	vst.add.f32.msk $0xffff, v0  }
0x6d: {  	s29 =	sor.u32 $0x1000, s13;
	s30 =	sor.u32 $0x1010, s13;
	s31 =	sor.u32 $0x1020, s13;
	v0 =	vld [tilespmem:s23+$0x0]  }
0x6e: {  	s14 =	sor.u32 $0x1030, s13;
	s10 =	sor.u32 $0x1040, s13;
	s26 =	sor.u32 $0x1050, s13;
	v3 =	vld [tilespmem:s13+$0x0]  }
0x6f: {  	s5 =	sor.u32 $0x1060, s13;
	v4 =	vld [tilespmem:s13+$0x10]  }
0x70: {  	v5 =	vld [tilespmem:s13+$0x20]  }
0x71: {  	v6 =	vld [tilespmem:s13+$0x30]  }
0x72: {  	[tilespmem:s23+$0x1000] =	vst.add.f32.msk $0xffff, v0  }
0x73: {  	v2 =	vld [tilespmem:s13+$0x40]  }
0x74: {  	v1 =	vld [tilespmem:s13+$0x50]  }
.Ltmp0:
0x75: {  	v0 =	vld [tilespmem:s13+$0x60];
	(pc) =	sbr.rel @p1 .LBB2_3-.Ltmp0, $4  }
0x76: {  	[tilespmem:s29+$0x0] =	vst.add.f32.msk $0xffff, v3  }
0x77: {  	[tilespmem:s30+$0x0] =	vst.add.f32.msk $0xffff, v4  }
0x78: {  	[tilespmem:s31+$0x0] =	vst.add.f32.msk $0xffff, v5  }
0x79: {  	s4 =	sadd.s32 $0x200, s4;
	[tilespmem:s14+$0x0] =	vst.add.f32.msk $0xffff, v6  }
0x7a: {  	[tilespmem:s10+$0x0] =	vst.add.f32.msk $0xffff, v2  }
0x7b: {  	s30 =	sshll.u32 s12, $0x4;
	s0 =	rddreg [dreg:$0x4]  }
0x7c: {  	s0 =	sor.u32 s0, s30  }
0x7d: {  	[tilespmem:s26+$0x0] =	vst.add.f32.msk $0xffff, v1;
	s31 =	sshll.u32 s0, $0x7  }
0x7e: {  	s2 =	simm.s32 $0x1000;
	[tilespmem:s5+$0x0] =	vst.add.f32.msk $0xffff, v0;
	s0 =	sadd.s32 s3, s31  }
0x7f: {  	[hbm4b:s0+s8] =	stream.strided.scatter [tilespmem:s2], [sflag:$0x5], $0x1000, s9, s8, $0x38;
	[tilespmem:$0x14000] =	vst v63  }
0x80: {  	s0 =	simm.s32 $0x0  }
0x81: {  	s4 =	sand.u32 $0xE00, s0;
	s24 =	sand.u32 $0x180, s0  }
0x82: {  	s23 =	sor.u32 s4, s0;
	s4 =	sor.u32 s24, s4  }
0x83: {  	v3 =	vld [tilespmem:s4+$0x0]  }
0x84: {  	v4 =	vld [tilespmem:s4+$0x10]  }
0x85: {  	v5 =	vld [tilespmem:s4+$0x20]  }
0x86: {  	s5 =	sor.u32 $0x70, s23;
	v6 =	vld [tilespmem:s4+$0x30]  }
0x87: {  	v0 =	vld [tilespmem:s5+$0x0]  }
0x88: {  	v2 =	vld [tilespmem:s4+$0x40]  }
0x89: {  	v1 =	vld [tilespmem:s4+$0x50];
	s26 =	sor.u32 $0x2000, s4  }
0x8a: {  	s10 =	sor.u32 $0x2010, s4;
	[tilespmem:s26+$0x0] =	vst.add.f32.msk $0xffff, v3  }
0x8b: {  	[tilespmem:s10+$0x0] =	vst.add.f32.msk $0xffff, v4  }
0x8c: {  	[tilespmem:s5+$0x2000] =	vst.add.f32.msk $0xffff, v0  }
0x8d: {  	s29 =	sor.u32 $0x2020, s4;
	v0 =	vld [tilespmem:s4+$0x60]  }
0x8e: {  	s24 =	simm.s32 $0x0;
	s13 =	sor.u32 $0x2030, s4;
	s23 =	sor.u32 $0x2050, s4;
	[tilespmem:s29+$0x0] =	vst.add.f32.msk $0xffff, v5  }
0x8f: {  	s10 =	sor.u32 $0x2040, s4;
	[tilespmem:s13+$0x0] =	vst.add.f32.msk $0xffff, v6;
	s5 =	sor.u32 $0x2060, s4;
	s4 =	simm.s32 $0x200  }
.LBB2_5:
0x90: {  	s13 =	sand.u32 $0xE00, s4;
	s24 =	sadd.s32 $0x8, s24;
	[tilespmem:s10+$0x0] =	vst.add.f32.msk $0xffff, v2;
	s0 =	sadd.s32 $0x10, s0  }
0x91: {  	s10 =	sand.u32 $0x180, s0;
	s14 =	sor.u32 s13, s0;
	p1 =	slt.u32 s24, $0xF8;
	[tilespmem:s23+$0x0] =	vst.add.f32.msk $0xffff, v1  }
0x92: {  	s13 =	sor.u32 s10, s13;
	s14 =	sor.u32 $0x70, s14;
	[tilespmem:s5+$0x0] =	vst.add.f32.msk $0xffff, v0  }
0x93: {  	s26 =	sor.u32 $0x2000, s13;
	s29 =	sor.u32 $0x2010, s13;
	s16 =	sor.u32 $0x2020, s13;
	v0 =	vld [tilespmem:s14+$0x0]  }
0x94: {  	s19 =	sor.u32 $0x2030, s13;
	s10 =	sor.u32 $0x2040, s13;
	s23 =	sor.u32 $0x2050, s13;
	v3 =	vld [tilespmem:s13+$0x0]  }
0x95: {  	s5 =	sor.u32 $0x2060, s13;
	v4 =	vld [tilespmem:s13+$0x10]  }
0x96: {  	v5 =	vld [tilespmem:s13+$0x20]  }
0x97: {  	v6 =	vld [tilespmem:s13+$0x30]  }
0x98: {  	[tilespmem:s14+$0x2000] =	vst.add.f32.msk $0xffff, v0  }
0x99: {  	v2 =	vld [tilespmem:s13+$0x40]  }
0x9a: {  	v1 =	vld [tilespmem:s13+$0x50]  }
.Ltmp1:
0x9b: {  	v0 =	vld [tilespmem:s13+$0x60];
	(pc) =	sbr.rel @p1 .LBB2_5-.Ltmp1, $4  }
0x9c: {  	[tilespmem:s26+$0x0] =	vst.add.f32.msk $0xffff, v3  }
0x9d: {  	[tilespmem:s29+$0x0] =	vst.add.f32.msk $0xffff, v4  }
0x9e: {  	[tilespmem:s16+$0x0] =	vst.add.f32.msk $0xffff, v5  }
0x9f: {  	s4 =	sadd.s32 $0x200, s4;
	[tilespmem:s19+$0x0] =	vst.add.f32.msk $0xffff, v6  }
0xa0: {  	[tilespmem:s10+$0x0] =	vst.add.f32.msk $0xffff, v2  }
0xa1: {  	[tilespmem:s23+$0x0] =	vst.add.f32.msk $0xffff, v1  }
0xa2: {  	[tilespmem:s5+$0x0] =	vst.add.f32.msk $0xffff, v0  }
0xa3: {  	s0 =	rddreg [dreg:$0x18]  }
0xa4: {  	s2 =	simm.s32 $0x2000;
	s0 =	sadd.s32 s31, s0  }
0xa5: {  	[hbm4b:s0+s8] =	stream.strided.scatter [tilespmem:s2], [sflag:$0x5], $0x1000, s9, s8, $0x38;
	[tilespmem:$0x14000] =	vst v63  }
0xa6: {  	s0 =	simm.s32 $0x0  }
0xa7: {  	s4 =	sand.u32 $0xE00, s0;
	s24 =	sand.u32 $0x180, s0  }
0xa8: {  	s23 =	sor.u32 s4, s0;
	s4 =	sor.u32 s24, s4  }
0xa9: {  	v3 =	vld [tilespmem:s4+$0x0]  }
0xaa: {  	v4 =	vld [tilespmem:s4+$0x10]  }
0xab: {  	v5 =	vld [tilespmem:s4+$0x20]  }
0xac: {  	s5 =	sor.u32 $0x70, s23;
	v6 =	vld [tilespmem:s4+$0x30]  }
0xad: {  	v0 =	vld [tilespmem:s5+$0x0]  }
0xae: {  	v2 =	vld [tilespmem:s4+$0x40]  }
0xaf: {  	v1 =	vld [tilespmem:s4+$0x50];
	s26 =	sor.u32 $0x3000, s4  }
0xb0: {  	s10 =	sor.u32 $0x3010, s4;
	[tilespmem:s26+$0x0] =	vst.add.f32.msk $0xffff, v3  }
0xb1: {  	[tilespmem:s10+$0x0] =	vst.add.f32.msk $0xffff, v4  }
0xb2: {  	[tilespmem:s5+$0x3000] =	vst.add.f32.msk $0xffff, v0  }
0xb3: {  	s29 =	sor.u32 $0x3020, s4;
	v0 =	vld [tilespmem:s4+$0x60]  }
0xb4: {  	s24 =	simm.s32 $0x0;
	s13 =	sor.u32 $0x3030, s4;
	s23 =	sor.u32 $0x3050, s4;
	[tilespmem:s29+$0x0] =	vst.add.f32.msk $0xffff, v5  }
0xb5: {  	s10 =	sor.u32 $0x3040, s4;
	[tilespmem:s13+$0x0] =	vst.add.f32.msk $0xffff, v6;
	s5 =	sor.u32 $0x3060, s4;
	s4 =	simm.s32 $0x200  }
.LBB2_7:
0xb6: {  	s13 =	sand.u32 $0xE00, s4;
	s24 =	sadd.s32 $0x8, s24;
	[tilespmem:s10+$0x0] =	vst.add.f32.msk $0xffff, v2;
	s0 =	sadd.s32 $0x10, s0  }
0xb7: {  	s10 =	sand.u32 $0x180, s0;
	s14 =	sor.u32 s13, s0;
	p1 =	slt.u32 s24, $0xF8;
	[tilespmem:s23+$0x0] =	vst.add.f32.msk $0xffff, v1  }
0xb8: {  	s13 =	sor.u32 s10, s13;
	s14 =	sor.u32 $0x70, s14;
	[tilespmem:s5+$0x0] =	vst.add.f32.msk $0xffff, v0  }
0xb9: {  	s16 =	sor.u32 $0x3000, s13;
	s19 =	sor.u32 $0x3010, s13;
	s26 =	sor.u32 $0x3020, s13;
	v0 =	vld [tilespmem:s14+$0x0]  }
0xba: {  	s29 =	sor.u32 $0x3030, s13;
	s10 =	sor.u32 $0x3040, s13;
	s23 =	sor.u32 $0x3050, s13;
	v3 =	vld [tilespmem:s13+$0x0]  }
0xbb: {  	s5 =	sor.u32 $0x3060, s13;
	v4 =	vld [tilespmem:s13+$0x10]  }
0xbc: {  	v5 =	vld [tilespmem:s13+$0x20]  }
0xbd: {  	v6 =	vld [tilespmem:s13+$0x30]  }
0xbe: {  	[tilespmem:s14+$0x3000] =	vst.add.f32.msk $0xffff, v0  }
0xbf: {  	v2 =	vld [tilespmem:s13+$0x40]  }
0xc0: {  	v1 =	vld [tilespmem:s13+$0x50]  }
.Ltmp2:
0xc1: {  	v0 =	vld [tilespmem:s13+$0x60];
	(pc) =	sbr.rel @p1 .LBB2_7-.Ltmp2, $4  }
0xc2: {  	[tilespmem:s16+$0x0] =	vst.add.f32.msk $0xffff, v3  }
0xc3: {  	[tilespmem:s19+$0x0] =	vst.add.f32.msk $0xffff, v4  }
0xc4: {  	[tilespmem:s26+$0x0] =	vst.add.f32.msk $0xffff, v5  }
0xc5: {  	s4 =	sadd.s32 $0x200, s4;
	[tilespmem:s29+$0x0] =	vst.add.f32.msk $0xffff, v6  }
0xc6: {  	[tilespmem:s10+$0x0] =	vst.add.f32.msk $0xffff, v2  }
0xc7: {  	[tilespmem:s23+$0x0] =	vst.add.f32.msk $0xffff, v1  }
0xc8: {  	[tilespmem:s5+$0x0] =	vst.add.f32.msk $0xffff, v0  }
0xc9: {  	s0 =	rddreg [dreg:$0x19]  }
0xca: {  	s2 =	simm.s32 $0x3000;
	s0 =	sadd.s32 s31, s0  }
0xcb: {  	[hbm4b:s0+s8] =	stream.strided.scatter [tilespmem:s2], [sflag:$0x5], $0x1000, s9, s8, $0x38;
	[tilespmem:$0x14000] =	vst v63  }
0xcc: {  	s0 =	simm.s32 $0x0  }
0xcd: {  	s4 =	sand.u32 $0xE00, s0;
	s24 =	sand.u32 $0x180, s0  }
0xce: {  	s23 =	sor.u32 s4, s0;
	s4 =	sor.u32 s24, s4  }
0xcf: {  	v3 =	vld [tilespmem:s4+$0x0]  }
0xd0: {  	v4 =	vld [tilespmem:s4+$0x10]  }
0xd1: {  	v5 =	vld [tilespmem:s4+$0x20]  }
0xd2: {  	s5 =	sor.u32 $0x70, s23;
	v6 =	vld [tilespmem:s4+$0x30]  }
0xd3: {  	v0 =	vld [tilespmem:s5+$0x0]  }
0xd4: {  	v2 =	vld [tilespmem:s4+$0x40]  }
0xd5: {  	v1 =	vld [tilespmem:s4+$0x50];
	s26 =	sor.u32 $0x4000, s4  }
0xd6: {  	s10 =	sor.u32 $0x4010, s4;
	[tilespmem:s26+$0x0] =	vst.add.f32.msk $0xffff, v3  }
0xd7: {  	[tilespmem:s10+$0x0] =	vst.add.f32.msk $0xffff, v4  }
0xd8: {  	[tilespmem:s5+$0x4000] =	vst.add.f32.msk $0xffff, v0  }
0xd9: {  	s29 =	sor.u32 $0x4020, s4;
	v0 =	vld [tilespmem:s4+$0x60]  }
0xda: {  	s24 =	simm.s32 $0x0;
	s13 =	sor.u32 $0x4030, s4;
	s23 =	sor.u32 $0x4050, s4;
	[tilespmem:s29+$0x0] =	vst.add.f32.msk $0xffff, v5  }
0xdb: {  	s10 =	sor.u32 $0x4040, s4;
	[tilespmem:s13+$0x0] =	vst.add.f32.msk $0xffff, v6;
	s5 =	sor.u32 $0x4060, s4;
	s4 =	simm.s32 $0x200  }
.LBB2_9:
0xdc: {  	s13 =	sand.u32 $0xE00, s4;
	s24 =	sadd.s32 $0x8, s24;
	[tilespmem:s10+$0x0] =	vst.add.f32.msk $0xffff, v2;
	s0 =	sadd.s32 $0x10, s0  }
0xdd: {  	s10 =	sand.u32 $0x180, s0;
	s14 =	sor.u32 s13, s0;
	p1 =	slt.u32 s24, $0xF8;
	[tilespmem:s23+$0x0] =	vst.add.f32.msk $0xffff, v1  }
0xde: {  	s13 =	sor.u32 s10, s13;
	s14 =	sor.u32 $0x70, s14;
	[tilespmem:s5+$0x0] =	vst.add.f32.msk $0xffff, v0  }
0xdf: {  	s16 =	sor.u32 $0x4000, s13;
	s19 =	sor.u32 $0x4010, s13;
	s26 =	sor.u32 $0x4020, s13;
	v0 =	vld [tilespmem:s14+$0x0]  }
0xe0: {  	s29 =	sor.u32 $0x4030, s13;
	s10 =	sor.u32 $0x4040, s13;
	s23 =	sor.u32 $0x4050, s13;
	v3 =	vld [tilespmem:s13+$0x0]  }
0xe1: {  	s5 =	sor.u32 $0x4060, s13;
	v4 =	vld [tilespmem:s13+$0x10]  }
0xe2: {  	v5 =	vld [tilespmem:s13+$0x20]  }
0xe3: {  	v6 =	vld [tilespmem:s13+$0x30]  }
0xe4: {  	[tilespmem:s14+$0x4000] =	vst.add.f32.msk $0xffff, v0  }
0xe5: {  	v2 =	vld [tilespmem:s13+$0x40]  }
0xe6: {  	v1 =	vld [tilespmem:s13+$0x50]  }
.Ltmp3:
0xe7: {  	v0 =	vld [tilespmem:s13+$0x60];
	(pc) =	sbr.rel @p1 .LBB2_9-.Ltmp3, $4  }
0xe8: {  	[tilespmem:s16+$0x0] =	vst.add.f32.msk $0xffff, v3  }
0xe9: {  	[tilespmem:s19+$0x0] =	vst.add.f32.msk $0xffff, v4  }
0xea: {  	[tilespmem:s26+$0x0] =	vst.add.f32.msk $0xffff, v5  }
0xeb: {  	s4 =	sadd.s32 $0x200, s4;
	[tilespmem:s29+$0x0] =	vst.add.f32.msk $0xffff, v6  }
0xec: {  	[tilespmem:s10+$0x0] =	vst.add.f32.msk $0xffff, v2  }
0xed: {  	[tilespmem:s23+$0x0] =	vst.add.f32.msk $0xffff, v1  }
0xee: {  	[tilespmem:s5+$0x0] =	vst.add.f32.msk $0xffff, v0  }
0xef: {  	s0 =	rddreg [dreg:$0x1a]  }
0xf0: {  	s2 =	simm.s32 $0x4000;
	s0 =	sadd.s32 s31, s0  }
0xf1: {  	[hbm4b:s0+s8] =	stream.strided.scatter [tilespmem:s2], [sflag:$0x5], $0x1000, s9, s8, $0x38;
	[tilespmem:$0x14000] =	vst v63  }
0xf2: {  	s0 =	simm.s32 @!p0 $0x8  }
0xf3: {  	_ =	swait.ge @!p0 [sflag:s0], $0x1000  }
0xf4: {  	[sflag:s0] =	ssyncset.done @!p0 $0x0  }
0xf5: {  	[sflag:s0] =	ssyncadd.s32 @!p0 $0xFFFFF000  }
0xf6: {  	_ =	swait.ge @!p0 [sflag:s0], $0x1000  }
0xf7: {  	[sflag:s0] =	ssyncset.done @!p0 $0x0  }
0xf8: {  	[sflag:s0] =	ssyncadd.s32 @!p0 $0xFFFFF000  }
0xf9: {  	_ =	swait.ge @!p0 [sflag:s0], $0x1000  }
0xfa: {  	[sflag:s0] =	ssyncset.done @!p0 $0x0;
	s14 =	rddreg [dreg:$0x17]  }
0xfb: {  	[sflag:s0] =	ssyncadd.s32 @!p0 $0xFFFFF000;
	s4 =	sadd.s32 s14, s18  }
0xfc: {  	_ =	swait.ge @!p0 [sflag:s0], $0x1000;
	s4 =	sand.u32 $0xFFC00, s4  }
0xfd: {  	s17 =	smov.u32 s22;
	[sflag:s0] =	ssyncset.done @!p0 $0x0;
	s29 =	sor.u32 $0x40, s4  }
0xfe: {  	s18 =	simm.s32 $0xF000;
	[sflag:s0] =	ssyncadd.s32 @!p0 $0xFFFFF000;
	s16 =	sadd.s32 s22, s29  }
0xff: {  	[tilespmem:s18], [sflag:$0x4] =	stream.strided.gather [hbm4b:s16+s8], $0x1000, s9, s8, $0x38;
	[tilespmem:$0x14000] =	vst v63  }
0x100: {  	s26 =	sor.u32 $0x100040, s4;
	s19 =	sadd.s32 s1, s29;
	s22 =	simm.s32 $0x10000  }
0x101: {  	[tilespmem:s22], [sflag:$0x4] =	stream.strided.gather [hbm4b:s19+s8], $0x1000, s9, s8, $0x38;
	[tilespmem:$0x14000] =	vst v63  }
0x102: {  	s24 =	simm.s32 $0x11000;
	s23 =	sadd.s32 s1, s26  }
0x103: {  	[tilespmem:s24], [sflag:$0x4] =	stream.strided.gather [hbm4b:s23+s8], $0x1000, s9, s8, $0x38;
	[tilespmem:$0x14000] =	vst v63  }
0x104: {  	s24 =	sor.u32 $0x200040, s4  }
0x105: {  	s10 =	simm.s32 $0x12000;
	s18 =	sor.u32 $0x300040, s4;
	s5 =	sadd.s32 s1, s24  }
0x106: {  	[tilespmem:s10], [sflag:$0x4] =	stream.strided.gather [hbm4b:s5+s8], $0x1000, s9, s8, $0x38;
	[tilespmem:$0x14000] =	vst v63  }
0x107: {  	s13 =	sadd.s32 s1, s18  }
0x108: {  	[tilespmem:s20], [sflag:$0x4] =	stream.strided.gather [hbm4b:s13+s8], $0x1000, s9, s8, $0x38;
	[tilespmem:$0x14000] =	vst v63  }
0x109: {  	_ =	swait.ge [sflag:s6], $0x1000  }
0x10a: {  	[sflag:s6] =	ssyncset.done $0x0  }
0x10b: {  	[sflag:s6] =	ssyncadd.s32 $0xFFFFF000  }
0x10c: {  	_ =	swait.ge [sflag:s6], $0x1000  }
0x10d: {  	[sflag:s6] =	ssyncset.done $0x0  }
0x10e: {  	[sflag:s6] =	ssyncadd.s32 $0xFFFFF000  }
0x10f: {  	_ =	swait.ge [sflag:s6], $0x1000  }
0x110: {  	[sflag:s6] =	ssyncset.done $0x0  }
0x111: {  	[sflag:s6] =	ssyncadd.s32 $0xFFFFF000  }
0x112: {  	_ =	swait.ge [sflag:s6], $0x1000  }
0x113: {  	[sflag:s6] =	ssyncset.done $0x0  }
0x114: {  	s0 =	simm.s32 $0x0;
	[sflag:s6] =	ssyncadd.s32 $0xFFFFF000  }
0x115: {  	s14 =	sand.u32 $0xE00, s0;
	_ =	swait.ge [sflag:s6], $0x1000  }
0x116: {  	s16 =	sor.u32 s14, s0;
	[sflag:s6] =	ssyncset.done $0x0  }
0x117: {  	s19 =	sand.u32 $0x180, s0;
	s5 =	sor.u32 $0x70, s16;
	[sflag:s6] =	ssyncadd.s32 $0xFFFFF000  }
0x118: {  	s14 =	sor.u32 s19, s14;
	v0 =	vld [tilespmem:s5+$0x5000]  }
0x119: {  	v3 =	vld [tilespmem:s14+$0x5000]  }
0x11a: {  	v4 =	vld [tilespmem:s14+$0x5010]  }
0x11b: {  	v5 =	vld [tilespmem:s14+$0x5020]  }
0x11c: {  	v6 =	vld [tilespmem:s14+$0x5030]  }
0x11d: {  	v2 =	vld [tilespmem:s14+$0x5040]  }
0x11e: {  	v1 =	vld [tilespmem:s14+$0x5050]  }
0x11f: {  	[tilespmem:s5+$0x6000] =	vst.add.f32.msk $0xffff, v0  }
0x120: {  	s4 =	sor.u32 $0x6000, s14;
	v0 =	vld [tilespmem:s14+$0x5060]  }
0x121: {  	s20 =	sor.u32 $0x6010, s14;
	[tilespmem:s4+$0x0] =	vst.add.f32.msk $0xffff, v3  }
0x122: {  	s10 =	sor.u32 $0x6020, s14;
	[tilespmem:s20+$0x0] =	vst.add.f32.msk $0xffff, v4  }
0x123: {  	s22 =	sor.u32 $0x6030, s14;
	s23 =	sor.u32 $0x6060, s14;
	s13 =	sor.u32 $0x6040, s14;
	[tilespmem:s10+$0x0] =	vst.add.f32.msk $0xffff, v5  }
0x124: {  	s4 =	simm.s32 $0x0;
	s10 =	sor.u32 $0x6050, s14;
	[tilespmem:s22+$0x0] =	vst.add.f32.msk $0xffff, v6;
	s5 =	simm.s32 $0x200  }
.LBB2_11:
0x125: {  	s14 =	sand.u32 $0xE00, s5;
	s4 =	sadd.s32 $0x8, s4;
	[tilespmem:s13+$0x0] =	vst.add.f32.msk $0xffff, v2;
	s0 =	sadd.s32 $0x10, s0  }
0x126: {  	s13 =	sand.u32 $0x180, s0;
	s16 =	sor.u32 s14, s0;
	p0 =	slt.u32 s4, $0xF8;
	[tilespmem:s10+$0x0] =	vst.add.f32.msk $0xffff, v1  }
0x127: {  	s14 =	sor.u32 s13, s14;
	s16 =	sor.u32 $0x70, s16;
	[tilespmem:s23+$0x0] =	vst.add.f32.msk $0xffff, v0  }
0x128: {  	s19 =	sor.u32 $0x6000, s14;
	s20 =	sor.u32 $0x6010, s14;
	s22 =	sor.u32 $0x6020, s14;
	v0 =	vld [tilespmem:s16+$0x5000]  }
0x129: {  	s2 =	sor.u32 $0x6030, s14;
	s13 =	sor.u32 $0x6040, s14;
	s10 =	sor.u32 $0x6050, s14;
	v3 =	vld [tilespmem:s14+$0x5000]  }
0x12a: {  	s23 =	sor.u32 $0x6060, s14;
	v4 =	vld [tilespmem:s14+$0x5010]  }
0x12b: {  	v5 =	vld [tilespmem:s14+$0x5020]  }
0x12c: {  	v6 =	vld [tilespmem:s14+$0x5030]  }
0x12d: {  	[tilespmem:s16+$0x6000] =	vst.add.f32.msk $0xffff, v0  }
0x12e: {  	v2 =	vld [tilespmem:s14+$0x5040]  }
0x12f: {  	v1 =	vld [tilespmem:s14+$0x5050]  }
.Ltmp4:
0x130: {  	v0 =	vld [tilespmem:s14+$0x5060];
	(pc) =	sbr.rel @p0 .LBB2_11-.Ltmp4, $4  }
0x131: {  	[tilespmem:s19+$0x0] =	vst.add.f32.msk $0xffff, v3  }
0x132: {  	[tilespmem:s20+$0x0] =	vst.add.f32.msk $0xffff, v4  }
0x133: {  	[tilespmem:s22+$0x0] =	vst.add.f32.msk $0xffff, v5  }
0x134: {  	s5 =	sadd.s32 $0x200, s5;
	[tilespmem:s2+$0x0] =	vst.add.f32.msk $0xffff, v6  }
0x135: {  	[tilespmem:s13+$0x0] =	vst.add.f32.msk $0xffff, v2  }
0x136: {  	[tilespmem:s10+$0x0] =	vst.add.f32.msk $0xffff, v1  }
0x137: {  	[tilespmem:s23+$0x0] =	vst.add.f32.msk $0xffff, v0  }
0x138: {  	s0 =	rddreg [dreg:$0x1b]  }
0x139: {  	s2 =	simm.s32 $0x6000;
	s0 =	sadd.s32 s31, s0  }
0x13a: {  	[hbm4b:s0+s8] =	stream.strided.scatter [tilespmem:s2], [sflag:$0x6], $0x1000, s9, s8, $0x38;
	[tilespmem:$0x14000] =	vst v63  }
0x13b: {  	s0 =	simm.s32 $0x0  }
0x13c: {  	s16 =	sand.u32 $0xE00, s0;
	s5 =	sand.u32 $0x180, s0  }
0x13d: {  	s2 =	sor.u32 s5, s16  }
0x13e: {  	v3 =	vld [tilespmem:s2+$0x5000]  }
0x13f: {  	v4 =	vld [tilespmem:s2+$0x5010]  }
0x140: {  	s4 =	sor.u32 s16, s0;
	v5 =	vld [tilespmem:s2+$0x5020]  }
0x141: {  	s4 =	sor.u32 $0x70, s4;
	v6 =	vld [tilespmem:s2+$0x5030]  }
0x142: {  	v0 =	vld [tilespmem:s4+$0x5000]  }
0x143: {  	v2 =	vld [tilespmem:s2+$0x5040]  }
0x144: {  	v1 =	vld [tilespmem:s2+$0x5050];
	s19 =	sor.u32 $0x7000, s2  }
0x145: {  	s5 =	sor.u32 $0x7010, s2;
	[tilespmem:s19+$0x0] =	vst.add.f32.msk $0xffff, v3  }
0x146: {  	[tilespmem:s5+$0x0] =	vst.add.f32.msk $0xffff, v4  }
0x147: {  	[tilespmem:s4+$0x7000] =	vst.add.f32.msk $0xffff, v0  }
0x148: {  	s20 =	sor.u32 $0x7020, s2;
	v0 =	vld [tilespmem:s2+$0x5060]  }
0x149: {  	s22 =	sor.u32 $0x7030, s2;
	s13 =	sor.u32 $0x7040, s2;
	s10 =	sor.u32 $0x7050, s2;
	[tilespmem:s20+$0x0] =	vst.add.f32.msk $0xffff, v5  }
0x14a: {  	s23 =	sor.u32 $0x7060, s2;
	[tilespmem:s22+$0x0] =	vst.add.f32.msk $0xffff, v6;
	s5 =	simm.s32 $0x200;
	s4 =	simm.s32 $0x0  }
.LBB2_13:
0x14b: {  	s2 =	sand.u32 $0xE00, s5;
	s4 =	sadd.s32 $0x8, s4;
	[tilespmem:s13+$0x0] =	vst.add.f32.msk $0xffff, v2;
	s0 =	sadd.s32 $0x10, s0  }
0x14c: {  	s13 =	sand.u32 $0x180, s0;
	s14 =	sor.u32 s2, s0;
	p0 =	slt.u32 s4, $0xF8;
	[tilespmem:s10+$0x0] =	vst.add.f32.msk $0xffff, v1  }
0x14d: {  	s2 =	sor.u32 s13, s2;
	s14 =	sor.u32 $0x70, s14;
	[tilespmem:s23+$0x0] =	vst.add.f32.msk $0xffff, v0  }
0x14e: {  	s16 =	sor.u32 $0x7000, s2;
	s19 =	sor.u32 $0x7010, s2;
	s20 =	sor.u32 $0x7020, s2;
	v0 =	vld [tilespmem:s14+$0x5000]  }
0x14f: {  	s22 =	sor.u32 $0x7030, s2;
	s13 =	sor.u32 $0x7040, s2;
	s10 =	sor.u32 $0x7050, s2;
	v3 =	vld [tilespmem:s2+$0x5000]  }
0x150: {  	s23 =	sor.u32 $0x7060, s2;
	v4 =	vld [tilespmem:s2+$0x5010]  }
0x151: {  	v5 =	vld [tilespmem:s2+$0x5020]  }
0x152: {  	v6 =	vld [tilespmem:s2+$0x5030]  }
0x153: {  	[tilespmem:s14+$0x7000] =	vst.add.f32.msk $0xffff, v0  }
0x154: {  	v2 =	vld [tilespmem:s2+$0x5040]  }
0x155: {  	v1 =	vld [tilespmem:s2+$0x5050]  }
.Ltmp5:
0x156: {  	v0 =	vld [tilespmem:s2+$0x5060];
	(pc) =	sbr.rel @p0 .LBB2_13-.Ltmp5, $4  }
0x157: {  	[tilespmem:s16+$0x0] =	vst.add.f32.msk $0xffff, v3  }
0x158: {  	[tilespmem:s19+$0x0] =	vst.add.f32.msk $0xffff, v4  }
0x159: {  	[tilespmem:s20+$0x0] =	vst.add.f32.msk $0xffff, v5  }
0x15a: {  	s5 =	sadd.s32 $0x200, s5;
	[tilespmem:s22+$0x0] =	vst.add.f32.msk $0xffff, v6  }
0x15b: {  	[tilespmem:s13+$0x0] =	vst.add.f32.msk $0xffff, v2  }
0x15c: {  	[tilespmem:s10+$0x0] =	vst.add.f32.msk $0xffff, v1  }
0x15d: {  	[tilespmem:s23+$0x0] =	vst.add.f32.msk $0xffff, v0  }
0x15e: {  	s0 =	rddreg [dreg:$0x1c]  }
0x15f: {  	s2 =	simm.s32 $0x7000;
	s0 =	sadd.s32 s31, s0  }
0x160: {  	[hbm4b:s0+s8] =	stream.strided.scatter [tilespmem:s2], [sflag:$0x6], $0x1000, s9, s8, $0x38;
	[tilespmem:$0x14000] =	vst v63  }
0x161: {  	s0 =	simm.s32 $0x0  }
0x162: {  	s16 =	sand.u32 $0xE00, s0;
	s5 =	sand.u32 $0x180, s0  }
0x163: {  	s2 =	sor.u32 s5, s16  }
0x164: {  	v3 =	vld [tilespmem:s2+$0x5000]  }
0x165: {  	v4 =	vld [tilespmem:s2+$0x5010]  }
0x166: {  	s4 =	sor.u32 s16, s0;
	v5 =	vld [tilespmem:s2+$0x5020]  }
0x167: {  	s4 =	sor.u32 $0x70, s4;
	v6 =	vld [tilespmem:s2+$0x5030]  }
0x168: {  	v0 =	vld [tilespmem:s4+$0x5000]  }
0x169: {  	v2 =	vld [tilespmem:s2+$0x5040]  }
0x16a: {  	v1 =	vld [tilespmem:s2+$0x5050];
	s19 =	sor.u32 $0x8000, s2  }
0x16b: {  	s5 =	sor.u32 $0x8010, s2;
	[tilespmem:s19+$0x0] =	vst.add.f32.msk $0xffff, v3  }
0x16c: {  	[tilespmem:s5+$0x0] =	vst.add.f32.msk $0xffff, v4  }
0x16d: {  	[tilespmem:s4+$0x8000] =	vst.add.f32.msk $0xffff, v0  }
0x16e: {  	s20 =	sor.u32 $0x8020, s2;
	v0 =	vld [tilespmem:s2+$0x5060]  }
0x16f: {  	s22 =	sor.u32 $0x8030, s2;
	s13 =	sor.u32 $0x8040, s2;
	s10 =	sor.u32 $0x8050, s2;
	[tilespmem:s20+$0x0] =	vst.add.f32.msk $0xffff, v5  }
0x170: {  	s23 =	sor.u32 $0x8060, s2;
	[tilespmem:s22+$0x0] =	vst.add.f32.msk $0xffff, v6;
	s5 =	simm.s32 $0x200;
	s4 =	simm.s32 $0x0  }
.LBB2_15:
0x171: {  	s2 =	sand.u32 $0xE00, s5;
	s4 =	sadd.s32 $0x8, s4;
	[tilespmem:s13+$0x0] =	vst.add.f32.msk $0xffff, v2;
	s0 =	sadd.s32 $0x10, s0  }
0x172: {  	s13 =	sand.u32 $0x180, s0;
	s14 =	sor.u32 s2, s0;
	p0 =	slt.u32 s4, $0xF8;
	[tilespmem:s10+$0x0] =	vst.add.f32.msk $0xffff, v1  }
0x173: {  	s2 =	sor.u32 s13, s2;
	s14 =	sor.u32 $0x70, s14;
	[tilespmem:s23+$0x0] =	vst.add.f32.msk $0xffff, v0  }
0x174: {  	s16 =	sor.u32 $0x8000, s2;
	s19 =	sor.u32 $0x8010, s2;
	s20 =	sor.u32 $0x8020, s2;
	v0 =	vld [tilespmem:s14+$0x5000]  }
0x175: {  	s22 =	sor.u32 $0x8030, s2;
	s13 =	sor.u32 $0x8040, s2;
	s10 =	sor.u32 $0x8050, s2;
	v3 =	vld [tilespmem:s2+$0x5000]  }
0x176: {  	s23 =	sor.u32 $0x8060, s2;
	v4 =	vld [tilespmem:s2+$0x5010]  }
0x177: {  	v5 =	vld [tilespmem:s2+$0x5020]  }
0x178: {  	v6 =	vld [tilespmem:s2+$0x5030]  }
0x179: {  	[tilespmem:s14+$0x8000] =	vst.add.f32.msk $0xffff, v0  }
0x17a: {  	v2 =	vld [tilespmem:s2+$0x5040]  }
0x17b: {  	v1 =	vld [tilespmem:s2+$0x5050]  }
.Ltmp6:
0x17c: {  	v0 =	vld [tilespmem:s2+$0x5060];
	(pc) =	sbr.rel @p0 .LBB2_15-.Ltmp6, $4  }
0x17d: {  	[tilespmem:s16+$0x0] =	vst.add.f32.msk $0xffff, v3  }
0x17e: {  	[tilespmem:s19+$0x0] =	vst.add.f32.msk $0xffff, v4  }
0x17f: {  	[tilespmem:s20+$0x0] =	vst.add.f32.msk $0xffff, v5  }
0x180: {  	s5 =	sadd.s32 $0x200, s5;
	[tilespmem:s22+$0x0] =	vst.add.f32.msk $0xffff, v6  }
0x181: {  	[tilespmem:s13+$0x0] =	vst.add.f32.msk $0xffff, v2  }
0x182: {  	[tilespmem:s10+$0x0] =	vst.add.f32.msk $0xffff, v1  }
0x183: {  	[tilespmem:s23+$0x0] =	vst.add.f32.msk $0xffff, v0  }
0x184: {  	s0 =	rddreg [dreg:$0x1d]  }
0x185: {  	s2 =	simm.s32 $0x8000;
	s0 =	sadd.s32 s31, s0  }
0x186: {  	[hbm4b:s0+s8] =	stream.strided.scatter [tilespmem:s2], [sflag:$0x6], $0x1000, s9, s8, $0x38;
	[tilespmem:$0x14000] =	vst v63  }
0x187: {  	s0 =	simm.s32 $0x0  }
0x188: {  	s16 =	sand.u32 $0xE00, s0;
	s5 =	sand.u32 $0x180, s0  }
0x189: {  	s2 =	sor.u32 s5, s16  }
0x18a: {  	v3 =	vld [tilespmem:s2+$0x5000]  }
0x18b: {  	v4 =	vld [tilespmem:s2+$0x5010]  }
0x18c: {  	s4 =	sor.u32 s16, s0;
	v5 =	vld [tilespmem:s2+$0x5020]  }
0x18d: {  	s4 =	sor.u32 $0x70, s4;
	v6 =	vld [tilespmem:s2+$0x5030]  }
0x18e: {  	v0 =	vld [tilespmem:s4+$0x5000]  }
0x18f: {  	v2 =	vld [tilespmem:s2+$0x5040]  }
0x190: {  	v1 =	vld [tilespmem:s2+$0x5050];
	s19 =	sor.u32 $0x9000, s2  }
0x191: {  	s5 =	sor.u32 $0x9010, s2;
	[tilespmem:s19+$0x0] =	vst.add.f32.msk $0xffff, v3  }
0x192: {  	[tilespmem:s5+$0x0] =	vst.add.f32.msk $0xffff, v4  }
0x193: {  	[tilespmem:s4+$0x9000] =	vst.add.f32.msk $0xffff, v0  }
0x194: {  	s20 =	sor.u32 $0x9020, s2;
	v0 =	vld [tilespmem:s2+$0x5060]  }
0x195: {  	s22 =	sor.u32 $0x9030, s2;
	s13 =	sor.u32 $0x9040, s2;
	s10 =	sor.u32 $0x9050, s2;
	[tilespmem:s20+$0x0] =	vst.add.f32.msk $0xffff, v5  }
0x196: {  	s23 =	sor.u32 $0x9060, s2;
	[tilespmem:s22+$0x0] =	vst.add.f32.msk $0xffff, v6;
	s5 =	simm.s32 $0x200;
	s4 =	simm.s32 $0x0  }
.LBB2_17:
0x197: {  	s2 =	sand.u32 $0xE00, s5;
	s4 =	sadd.s32 $0x8, s4;
	[tilespmem:s13+$0x0] =	vst.add.f32.msk $0xffff, v2;
	s0 =	sadd.s32 $0x10, s0  }
0x198: {  	s13 =	sand.u32 $0x180, s0;
	s14 =	sor.u32 s2, s0;
	p0 =	slt.u32 s4, $0xF8;
	[tilespmem:s10+$0x0] =	vst.add.f32.msk $0xffff, v1  }
0x199: {  	s2 =	sor.u32 s13, s2;
	s14 =	sor.u32 $0x70, s14;
	[tilespmem:s23+$0x0] =	vst.add.f32.msk $0xffff, v0  }
0x19a: {  	s16 =	sor.u32 $0x9000, s2;
	s19 =	sor.u32 $0x9010, s2;
	s20 =	sor.u32 $0x9020, s2;
	v0 =	vld [tilespmem:s14+$0x5000]  }
0x19b: {  	s22 =	sor.u32 $0x9030, s2;
	s13 =	sor.u32 $0x9040, s2;
	s10 =	sor.u32 $0x9050, s2;
	v3 =	vld [tilespmem:s2+$0x5000]  }
0x19c: {  	s23 =	sor.u32 $0x9060, s2;
	v4 =	vld [tilespmem:s2+$0x5010]  }
0x19d: {  	v5 =	vld [tilespmem:s2+$0x5020]  }
0x19e: {  	v6 =	vld [tilespmem:s2+$0x5030]  }
0x19f: {  	[tilespmem:s14+$0x9000] =	vst.add.f32.msk $0xffff, v0  }
0x1a0: {  	v2 =	vld [tilespmem:s2+$0x5040]  }
0x1a1: {  	v1 =	vld [tilespmem:s2+$0x5050]  }
.Ltmp7:
0x1a2: {  	v0 =	vld [tilespmem:s2+$0x5060];
	(pc) =	sbr.rel @p0 .LBB2_17-.Ltmp7, $4  }
0x1a3: {  	[tilespmem:s16+$0x0] =	vst.add.f32.msk $0xffff, v3  }
0x1a4: {  	[tilespmem:s19+$0x0] =	vst.add.f32.msk $0xffff, v4  }
0x1a5: {  	[tilespmem:s20+$0x0] =	vst.add.f32.msk $0xffff, v5  }
0x1a6: {  	s5 =	sadd.s32 $0x200, s5;
	[tilespmem:s22+$0x0] =	vst.add.f32.msk $0xffff, v6  }
0x1a7: {  	[tilespmem:s13+$0x0] =	vst.add.f32.msk $0xffff, v2  }
0x1a8: {  	[tilespmem:s10+$0x0] =	vst.add.f32.msk $0xffff, v1  }
0x1a9: {  	[tilespmem:s23+$0x0] =	vst.add.f32.msk $0xffff, v0  }
0x1aa: {  	s0 =	rddreg [dreg:$0x1e]  }
0x1ab: {  	s2 =	simm.s32 $0x9000;
	p0 =	seq.s32 s12, $0xF;
	s0 =	sadd.s32 s31, s0  }
0x1ac: {  	[hbm4b:s0+s8] =	stream.strided.scatter [tilespmem:s2], [sflag:$0x6], $0x1000, s9, s8, $0x38;
	[tilespmem:$0x14000] =	vst v63  }
0x1ad: {  	s0 =	simm.s32 @!p0 $0x5  }
0x1ae: {  	_ =	swait.ge @!p0 [sflag:s0], $0x1000  }
0x1af: {  	[sflag:s0] =	ssyncset.done @!p0 $0x0  }
0x1b0: {  	[sflag:s0] =	ssyncadd.s32 @!p0 $0xFFFFF000  }
0x1b1: {  	_ =	swait.ge @!p0 [sflag:s0], $0x1000  }
0x1b2: {  	[sflag:s0] =	ssyncset.done @!p0 $0x0  }
0x1b3: {  	[sflag:s0] =	ssyncadd.s32 @!p0 $0xFFFFF000  }
0x1b4: {  	_ =	swait.ge @!p0 [sflag:s0], $0x1000  }
0x1b5: {  	[sflag:s0] =	ssyncset.done @!p0 $0x0  }
0x1b6: {  	[sflag:s0] =	ssyncadd.s32 @!p0 $0xFFFFF000  }
0x1b7: {  	_ =	swait.ge @!p0 [sflag:s0], $0x1000  }
0x1b8: {  	s2 =	rddreg [dreg:$0x1f]  }
0x1b9: {  	s4 =	simm.s32 @!p0 $0x400;
	s2 =	sadd.s32 @!p0 s30, s2  }
0x1ba: {  	s5 =	simm.s32 @!p0 $0x0;
	[sflag:s0] =	ssyncset.done @!p0 $0x0;
	s30 =	sshll.u32 @!p0 s2, $0x7  }
0x1bb: {  	[sflag:s0] =	ssyncadd.s32 @!p0 $0xFFFFF000;
	s2 =	simm.s32 @!p0 $0x200;
	s0 =	sadd.s32 @!p0 s17, s30  }
0x1bc: {  	[tilespmem:s5], [sflag:$0x1] =	stream.strided.gather @!p0 [hbm4b:s0+s2], $0x1000, s4, s2, $0x38;
	[tilespmem:$0x14000] =	vst v63  }
0x1bd: {  	s0 =	sadd.s32 @!p0 s1, s30;
	s5 =	simm.s32 @!p0 $0x1000  }
0x1be: {  	[tilespmem:s5], [sflag:$0x1] =	stream.strided.gather @!p0 [hbm4b:s0+s2], $0x1000, s4, s2, $0x38;
	[tilespmem:$0x14000] =	vst v63  }
0x1bf: {  	s0 =	rddreg [dreg:$0x5]  }
0x1c0: {  	s5 =	simm.s32 @!p0 $0x2000;
	s0 =	sadd.s32 @!p0 s30, s0  }
0x1c1: {  	[tilespmem:s5], [sflag:$0x1] =	stream.strided.gather @!p0 [hbm4b:s0+s2], $0x1000, s4, s2, $0x38;
	[tilespmem:$0x14000] =	vst v63  }
0x1c2: {  	s0 =	rddreg [dreg:$0x9]  }
0x1c3: {  	s5 =	simm.s32 @!p0 $0x3000;
	s0 =	sadd.s32 @!p0 s30, s0  }
0x1c4: {  	[tilespmem:s5], [sflag:$0x1] =	stream.strided.gather @!p0 [hbm4b:s0+s2], $0x1000, s4, s2, $0x38;
	[tilespmem:$0x14000] =	vst v63  }
0x1c5: {  	s0 =	rddreg [dreg:$0xa]  }
0x1c6: {  	s5 =	simm.s32 @!p0 $0x4000;
	s0 =	sadd.s32 @!p0 s30, s0  }
0x1c7: {  	[tilespmem:s5], [sflag:$0x1] =	stream.strided.gather @!p0 [hbm4b:s0+s2], $0x1000, s4, s2, $0x38;
	[tilespmem:$0x14000] =	vst v63  }
0x1c8: {  	_ =	swait.ge [sflag:s7], $0x1000  }
0x1c9: {  	[sflag:s7] =	ssyncset.done $0x0  }
0x1ca: {  	[sflag:s7] =	ssyncadd.s32 $0xFFFFF000  }
0x1cb: {  	_ =	swait.ge [sflag:s7], $0x1000  }
0x1cc: {  	[sflag:s7] =	ssyncset.done $0x0  }
0x1cd: {  	[sflag:s7] =	ssyncadd.s32 $0xFFFFF000  }
0x1ce: {  	_ =	swait.ge [sflag:s7], $0x1000  }
0x1cf: {  	[sflag:s7] =	ssyncset.done $0x0  }
0x1d0: {  	[sflag:s7] =	ssyncadd.s32 $0xFFFFF000  }
0x1d1: {  	_ =	swait.ge [sflag:s7], $0x1000  }
0x1d2: {  	[sflag:s7] =	ssyncset.done $0x0  }
0x1d3: {  	s0 =	simm.s32 $0x0;
	[sflag:s7] =	ssyncadd.s32 $0xFFFFF000  }
0x1d4: {  	s16 =	sand.u32 $0xE00, s0;
	_ =	swait.ge [sflag:s7], $0x1000  }
0x1d5: {  	s19 =	sor.u32 s16, s0;
	[sflag:s7] =	ssyncset.done $0x0  }
0x1d6: {  	s20 =	sand.u32 $0x180, s0;
	s4 =	sor.u32 $0x70, s19;
	[sflag:s7] =	ssyncadd.s32 $0xFFFFF000  }
0x1d7: {  	s2 =	sor.u32 s20, s16;
	v0 =	vld [tilespmem:s4+$0xA000]  }
0x1d8: {  	v3 =	vld [tilespmem:s2+$0xA000]  }
0x1d9: {  	v4 =	vld [tilespmem:s2+$0xA010]  }
0x1da: {  	v5 =	vld [tilespmem:s2+$0xA020]  }
0x1db: {  	v6 =	vld [tilespmem:s2+$0xA030]  }
0x1dc: {  	v2 =	vld [tilespmem:s2+$0xA040]  }
0x1dd: {  	v1 =	vld [tilespmem:s2+$0xA050]  }
0x1de: {  	[tilespmem:s4+$0xB000] =	vst.add.f32.msk $0xffff, v0  }
0x1df: {  	s22 =	sor.u32 $0xB000, s2;
	v0 =	vld [tilespmem:s2+$0xA060]  }
0x1e0: {  	s5 =	sor.u32 $0xB010, s2;
	[tilespmem:s22+$0x0] =	vst.add.f32.msk $0xffff, v3  }
0x1e1: {  	s23 =	sor.u32 $0xB020, s2;
	[tilespmem:s5+$0x0] =	vst.add.f32.msk $0xffff, v4  }
0x1e2: {  	s31 =	sor.u32 $0xB030, s2;
	s13 =	sor.u32 $0xB040, s2;
	s10 =	sor.u32 $0xB050, s2;
	[tilespmem:s23+$0x0] =	vst.add.f32.msk $0xffff, v5  }
0x1e3: {  	s4 =	simm.s32 $0x0;
	s23 =	sor.u32 $0xB060, s2;
	[tilespmem:s31+$0x0] =	vst.add.f32.msk $0xffff, v6;
	s5 =	simm.s32 $0x200  }
.LBB2_19:
0x1e4: {  	s2 =	sand.u32 $0xE00, s5;
	s4 =	sadd.s32 $0x8, s4;
	[tilespmem:s13+$0x0] =	vst.add.f32.msk $0xffff, v2;
	s0 =	sadd.s32 $0x10, s0  }
0x1e5: {  	s13 =	sand.u32 $0x180, s0;
	s14 =	sor.u32 s2, s0;
	p1 =	slt.u32 s4, $0xF8;
	[tilespmem:s10+$0x0] =	vst.add.f32.msk $0xffff, v1  }
0x1e6: {  	s2 =	sor.u32 s13, s2;
	s14 =	sor.u32 $0x70, s14;
	[tilespmem:s23+$0x0] =	vst.add.f32.msk $0xffff, v0  }
0x1e7: {  	s16 =	sor.u32 $0xB000, s2;
	s19 =	sor.u32 $0xB010, s2;
	s20 =	sor.u32 $0xB020, s2;
	v0 =	vld [tilespmem:s14+$0xA000]  }
0x1e8: {  	s22 =	sor.u32 $0xB030, s2;
	s13 =	sor.u32 $0xB040, s2;
	s10 =	sor.u32 $0xB050, s2;
	v3 =	vld [tilespmem:s2+$0xA000]  }
0x1e9: {  	s23 =	sor.u32 $0xB060, s2;
	v4 =	vld [tilespmem:s2+$0xA010]  }
0x1ea: {  	v5 =	vld [tilespmem:s2+$0xA020]  }
0x1eb: {  	v6 =	vld [tilespmem:s2+$0xA030]  }
0x1ec: {  	[tilespmem:s14+$0xB000] =	vst.add.f32.msk $0xffff, v0  }
0x1ed: {  	v2 =	vld [tilespmem:s2+$0xA040]  }
0x1ee: {  	v1 =	vld [tilespmem:s2+$0xA050]  }
.Ltmp8:
0x1ef: {  	v0 =	vld [tilespmem:s2+$0xA060];
	(pc) =	sbr.rel @p1 .LBB2_19-.Ltmp8, $4  }
0x1f0: {  	[tilespmem:s16+$0x0] =	vst.add.f32.msk $0xffff, v3  }
0x1f1: {  	[tilespmem:s19+$0x0] =	vst.add.f32.msk $0xffff, v4  }
0x1f2: {  	[tilespmem:s20+$0x0] =	vst.add.f32.msk $0xffff, v5  }
0x1f3: {  	s5 =	sadd.s32 $0x200, s5;
	[tilespmem:s22+$0x0] =	vst.add.f32.msk $0xffff, v6  }
0x1f4: {  	[tilespmem:s13+$0x0] =	vst.add.f32.msk $0xffff, v2  }
0x1f5: {  	[tilespmem:s10+$0x0] =	vst.add.f32.msk $0xffff, v1  }
0x1f6: {  	[tilespmem:s23+$0x0] =	vst.add.f32.msk $0xffff, v0;
	s0 =	sadd.s32 s3, s28;
	s31 =	simm.s32 $0xB000  }
0x1f7: {  	[hbm4b:s0+s8] =	stream.strided.scatter [tilespmem:s31], [sflag:$0x7], $0x1000, s9, s8, $0x38;
	[tilespmem:$0x14000] =	vst v63  }
0x1f8: {  	s0 =	simm.s32 $0x0  }
0x1f9: {  	s2 =	sand.u32 $0xE00, s0;
	s5 =	sand.u32 $0x180, s0  }
0x1fa: {  	s4 =	sor.u32 s2, s0;
	s2 =	sor.u32 s5, s2  }
0x1fb: {  	v3 =	vld [tilespmem:s2+$0xA000]  }
0x1fc: {  	v4 =	vld [tilespmem:s2+$0xA010]  }
0x1fd: {  	v5 =	vld [tilespmem:s2+$0xA020]  }
0x1fe: {  	s4 =	sor.u32 $0x70, s4;
	v6 =	vld [tilespmem:s2+$0xA030]  }
0x1ff: {  	v0 =	vld [tilespmem:s4+$0xA000]  }
0x200: {  	v2 =	vld [tilespmem:s2+$0xA040]  }
0x201: {  	v1 =	vld [tilespmem:s2+$0xA050];
	s22 =	sor.u32 $0xC000, s2  }
0x202: {  	s5 =	sor.u32 $0xC010, s2;
	[tilespmem:s22+$0x0] =	vst.add.f32.msk $0xffff, v3  }
0x203: {  	[tilespmem:s5+$0x0] =	vst.add.f32.msk $0xffff, v4  }
0x204: {  	[tilespmem:s4+$0xC000] =	vst.add.f32.msk $0xffff, v0  }
0x205: {  	s23 =	sor.u32 $0xC020, s2;
	v0 =	vld [tilespmem:s2+$0xA060]  }
0x206: {  	s28 =	sor.u32 $0xC030, s2;
	s13 =	sor.u32 $0xC040, s2;
	s10 =	sor.u32 $0xC050, s2;
	[tilespmem:s23+$0x0] =	vst.add.f32.msk $0xffff, v5  }
0x207: {  	s23 =	sor.u32 $0xC060, s2;
	[tilespmem:s28+$0x0] =	vst.add.f32.msk $0xffff, v6;
	s5 =	simm.s32 $0x200;
	s4 =	simm.s32 $0x0  }
.LBB2_21:
0x208: {  	s2 =	sand.u32 $0xE00, s5;
	s4 =	sadd.s32 $0x8, s4;
	[tilespmem:s13+$0x0] =	vst.add.f32.msk $0xffff, v2;
	s0 =	sadd.s32 $0x10, s0  }
0x209: {  	s13 =	sand.u32 $0x180, s0;
	s14 =	sor.u32 s2, s0;
	p1 =	slt.u32 s4, $0xF8;
	[tilespmem:s10+$0x0] =	vst.add.f32.msk $0xffff, v1  }
0x20a: {  	s2 =	sor.u32 s13, s2;
	s14 =	sor.u32 $0x70, s14;
	[tilespmem:s23+$0x0] =	vst.add.f32.msk $0xffff, v0  }
0x20b: {  	s16 =	sor.u32 $0xC000, s2;
	s19 =	sor.u32 $0xC010, s2;
	s20 =	sor.u32 $0xC020, s2;
	v0 =	vld [tilespmem:s14+$0xA000]  }
0x20c: {  	s22 =	sor.u32 $0xC030, s2;
	s13 =	sor.u32 $0xC040, s2;
	s10 =	sor.u32 $0xC050, s2;
	v3 =	vld [tilespmem:s2+$0xA000]  }
0x20d: {  	s23 =	sor.u32 $0xC060, s2;
	v4 =	vld [tilespmem:s2+$0xA010]  }
0x20e: {  	v5 =	vld [tilespmem:s2+$0xA020]  }
0x20f: {  	v6 =	vld [tilespmem:s2+$0xA030]  }
0x210: {  	[tilespmem:s14+$0xC000] =	vst.add.f32.msk $0xffff, v0  }
0x211: {  	v2 =	vld [tilespmem:s2+$0xA040]  }
0x212: {  	v1 =	vld [tilespmem:s2+$0xA050]  }
.Ltmp9:
0x213: {  	v0 =	vld [tilespmem:s2+$0xA060];
	(pc) =	sbr.rel @p1 .LBB2_21-.Ltmp9, $4  }
0x214: {  	[tilespmem:s16+$0x0] =	vst.add.f32.msk $0xffff, v3  }
0x215: {  	[tilespmem:s19+$0x0] =	vst.add.f32.msk $0xffff, v4  }
0x216: {  	[tilespmem:s20+$0x0] =	vst.add.f32.msk $0xffff, v5  }
0x217: {  	s5 =	sadd.s32 $0x200, s5;
	[tilespmem:s22+$0x0] =	vst.add.f32.msk $0xffff, v6  }
0x218: {  	[tilespmem:s13+$0x0] =	vst.add.f32.msk $0xffff, v2  }
0x219: {  	[tilespmem:s10+$0x0] =	vst.add.f32.msk $0xffff, v1  }
0x21a: {  	[tilespmem:s23+$0x0] =	vst.add.f32.msk $0xffff, v0;
	s0 =	sadd.s32 s3, s25;
	s2 =	simm.s32 $0xC000  }
0x21b: {  	[hbm4b:s0+s8] =	stream.strided.scatter [tilespmem:s2], [sflag:$0x7], $0x1000, s9, s8, $0x38;
	[tilespmem:$0x14000] =	vst v63  }
0x21c: {  	s0 =	simm.s32 $0x0  }
0x21d: {  	s22 =	sand.u32 $0xE00, s0;
	s5 =	sand.u32 $0x180, s0  }
0x21e: {  	s2 =	sor.u32 s5, s22  }
0x21f: {  	v3 =	vld [tilespmem:s2+$0xA000]  }
0x220: {  	v4 =	vld [tilespmem:s2+$0xA010]  }
0x221: {  	s4 =	sor.u32 s22, s0;
	v5 =	vld [tilespmem:s2+$0xA020]  }
0x222: {  	s4 =	sor.u32 $0x70, s4;
	v6 =	vld [tilespmem:s2+$0xA030]  }
0x223: {  	v0 =	vld [tilespmem:s4+$0xA000]  }
0x224: {  	v2 =	vld [tilespmem:s2+$0xA040]  }
0x225: {  	v1 =	vld [tilespmem:s2+$0xA050];
	s23 =	sor.u32 $0xD000, s2  }
0x226: {  	s5 =	sor.u32 $0xD010, s2;
	[tilespmem:s23+$0x0] =	vst.add.f32.msk $0xffff, v3  }
0x227: {  	[tilespmem:s5+$0x0] =	vst.add.f32.msk $0xffff, v4  }
0x228: {  	[tilespmem:s4+$0xD000] =	vst.add.f32.msk $0xffff, v0  }
0x229: {  	s25 =	sor.u32 $0xD020, s2;
	v0 =	vld [tilespmem:s2+$0xA060]  }
0x22a: {  	s28 =	sor.u32 $0xD030, s2;
	s13 =	sor.u32 $0xD040, s2;
	s10 =	sor.u32 $0xD050, s2;
	[tilespmem:s25+$0x0] =	vst.add.f32.msk $0xffff, v5  }
0x22b: {  	s23 =	sor.u32 $0xD060, s2;
	[tilespmem:s28+$0x0] =	vst.add.f32.msk $0xffff, v6;
	s5 =	simm.s32 $0x200;
	s4 =	simm.s32 $0x0  }
.LBB2_23:
0x22c: {  	s2 =	sand.u32 $0xE00, s5;
	s4 =	sadd.s32 $0x8, s4;
	[tilespmem:s13+$0x0] =	vst.add.f32.msk $0xffff, v2;
	s0 =	sadd.s32 $0x10, s0  }
0x22d: {  	s13 =	sand.u32 $0x180, s0;
	s14 =	sor.u32 s2, s0;
	p1 =	slt.u32 s4, $0xF8;
	[tilespmem:s10+$0x0] =	vst.add.f32.msk $0xffff, v1  }
0x22e: {  	s2 =	sor.u32 s13, s2;
	s14 =	sor.u32 $0x70, s14;
	[tilespmem:s23+$0x0] =	vst.add.f32.msk $0xffff, v0  }
0x22f: {  	s16 =	sor.u32 $0xD000, s2;
	s19 =	sor.u32 $0xD010, s2;
	s20 =	sor.u32 $0xD020, s2;
	v0 =	vld [tilespmem:s14+$0xA000]  }
0x230: {  	s22 =	sor.u32 $0xD030, s2;
	s13 =	sor.u32 $0xD040, s2;
	s10 =	sor.u32 $0xD050, s2;
	v3 =	vld [tilespmem:s2+$0xA000]  }
0x231: {  	s23 =	sor.u32 $0xD060, s2;
	v4 =	vld [tilespmem:s2+$0xA010]  }
0x232: {  	v5 =	vld [tilespmem:s2+$0xA020]  }
0x233: {  	v6 =	vld [tilespmem:s2+$0xA030]  }
0x234: {  	[tilespmem:s14+$0xD000] =	vst.add.f32.msk $0xffff, v0  }
0x235: {  	v2 =	vld [tilespmem:s2+$0xA040]  }
0x236: {  	v1 =	vld [tilespmem:s2+$0xA050]  }
.Ltmp10:
0x237: {  	v0 =	vld [tilespmem:s2+$0xA060];
	(pc) =	sbr.rel @p1 .LBB2_23-.Ltmp10, $4  }
0x238: {  	[tilespmem:s16+$0x0] =	vst.add.f32.msk $0xffff, v3  }
0x239: {  	[tilespmem:s19+$0x0] =	vst.add.f32.msk $0xffff, v4  }
0x23a: {  	[tilespmem:s20+$0x0] =	vst.add.f32.msk $0xffff, v5  }
0x23b: {  	s5 =	sadd.s32 $0x200, s5;
	[tilespmem:s22+$0x0] =	vst.add.f32.msk $0xffff, v6  }
0x23c: {  	[tilespmem:s13+$0x0] =	vst.add.f32.msk $0xffff, v2  }
0x23d: {  	[tilespmem:s10+$0x0] =	vst.add.f32.msk $0xffff, v1  }
0x23e: {  	[tilespmem:s23+$0x0] =	vst.add.f32.msk $0xffff, v0;
	s0 =	sadd.s32 s3, s21;
	s23 =	simm.s32 $0xD000  }
0x23f: {  	[hbm4b:s0+s8] =	stream.strided.scatter [tilespmem:s23], [sflag:$0x7], $0x1000, s9, s8, $0x38;
	[tilespmem:$0x14000] =	vst v63  }
0x240: {  	s0 =	simm.s32 $0x0  }
0x241: {  	s2 =	sand.u32 $0xE00, s0;
	s5 =	sand.u32 $0x180, s0  }
0x242: {  	s4 =	sor.u32 s2, s0;
	s2 =	sor.u32 s5, s2  }
0x243: {  	v3 =	vld [tilespmem:s2+$0xA000]  }
0x244: {  	v4 =	vld [tilespmem:s2+$0xA010]  }
0x245: {  	v5 =	vld [tilespmem:s2+$0xA020]  }
0x246: {  	s4 =	sor.u32 $0x70, s4;
	v6 =	vld [tilespmem:s2+$0xA030]  }
0x247: {  	v0 =	vld [tilespmem:s4+$0xA000]  }
0x248: {  	v2 =	vld [tilespmem:s2+$0xA040]  }
0x249: {  	v1 =	vld [tilespmem:s2+$0xA050];
	s22 =	sor.u32 $0xE000, s2  }
0x24a: {  	s5 =	sor.u32 $0xE010, s2;
	[tilespmem:s22+$0x0] =	vst.add.f32.msk $0xffff, v3  }
0x24b: {  	[tilespmem:s5+$0x0] =	vst.add.f32.msk $0xffff, v4  }
0x24c: {  	[tilespmem:s4+$0xE000] =	vst.add.f32.msk $0xffff, v0  }
0x24d: {  	s25 =	sor.u32 $0xE020, s2;
	v0 =	vld [tilespmem:s2+$0xA060]  }
0x24e: {  	s28 =	sor.u32 $0xE030, s2;
	s13 =	sor.u32 $0xE040, s2;
	s10 =	sor.u32 $0xE050, s2;
	[tilespmem:s25+$0x0] =	vst.add.f32.msk $0xffff, v5  }
0x24f: {  	s21 =	sor.u32 $0xE060, s2;
	[tilespmem:s28+$0x0] =	vst.add.f32.msk $0xffff, v6;
	s5 =	simm.s32 $0x200;
	s4 =	simm.s32 $0x0  }
.LBB2_25:
0x250: {  	s2 =	sand.u32 $0xE00, s5;
	s4 =	sadd.s32 $0x8, s4;
	[tilespmem:s13+$0x0] =	vst.add.f32.msk $0xffff, v2;
	s0 =	sadd.s32 $0x10, s0  }
0x251: {  	s13 =	sand.u32 $0x180, s0;
	s14 =	sor.u32 s2, s0;
	p1 =	slt.u32 s4, $0xF8;
	[tilespmem:s10+$0x0] =	vst.add.f32.msk $0xffff, v1  }
0x252: {  	s2 =	sor.u32 s13, s2;
	s14 =	sor.u32 $0x70, s14;
	[tilespmem:s21+$0x0] =	vst.add.f32.msk $0xffff, v0  }
0x253: {  	s16 =	sor.u32 $0xE000, s2;
	s19 =	sor.u32 $0xE010, s2;
	s20 =	sor.u32 $0xE020, s2;
	v0 =	vld [tilespmem:s14+$0xA000]  }
0x254: {  	s22 =	sor.u32 $0xE030, s2;
	s13 =	sor.u32 $0xE040, s2;
	s10 =	sor.u32 $0xE050, s2;
	v3 =	vld [tilespmem:s2+$0xA000]  }
0x255: {  	s21 =	sor.u32 $0xE060, s2;
	v4 =	vld [tilespmem:s2+$0xA010]  }
0x256: {  	v5 =	vld [tilespmem:s2+$0xA020]  }
0x257: {  	v6 =	vld [tilespmem:s2+$0xA030]  }
0x258: {  	[tilespmem:s14+$0xE000] =	vst.add.f32.msk $0xffff, v0  }
0x259: {  	v2 =	vld [tilespmem:s2+$0xA040]  }
0x25a: {  	v1 =	vld [tilespmem:s2+$0xA050]  }
.Ltmp11:
0x25b: {  	v0 =	vld [tilespmem:s2+$0xA060];
	(pc) =	sbr.rel @p1 .LBB2_25-.Ltmp11, $4  }
0x25c: {  	[tilespmem:s16+$0x0] =	vst.add.f32.msk $0xffff, v3  }
0x25d: {  	[tilespmem:s19+$0x0] =	vst.add.f32.msk $0xffff, v4  }
0x25e: {  	[tilespmem:s20+$0x0] =	vst.add.f32.msk $0xffff, v5  }
0x25f: {  	s5 =	sadd.s32 $0x200, s5;
	[tilespmem:s22+$0x0] =	vst.add.f32.msk $0xffff, v6  }
0x260: {  	[tilespmem:s13+$0x0] =	vst.add.f32.msk $0xffff, v2  }
0x261: {  	[tilespmem:s10+$0x0] =	vst.add.f32.msk $0xffff, v1  }
0x262: {  	[tilespmem:s21+$0x0] =	vst.add.f32.msk $0xffff, v0  }
0x263: {  	s0 =	sld [smem:$0x7FC];
	_ =	sdelay $0x2  }
0x264: {  	s2 =	simm.s32 $0xE000;
	s0 =	sadd.s32 s3, s0  }
0x265: {  	[hbm4b:s0+s8] =	stream.strided.scatter [tilespmem:s2], [sflag:$0x7], $0x1000, s9, s8, $0x38;
	[tilespmem:$0x14000] =	vst v63  }
0x266: {  	s0 =	simm.s32 @!p0 $0x6  }
0x267: {  	_ =	swait.ge @!p0 [sflag:s0], $0x1000  }
0x268: {  	[sflag:s0] =	ssyncset.done @!p0 $0x0  }
0x269: {  	[sflag:s0] =	ssyncadd.s32 @!p0 $0xFFFFF000  }
0x26a: {  	_ =	swait.ge @!p0 [sflag:s0], $0x1000  }
0x26b: {  	[sflag:s0] =	ssyncset.done @!p0 $0x0  }
0x26c: {  	[sflag:s0] =	ssyncadd.s32 @!p0 $0xFFFFF000  }
0x26d: {  	_ =	swait.ge @!p0 [sflag:s0], $0x1000  }
0x26e: {  	[sflag:s0] =	ssyncset.done @!p0 $0x0  }
0x26f: {  	[sflag:s0] =	ssyncadd.s32 @!p0 $0xFFFFF000  }
0x270: {  	s5 =	simm.s32 @!p0 $0x200;
	s2 =	sand.u32 @!p0 $0x1FF800, s30;
	_ =	swait.ge @!p0 [sflag:s0], $0x1000  }
0x271: {  	s10 =	simm.s32 @!p0 $0x400;
	s4 =	sor.u32 @!p0 $0x40, s2;
	[sflag:s0] =	ssyncset.done @!p0 $0x0  }
0x272: {  	s13 =	simm.s32 @!p0 $0x5000;
	[sflag:s0] =	ssyncadd.s32 @!p0 $0xFFFFF000;
	s0 =	sadd.s32 @!p0 s17, s4  }
0x273: {  	[tilespmem:s13], [sflag:$0x2] =	stream.strided.gather @!p0 [hbm4b:s0+s5], $0x1000, s10, s5, $0x38;
	[tilespmem:$0x14000] =	vst v63  }
0x274: {  	s0 =	sadd.s32 @!p0 s1, s4;
	s4 =	simm.s32 @!p0 $0x6000  }
0x275: {  	[tilespmem:s4], [sflag:$0x2] =	stream.strided.gather @!p0 [hbm4b:s0+s5], $0x1000, s10, s5, $0x38;
	[tilespmem:$0x14000] =	vst v63  }
0x276: {  	s0 =	rddreg [dreg:$0xf]  }
0x277: {  	s4 =	simm.s32 @!p0 $0x7000;
	s0 =	sadd.s32 @!p0 s2, s0  }
0x278: {  	[tilespmem:s4], [sflag:$0x2] =	stream.strided.gather @!p0 [hbm4b:s0+s5], $0x1000, s10, s5, $0x38;
	[tilespmem:$0x14000] =	vst v63  }
0x279: {  	s0 =	rddreg [dreg:$0x10]  }
0x27a: {  	s4 =	simm.s32 @!p0 $0x8000;
	s0 =	sadd.s32 @!p0 s2, s0  }
0x27b: {  	[tilespmem:s4], [sflag:$0x2] =	stream.strided.gather @!p0 [hbm4b:s0+s5], $0x1000, s10, s5, $0x38;
	[tilespmem:$0x14000] =	vst v63  }
0x27c: {  	s0 =	rddreg [dreg:$0x13]  }
0x27d: {  	s0 =	sadd.s32 @!p0 s2, s0;
	s2 =	simm.s32 @!p0 $0x9000  }
0x27e: {  	[tilespmem:s2], [sflag:$0x2] =	stream.strided.gather @!p0 [hbm4b:s0+s5], $0x1000, s10, s5, $0x38;
	[tilespmem:$0x14000] =	vst v63  }
0x27f: {  	_ =	swait.ge [sflag:s11], $0x1000  }
0x280: {  	[sflag:s11] =	ssyncset.done $0x0  }
0x281: {  	[sflag:s11] =	ssyncadd.s32 $0xFFFFF000  }
0x282: {  	_ =	swait.ge [sflag:s11], $0x1000  }
0x283: {  	[sflag:s11] =	ssyncset.done $0x0  }
0x284: {  	[sflag:s11] =	ssyncadd.s32 $0xFFFFF000  }
0x285: {  	_ =	swait.ge [sflag:s11], $0x1000  }
0x286: {  	[sflag:s11] =	ssyncset.done $0x0  }
0x287: {  	[sflag:s11] =	ssyncadd.s32 $0xFFFFF000  }
0x288: {  	_ =	swait.ge [sflag:s11], $0x1000  }
0x289: {  	[sflag:s11] =	ssyncset.done $0x0  }
0x28a: {  	s0 =	simm.s32 $0x0;
	[sflag:s11] =	ssyncadd.s32 $0xFFFFF000  }
0x28b: {  	s19 =	sand.u32 $0xE00, s0;
	_ =	swait.ge [sflag:s11], $0x1000  }
0x28c: {  	s20 =	sor.u32 s19, s0;
	[sflag:s11] =	ssyncset.done $0x0  }
0x28d: {  	s21 =	sand.u32 $0x180, s0;
	s4 =	sor.u32 $0x70, s20;
	[sflag:s11] =	ssyncadd.s32 $0xFFFFF000  }
0x28e: {  	s2 =	sor.u32 s21, s19;
	v0 =	vld [tilespmem:s4+$0xF000]  }
0x28f: {  	v3 =	vld [tilespmem:s2+$0xF000]  }
0x290: {  	v4 =	vld [tilespmem:s2+$0xF010]  }
0x291: {  	v5 =	vld [tilespmem:s2+$0xF020]  }
0x292: {  	v6 =	vld [tilespmem:s2+$0xF030]  }
0x293: {  	v2 =	vld [tilespmem:s2+$0xF040]  }
0x294: {  	v1 =	vld [tilespmem:s2+$0xF050]  }
0x295: {  	[tilespmem:s4+$0x10000] =	vst.add.f32.msk $0xffff, v0  }
0x296: {  	s25 =	sor.u32 $0x10000, s2;
	v0 =	vld [tilespmem:s2+$0xF060]  }
0x297: {  	s5 =	sor.u32 $0x10010, s2;
	[tilespmem:s25+$0x0] =	vst.add.f32.msk $0xffff, v3  }
0x298: {  	s22 =	smov.u32 s17;
	s28 =	sor.u32 $0x10020, s2;
	[tilespmem:s5+$0x0] =	vst.add.f32.msk $0xffff, v4  }
0x299: {  	s30 =	sor.u32 $0x10030, s2;
	s13 =	sor.u32 $0x10040, s2;
	s10 =	sor.u32 $0x10050, s2;
	[tilespmem:s28+$0x0] =	vst.add.f32.msk $0xffff, v5  }
0x29a: {  	s17 =	sor.u32 $0x10060, s2;
	s4 =	simm.s32 $0x0;
	[tilespmem:s30+$0x0] =	vst.add.f32.msk $0xffff, v6;
	s5 =	simm.s32 $0x200  }
.LBB2_27:
0x29b: {  	s2 =	sand.u32 $0xE00, s5;
	s4 =	sadd.s32 $0x8, s4;
	[tilespmem:s13+$0x0] =	vst.add.f32.msk $0xffff, v2;
	s0 =	sadd.s32 $0x10, s0  }
0x29c: {  	s13 =	sand.u32 $0x180, s0;
	s14 =	sor.u32 s2, s0;
	p0 =	slt.u32 s4, $0xF8;
	[tilespmem:s10+$0x0] =	vst.add.f32.msk $0xffff, v1  }
0x29d: {  	s2 =	sor.u32 s13, s2;
	s14 =	sor.u32 $0x70, s14;
	[tilespmem:s17+$0x0] =	vst.add.f32.msk $0xffff, v0  }
0x29e: {  	s16 =	sor.u32 $0x10000, s2;
	s19 =	sor.u32 $0x10010, s2;
	s20 =	sor.u32 $0x10020, s2;
	v0 =	vld [tilespmem:s14+$0xF000]  }
0x29f: {  	s21 =	sor.u32 $0x10030, s2;
	s13 =	sor.u32 $0x10040, s2;
	s10 =	sor.u32 $0x10050, s2;
	v3 =	vld [tilespmem:s2+$0xF000]  }
0x2a0: {  	s17 =	sor.u32 $0x10060, s2;
	v4 =	vld [tilespmem:s2+$0xF010]  }
0x2a1: {  	v5 =	vld [tilespmem:s2+$0xF020]  }
0x2a2: {  	v6 =	vld [tilespmem:s2+$0xF030]  }
0x2a3: {  	[tilespmem:s14+$0x10000] =	vst.add.f32.msk $0xffff, v0  }
0x2a4: {  	v2 =	vld [tilespmem:s2+$0xF040]  }
0x2a5: {  	v1 =	vld [tilespmem:s2+$0xF050]  }
.Ltmp12:
0x2a6: {  	v0 =	vld [tilespmem:s2+$0xF060];
	(pc) =	sbr.rel @p0 .LBB2_27-.Ltmp12, $4  }
0x2a7: {  	[tilespmem:s16+$0x0] =	vst.add.f32.msk $0xffff, v3  }
0x2a8: {  	[tilespmem:s19+$0x0] =	vst.add.f32.msk $0xffff, v4  }
0x2a9: {  	[tilespmem:s20+$0x0] =	vst.add.f32.msk $0xffff, v5  }
0x2aa: {  	s5 =	sadd.s32 $0x200, s5;
	[tilespmem:s21+$0x0] =	vst.add.f32.msk $0xffff, v6  }
0x2ab: {  	[tilespmem:s13+$0x0] =	vst.add.f32.msk $0xffff, v2  }
0x2ac: {  	[tilespmem:s10+$0x0] =	vst.add.f32.msk $0xffff, v1  }
0x2ad: {  	[tilespmem:s17+$0x0] =	vst.add.f32.msk $0xffff, v0;
	s0 =	sadd.s32 s3, s29;
	s2 =	simm.s32 $0x10000  }
0x2ae: {  	[hbm4b:s0+s8] =	stream.strided.scatter [tilespmem:s2], [sflag:$0x8], $0x1000, s9, s8, $0x38;
	[tilespmem:$0x14000] =	vst v63  }
0x2af: {  	s0 =	simm.s32 $0x0  }
0x2b0: {  	s25 =	sand.u32 $0xE00, s0;
	s5 =	sand.u32 $0x180, s0  }
0x2b1: {  	s2 =	sor.u32 s5, s25  }
0x2b2: {  	v3 =	vld [tilespmem:s2+$0xF000]  }
0x2b3: {  	v4 =	vld [tilespmem:s2+$0xF010]  }
0x2b4: {  	s4 =	sor.u32 s25, s0;
	v5 =	vld [tilespmem:s2+$0xF020]  }
0x2b5: {  	s4 =	sor.u32 $0x70, s4;
	v6 =	vld [tilespmem:s2+$0xF030]  }
0x2b6: {  	v0 =	vld [tilespmem:s4+$0xF000]  }
0x2b7: {  	v2 =	vld [tilespmem:s2+$0xF040]  }
0x2b8: {  	v1 =	vld [tilespmem:s2+$0xF050];
	s28 =	sor.u32 $0x11000, s2  }
0x2b9: {  	s5 =	sor.u32 $0x11010, s2;
	[tilespmem:s28+$0x0] =	vst.add.f32.msk $0xffff, v3  }
0x2ba: {  	[tilespmem:s5+$0x0] =	vst.add.f32.msk $0xffff, v4  }
0x2bb: {  	[tilespmem:s4+$0x11000] =	vst.add.f32.msk $0xffff, v0  }
0x2bc: {  	s29 =	sor.u32 $0x11020, s2;
	v0 =	vld [tilespmem:s2+$0xF060]  }
0x2bd: {  	s30 =	sor.u32 $0x11030, s2;
	s13 =	sor.u32 $0x11040, s2;
	s10 =	sor.u32 $0x11050, s2;
	[tilespmem:s29+$0x0] =	vst.add.f32.msk $0xffff, v5  }
0x2be: {  	s17 =	sor.u32 $0x11060, s2;
	[tilespmem:s30+$0x0] =	vst.add.f32.msk $0xffff, v6;
	s5 =	simm.s32 $0x200;
	s4 =	simm.s32 $0x0  }
.LBB2_29:
0x2bf: {  	s2 =	sand.u32 $0xE00, s5;
	s4 =	sadd.s32 $0x8, s4;
	[tilespmem:s13+$0x0] =	vst.add.f32.msk $0xffff, v2;
	s0 =	sadd.s32 $0x10, s0  }
0x2c0: {  	s13 =	sand.u32 $0x180, s0;
	s14 =	sor.u32 s2, s0;
	p0 =	slt.u32 s4, $0xF8;
	[tilespmem:s10+$0x0] =	vst.add.f32.msk $0xffff, v1  }
0x2c1: {  	s2 =	sor.u32 s13, s2;
	s14 =	sor.u32 $0x70, s14;
	[tilespmem:s17+$0x0] =	vst.add.f32.msk $0xffff, v0  }
0x2c2: {  	s16 =	sor.u32 $0x11000, s2;
	s19 =	sor.u32 $0x11010, s2;
	s20 =	sor.u32 $0x11020, s2;
	v0 =	vld [tilespmem:s14+$0xF000]  }
0x2c3: {  	s21 =	sor.u32 $0x11030, s2;
	s13 =	sor.u32 $0x11040, s2;
	s10 =	sor.u32 $0x11050, s2;
	v3 =	vld [tilespmem:s2+$0xF000]  }
0x2c4: {  	s17 =	sor.u32 $0x11060, s2;
	v4 =	vld [tilespmem:s2+$0xF010]  }
0x2c5: {  	v5 =	vld [tilespmem:s2+$0xF020]  }
0x2c6: {  	v6 =	vld [tilespmem:s2+$0xF030]  }
0x2c7: {  	[tilespmem:s14+$0x11000] =	vst.add.f32.msk $0xffff, v0  }
0x2c8: {  	v2 =	vld [tilespmem:s2+$0xF040]  }
0x2c9: {  	v1 =	vld [tilespmem:s2+$0xF050]  }
.Ltmp13:
0x2ca: {  	v0 =	vld [tilespmem:s2+$0xF060];
	(pc) =	sbr.rel @p0 .LBB2_29-.Ltmp13, $4  }
0x2cb: {  	[tilespmem:s16+$0x0] =	vst.add.f32.msk $0xffff, v3  }
0x2cc: {  	[tilespmem:s19+$0x0] =	vst.add.f32.msk $0xffff, v4  }
0x2cd: {  	[tilespmem:s20+$0x0] =	vst.add.f32.msk $0xffff, v5  }
0x2ce: {  	s5 =	sadd.s32 $0x200, s5;
	[tilespmem:s21+$0x0] =	vst.add.f32.msk $0xffff, v6  }
0x2cf: {  	[tilespmem:s13+$0x0] =	vst.add.f32.msk $0xffff, v2  }
0x2d0: {  	[tilespmem:s10+$0x0] =	vst.add.f32.msk $0xffff, v1  }
0x2d1: {  	[tilespmem:s17+$0x0] =	vst.add.f32.msk $0xffff, v0;
	s0 =	sadd.s32 s3, s26;
	s2 =	simm.s32 $0x11000  }
0x2d2: {  	[hbm4b:s0+s8] =	stream.strided.scatter [tilespmem:s2], [sflag:$0x8], $0x1000, s9, s8, $0x38;
	[tilespmem:$0x14000] =	vst v63  }
0x2d3: {  	s0 =	simm.s32 $0x0  }
0x2d4: {  	s26 =	sand.u32 $0xE00, s0;
	s5 =	sand.u32 $0x180, s0  }
0x2d5: {  	s2 =	sor.u32 s5, s26  }
0x2d6: {  	v3 =	vld [tilespmem:s2+$0xF000]  }
0x2d7: {  	v4 =	vld [tilespmem:s2+$0xF010]  }
0x2d8: {  	s4 =	sor.u32 s26, s0;
	v5 =	vld [tilespmem:s2+$0xF020]  }
0x2d9: {  	s4 =	sor.u32 $0x70, s4;
	v6 =	vld [tilespmem:s2+$0xF030]  }
0x2da: {  	v0 =	vld [tilespmem:s4+$0xF000]  }
0x2db: {  	v2 =	vld [tilespmem:s2+$0xF040]  }
0x2dc: {  	v1 =	vld [tilespmem:s2+$0xF050];
	s28 =	sor.u32 $0x12000, s2  }
0x2dd: {  	s5 =	sor.u32 $0x12010, s2;
	[tilespmem:s28+$0x0] =	vst.add.f32.msk $0xffff, v3  }
0x2de: {  	[tilespmem:s5+$0x0] =	vst.add.f32.msk $0xffff, v4  }
0x2df: {  	[tilespmem:s4+$0x12000] =	vst.add.f32.msk $0xffff, v0  }
0x2e0: {  	s29 =	sor.u32 $0x12020, s2;
	v0 =	vld [tilespmem:s2+$0xF060]  }
0x2e1: {  	s30 =	sor.u32 $0x12030, s2;
	s13 =	sor.u32 $0x12040, s2;
	s10 =	sor.u32 $0x12050, s2;
	[tilespmem:s29+$0x0] =	vst.add.f32.msk $0xffff, v5  }
0x2e2: {  	s17 =	sor.u32 $0x12060, s2;
	[tilespmem:s30+$0x0] =	vst.add.f32.msk $0xffff, v6;
	s5 =	simm.s32 $0x200;
	s4 =	simm.s32 $0x0  }
.LBB2_31:
0x2e3: {  	s2 =	sand.u32 $0xE00, s5;
	s4 =	sadd.s32 $0x8, s4;
	[tilespmem:s13+$0x0] =	vst.add.f32.msk $0xffff, v2;
	s0 =	sadd.s32 $0x10, s0  }
0x2e4: {  	s13 =	sand.u32 $0x180, s0;
	s14 =	sor.u32 s2, s0;
	p0 =	slt.u32 s4, $0xF8;
	[tilespmem:s10+$0x0] =	vst.add.f32.msk $0xffff, v1  }
0x2e5: {  	s2 =	sor.u32 s13, s2;
	s14 =	sor.u32 $0x70, s14;
	[tilespmem:s17+$0x0] =	vst.add.f32.msk $0xffff, v0  }
0x2e6: {  	s16 =	sor.u32 $0x12000, s2;
	s19 =	sor.u32 $0x12010, s2;
	s20 =	sor.u32 $0x12020, s2;
	v0 =	vld [tilespmem:s14+$0xF000]  }
0x2e7: {  	s21 =	sor.u32 $0x12030, s2;
	s13 =	sor.u32 $0x12040, s2;
	s10 =	sor.u32 $0x12050, s2;
	v3 =	vld [tilespmem:s2+$0xF000]  }
0x2e8: {  	s17 =	sor.u32 $0x12060, s2;
	v4 =	vld [tilespmem:s2+$0xF010]  }
0x2e9: {  	v5 =	vld [tilespmem:s2+$0xF020]  }
0x2ea: {  	v6 =	vld [tilespmem:s2+$0xF030]  }
0x2eb: {  	[tilespmem:s14+$0x12000] =	vst.add.f32.msk $0xffff, v0  }
0x2ec: {  	v2 =	vld [tilespmem:s2+$0xF040]  }
0x2ed: {  	v1 =	vld [tilespmem:s2+$0xF050]  }
.Ltmp14:
0x2ee: {  	v0 =	vld [tilespmem:s2+$0xF060];
	(pc) =	sbr.rel @p0 .LBB2_31-.Ltmp14, $4  }
0x2ef: {  	[tilespmem:s16+$0x0] =	vst.add.f32.msk $0xffff, v3  }
0x2f0: {  	[tilespmem:s19+$0x0] =	vst.add.f32.msk $0xffff, v4  }
0x2f1: {  	[tilespmem:s20+$0x0] =	vst.add.f32.msk $0xffff, v5  }
0x2f2: {  	s5 =	sadd.s32 $0x200, s5;
	[tilespmem:s21+$0x0] =	vst.add.f32.msk $0xffff, v6  }
0x2f3: {  	[tilespmem:s13+$0x0] =	vst.add.f32.msk $0xffff, v2  }
0x2f4: {  	[tilespmem:s10+$0x0] =	vst.add.f32.msk $0xffff, v1  }
0x2f5: {  	[tilespmem:s17+$0x0] =	vst.add.f32.msk $0xffff, v0;
	s0 =	sadd.s32 s3, s24;
	s2 =	simm.s32 $0x12000  }
0x2f6: {  	[hbm4b:s0+s8] =	stream.strided.scatter [tilespmem:s2], [sflag:$0x8], $0x1000, s9, s8, $0x38;
	[tilespmem:$0x14000] =	vst v63  }
0x2f7: {  	s0 =	simm.s32 $0x0  }
0x2f8: {  	s26 =	sand.u32 $0xE00, s0;
	s5 =	sand.u32 $0x180, s0  }
0x2f9: {  	s2 =	sor.u32 s5, s26  }
0x2fa: {  	v3 =	vld [tilespmem:s2+$0xF000]  }
0x2fb: {  	v4 =	vld [tilespmem:s2+$0xF010]  }
0x2fc: {  	s4 =	sor.u32 s26, s0;
	v5 =	vld [tilespmem:s2+$0xF020]  }
0x2fd: {  	s4 =	sor.u32 $0x70, s4;
	v6 =	vld [tilespmem:s2+$0xF030]  }
0x2fe: {  	v0 =	vld [tilespmem:s4+$0xF000]  }
0x2ff: {  	v2 =	vld [tilespmem:s2+$0xF040]  }
0x300: {  	v1 =	vld [tilespmem:s2+$0xF050];
	s28 =	sor.u32 $0x13000, s2  }
0x301: {  	s5 =	sor.u32 $0x13010, s2;
	[tilespmem:s28+$0x0] =	vst.add.f32.msk $0xffff, v3  }
0x302: {  	[tilespmem:s5+$0x0] =	vst.add.f32.msk $0xffff, v4  }
0x303: {  	[tilespmem:s4+$0x13000] =	vst.add.f32.msk $0xffff, v0  }
0x304: {  	s29 =	sor.u32 $0x13020, s2;
	v0 =	vld [tilespmem:s2+$0xF060]  }
0x305: {  	s30 =	sor.u32 $0x13030, s2;
	s13 =	sor.u32 $0x13040, s2;
	s10 =	sor.u32 $0x13050, s2;
	[tilespmem:s29+$0x0] =	vst.add.f32.msk $0xffff, v5  }
0x306: {  	s17 =	sor.u32 $0x13060, s2;
	[tilespmem:s30+$0x0] =	vst.add.f32.msk $0xffff, v6;
	s5 =	simm.s32 $0x200;
	s4 =	simm.s32 $0x0  }
.LBB2_33:
0x307: {  	s2 =	sand.u32 $0xE00, s5;
	s4 =	sadd.s32 $0x8, s4;
	[tilespmem:s13+$0x0] =	vst.add.f32.msk $0xffff, v2;
	s0 =	sadd.s32 $0x10, s0  }
0x308: {  	s13 =	sand.u32 $0x180, s0;
	s14 =	sor.u32 s2, s0;
	p0 =	slt.u32 s4, $0xF8;
	[tilespmem:s10+$0x0] =	vst.add.f32.msk $0xffff, v1  }
0x309: {  	s2 =	sor.u32 s13, s2;
	s14 =	sor.u32 $0x70, s14;
	[tilespmem:s17+$0x0] =	vst.add.f32.msk $0xffff, v0  }
0x30a: {  	s16 =	sor.u32 $0x13000, s2;
	s19 =	sor.u32 $0x13010, s2;
	s20 =	sor.u32 $0x13020, s2;
	v0 =	vld [tilespmem:s14+$0xF000]  }
0x30b: {  	s21 =	sor.u32 $0x13030, s2;
	s13 =	sor.u32 $0x13040, s2;
	s10 =	sor.u32 $0x13050, s2;
	v3 =	vld [tilespmem:s2+$0xF000]  }
0x30c: {  	s17 =	sor.u32 $0x13060, s2;
	v4 =	vld [tilespmem:s2+$0xF010]  }
0x30d: {  	v5 =	vld [tilespmem:s2+$0xF020]  }
0x30e: {  	v6 =	vld [tilespmem:s2+$0xF030]  }
0x30f: {  	[tilespmem:s14+$0x13000] =	vst.add.f32.msk $0xffff, v0  }
0x310: {  	v2 =	vld [tilespmem:s2+$0xF040]  }
0x311: {  	v1 =	vld [tilespmem:s2+$0xF050]  }
.Ltmp15:
0x312: {  	v0 =	vld [tilespmem:s2+$0xF060];
	(pc) =	sbr.rel @p0 .LBB2_33-.Ltmp15, $4  }
0x313: {  	[tilespmem:s16+$0x0] =	vst.add.f32.msk $0xffff, v3  }
0x314: {  	[tilespmem:s19+$0x0] =	vst.add.f32.msk $0xffff, v4  }
0x315: {  	[tilespmem:s20+$0x0] =	vst.add.f32.msk $0xffff, v5  }
0x316: {  	s5 =	sadd.s32 $0x200, s5;
	[tilespmem:s21+$0x0] =	vst.add.f32.msk $0xffff, v6  }
0x317: {  	s12 =	sadd.s32 $0x1, s12  }
0x318: {  	p0 =	sne.s32 s12, $0x10  }
.Ltmp16:
0x319: {  	_ = 	snop;
	(pc) =	sbr.rel @p0 .LBB2_2-.Ltmp16, $4  }
0x31a: {  	[tilespmem:s13+$0x0] =	vst.add.f32.msk $0xffff, v2  }
0x31b: {  	[tilespmem:s10+$0x0] =	vst.add.f32.msk $0xffff, v1  }
0x31c: {  	[tilespmem:s17+$0x0] =	vst.add.f32.msk $0xffff, v0;
	s0 =	sadd.s32 s3, s18;
	s20 =	simm.s32 $0x13000  }
0x31d: {  	[hbm4b:s0+s8] =	stream.strided.scatter [tilespmem:s20], [sflag:$0x8], $0x1000, s9, s8, $0x38;
	[tilespmem:$0x14000] =	vst v63  }
0x31e: {  	s0 =	simm.s32 $0x5  }
0x31f: {  	_ =	swait.ge [sflag:s0], $0x1000  }
0x320: {  	[sflag:s0] =	ssyncset.done $0x0  }
0x321: {  	[sflag:s0] =	ssyncadd.s32 $0xFFFFF000  }
0x322: {  	_ =	swait.ge [sflag:s0], $0x1000  }
0x323: {  	[sflag:s0] =	ssyncset.done $0x0  }
0x324: {  	[sflag:s0] =	ssyncadd.s32 $0xFFFFF000  }
0x325: {  	_ =	swait.ge [sflag:s0], $0x1000  }
0x326: {  	[sflag:s0] =	ssyncset.done $0x0  }
0x327: {  	[sflag:s0] =	ssyncadd.s32 $0xFFFFF000  }
0x328: {  	_ =	swait.ge [sflag:s0], $0x1000  }
0x329: {  	[sflag:s0] =	ssyncset.done $0x0  }
0x32a: {  	s28 =	simm.s32 $0x6;
	[sflag:s0] =	ssyncadd.s32 $0xFFFFF000  }
0x32b: {  	_ =	swait.ge [sflag:s28], $0x1000  }
0x32c: {  	[sflag:s28] =	ssyncset.done $0x0  }
0x32d: {  	[sflag:s28] =	ssyncadd.s32 $0xFFFFF000  }
0x32e: {  	_ =	swait.ge [sflag:s28], $0x1000  }
0x32f: {  	[sflag:s28] =	ssyncset.done $0x0  }
0x330: {  	[sflag:s28] =	ssyncadd.s32 $0xFFFFF000  }
0x331: {  	_ =	swait.ge [sflag:s28], $0x1000  }
0x332: {  	[sflag:s28] =	ssyncset.done $0x0  }
0x333: {  	[sflag:s28] =	ssyncadd.s32 $0xFFFFF000  }
0x334: {  	_ =	swait.ge [sflag:s28], $0x1000  }
0x335: {  	[sflag:s28] =	ssyncset.done $0x0  }
0x336: {  	s29 =	simm.s32 $0x7;
	[sflag:s28] =	ssyncadd.s32 $0xFFFFF000  }
0x337: {  	_ =	swait.ge [sflag:s29], $0x1000  }
0x338: {  	[sflag:s29] =	ssyncset.done $0x0  }
0x339: {  	[sflag:s29] =	ssyncadd.s32 $0xFFFFF000  }
0x33a: {  	_ =	swait.ge [sflag:s29], $0x1000  }
0x33b: {  	[sflag:s29] =	ssyncset.done $0x0  }
0x33c: {  	[sflag:s29] =	ssyncadd.s32 $0xFFFFF000  }
0x33d: {  	_ =	swait.ge [sflag:s29], $0x1000  }
0x33e: {  	[sflag:s29] =	ssyncset.done $0x0  }
0x33f: {  	[sflag:s29] =	ssyncadd.s32 $0xFFFFF000  }
0x340: {  	_ =	swait.ge [sflag:s29], $0x1000  }
0x341: {  	[sflag:s29] =	ssyncset.done $0x0  }
0x342: {  	s2 =	simm.s32 $0x8;
	[sflag:s29] =	ssyncadd.s32 $0xFFFFF000  }
0x343: {  	_ =	swait.ge [sflag:s2], $0x1000  }
0x344: {  	[sflag:s2] =	ssyncset.done $0x0  }
0x345: {  	[sflag:s2] =	ssyncadd.s32 $0xFFFFF000  }
0x346: {  	_ =	swait.ge [sflag:s2], $0x1000  }
0x347: {  	[sflag:s2] =	ssyncset.done $0x0  }
0x348: {  	[sflag:s2] =	ssyncadd.s32 $0xFFFFF000  }
0x349: {  	_ =	swait.ge [sflag:s2], $0x1000  }
0x34a: {  	[sflag:s2] =	ssyncset.done $0x0  }
0x34b: {  	[sflag:s2] =	ssyncadd.s32 $0xFFFFF000  }
0x34c: {  	_ =	swait.ge [sflag:s2], $0x1000  }
0x34d: {  	s4 =	sld [smem:$0x7FD];
	_ =	sdelay $0x2  }
0x34e: {  	s30 =	rddreg [dreg:$0x15];
	s4 =	sadd.s32 $0x1, s4  }
0x34f: {  	p0 =	sne.s32 s4, s30  }
.Ltmp17:
0x350: {  	_ = 	snop;
	(pc) =	sbr.rel @p0 .LBB2_1-.Ltmp17, $3  }
0x351: {  	_ =	sdelay $0x1  }
0x352: {  	[sflag:s2] =	ssyncset.done $0x0  }
0x353: {  	[sflag:s2] =	ssyncadd.s32 $0xFFFFF000  }
0x354: {  	_ =	sfence.sel $0x180000  }
0x355: {  	[bflag:$0x0] =	sbarrier.arrive $0xFFFF  }
0x356: {  	_ =	strace $0x90000047  }
0x357: {  	s0 =	stileid.u32;
	[bflag:$0x2] =	sbarrier.arrive $0xFFFF  }
0x358: {  	p0 =	sne.s32 s0, $0x0;
	s0 =	rddreg [dreg:$0x3]  }
0x359: {  	s0 =	sadd.s32 @!p0 $0x100000, s0  }
0x35a: {  	[sflag:s0] =	ssyncadd.tile.s32 @!p0 $0x1;
	_ =	shalt  }
.Lfunc_end2:
_tile_overlayer_lowered:
.L_overlay_start_2:
0x35b: {  	(tag) =	ssettag $0x2  }
0x35c: {  	s0 =	rddreg [dreg:$0x0];
	s2 =	stileid.u32  }
0x35d: {  	s1 =	rddreg [dreg:$0x1];
	p0 =	sne.s32 s2, $0x0  }
0x35e: {  	s3 =	rddreg [dreg:$0x2];
	[bflag:$0x3] =	sbarrier.arrive $0xFFFF;
	s2 =	simm.s32 @!p0 $0x1C09  }
0x35f: {  	[timem:s3], [sflag:s2] =	dma.local @!p0 [hbm:s0], s1  }
0x360: {  	s0 =	simm.s32 @!p0 $0x9  }
0x361: {  	_ =	swait.ge @!p0 [sflag:s0], s1  }
0x362: {  	s1 =	ssub.s32 @!p0 $0x0, s1;
	[sflag:s0] =	ssyncset.done @!p0 $0x0  }
0x363: {  	[sflag:s0] =	ssyncadd.s32 @!p0 s1  }
0x364: {  	[bflag:$0x3] =	sbarrier.arrive $0xFFFF  }
0x365: {  	_ =	shalt  }

</sc_bundles>
